<compile_context>
chip_gen: v7x
topology: tpu7x:2x2x1
jax: 0.10.2.dev20260603
libtpu: 0.0.44.dev20260713+nightly
codegen_flags: <defaults>
</compile_context>

<pallas_src>
import functools

import jax
import jax.numpy as jnp
from jax import lax
from jax.experimental import pallas as pl
from jax.experimental.pallas import tpu as pltpu
from jax.experimental.pallas import tpu_sc as plsc

_EMB_DIM = 64
_FEAT_DIM = 128
_HID = 64
_BATCH = 16384

_NC = 2
_NS = 16
_NW = _NC * _NS
_B_PER_W = _BATCH // _NW
_DEPTH = 8


@functools.cache
def _make_sc_gather():
    @functools.partial(
        pl.kernel,
        mesh=plsc.VectorSubcoreMesh(core_axis_name="c", subcore_axis_name="s"),
        compiler_params=pltpu.CompilerParams(needs_layout_passes=False),
        out_type=jax.ShapeDtypeStruct((_BATCH * _EMB_DIM,), jnp.float32),
        scratch_types=[
            pltpu.VMEM((_B_PER_W + 16,), jnp.int32),
            pltpu.VMEM((_B_PER_W + 16,), jnp.int32),
            pltpu.VMEM((_DEPTH, _EMB_DIM, 128), jnp.float32),
            pltpu.VMEM((_B_PER_W * _EMB_DIM,), jnp.float32),
            pltpu.SemaphoreType.DMA((_DEPTH,)),
            pltpu.SemaphoreType.DMA,
        ],
    )
    def _sc_gather(tableT_hbm, w1_hbm, w2_hbm, out_hbm,
                   w1_v, w2_v, grp_v, rows_v, gsem, wsem):
        wid = lax.axis_index("s") * _NC + lax.axis_index("c")
        pltpu.sync_copy(w1_hbm.at[wid], w1_v)
        pltpu.sync_copy(w2_hbm.at[wid], w2_v)

        iota16 = lax.iota(jnp.int32, 16)

        def _fire(word1, slot):
            flag = (word1 >> 13) & 1

            @pl.when(flag == 1)
            def _():
                grp = word1 & 8191
                pltpu.async_copy(
                    tableT_hbm.at[pl.ds(0, _EMB_DIM),
                                  pl.ds(pl.multiple_of(grp * 128, 128), 128)],
                    grp_v.at[slot],
                    gsem.at[slot],
                )

        pre = w1_v[pl.ds(_B_PER_W, 16)]
        for t in range(_DEPTH - 1):
            _fire(pre[t], t)

        def _round(r, carry):
            vec1 = w1_v[pl.ds(r * _DEPTH, 16)]
            vec2 = w2_v[pl.ds(r * _DEPTH, 16)]
            for d in range(_DEPTH):
                k = r * _DEPTH + d
                w2c = vec2[d]
                slot = (w2c >> 7) & 7
                newgrp = (w2c >> 24) & 1

                @pl.when(newgrp == 1)
                def _():
                    pltpu.make_async_copy(
                        tableT_hbm.at[pl.ds(0, _EMB_DIM), pl.ds(0, 128)],
                        grp_v.at[slot],
                        gsem.at[slot],
                    ).wait()

                lane = jnp.broadcast_to(w2c & 127, (16,))
                slotv = jnp.broadcast_to(slot, (16,))
                dest = (w2c >> 10) & 16383
                for j in range(_EMB_DIM // 16):
                    col = plsc.load_gather(
                        grp_v, [slotv, iota16 + j * 16, lane]
                    )
                    rows_v[pl.ds(k * _EMB_DIM + j * 16, 16)] = col
                pltpu.async_copy(
                    rows_v.at[pl.ds(k * _EMB_DIM, _EMB_DIM)],
                    out_hbm.at[pl.ds(dest * _EMB_DIM, _EMB_DIM)],
                    wsem,
                )

                @pl.when(newgrp == 1)
                def _():
                    _fire(vec1[d], (slot + _DEPTH - 1) % _DEPTH)
            return carry

        lax.fori_loop(0, _B_PER_W // _DEPTH, _round, 0)

        def _drain(i, carry):
            pltpu.make_async_copy(
                rows_v.at[pl.ds(0, _EMB_DIM)],
                out_hbm.at[pl.ds(0, _EMB_DIM)],
                wsem,
            ).wait()
            return carry

        lax.fori_loop(0, _B_PER_W, _drain, 0, unroll=8)

    return _sc_gather


_BB = 1024


def _tc_body(feat_ref, w_ref, b_ref, emb_ref, out_ref):
    proj = lax.dot_general(
        feat_ref[...], w_ref[...],
        (((1,), (1,)), ((), ())),
        preferred_element_type=jnp.float32,
    )
    out_ref[:, :_HID] = proj + b_ref[...]
    out_ref[:, _HID:] = emb_ref[...]


def _pack_words(ids32):
    iota = lax.iota(jnp.int32, _BATCH)
    sids, order = lax.sort([ids32, iota], num_keys=1)
    grp = (sids >> 7).reshape(_NW, _B_PER_W)
    lane = (sids & 127).reshape(_NW, _B_PER_W)
    dest = order.reshape(_NW, _B_PER_W)
    first = jnp.concatenate(
        [jnp.ones((_NW, 1), jnp.bool_), grp[:, 1:] != grp[:, :-1]], axis=1
    )
    jl = jnp.cumsum(first.astype(jnp.int32), axis=1) - 1
    slot = jl % _DEPTH

    w2 = lane | (slot << 7) | (dest << 10) | (first.astype(jnp.int32) << 24)

    pos2d = jnp.broadcast_to(
        lax.iota(jnp.int32, _B_PER_W)[None, :], (_NW, _B_PER_W)
    )
    ckey = jnp.where(first, pos2d, pos2d + _B_PER_W)
    _, fgrp_by_idx = lax.sort([ckey, grp], dimension=1, num_keys=1)
    nuniq = jl[:, -1:] + 1

    ahead = jl + (_DEPTH - 1)
    agrp = jnp.take_along_axis(
        fgrp_by_idx, jnp.minimum(ahead, _B_PER_W - 1), axis=1
    )
    w1 = jnp.where(first & (ahead < nuniq), agrp | (1 << 13), 0)
    tpos = lax.iota(jnp.int32, 16)[None, :]
    pre = jnp.where(tpos < jnp.minimum(nuniq, _DEPTH - 1),
                    fgrp_by_idx[:, :16] | (1 << 13), 0)
    w1 = jnp.concatenate([w1, pre], axis=1)
    w2 = jnp.concatenate([w2, jnp.zeros((_NW, 16), jnp.int32)], axis=1)
    return w1, w2


def kernel(feat, id, W, b, table):
    ids = id.astype(jnp.int32)
    w1, w2 = _pack_words(ids)
    emb = _make_sc_gather()(table.T, w1, w2).reshape(_BATCH, _EMB_DIM)
    cbb = 2048
    out = pl.pallas_call(
        _tc_body,
        grid=(_BATCH // cbb,),
        in_specs=[
            pl.BlockSpec((cbb, _FEAT_DIM), lambda i: (i, 0)),
            pl.BlockSpec((_HID, _FEAT_DIM), lambda i: (0, 0)),
            pl.BlockSpec((1, _HID), lambda i: (0, 0)),
            pl.BlockSpec((cbb, _EMB_DIM), lambda i: (i, 0)),
        ],
        out_specs=pl.BlockSpec((cbb, _HID + _EMB_DIM), lambda i: (i, 0)),
        out_shape=jax.ShapeDtypeStruct((_BATCH, _HID + _EMB_DIM), jnp.float32),
    )(feat, W, b.reshape(1, _HID), emb)
    return out

# --- scband reference (transcript-rebuilt; emitter-appended) ---
"""Pipeline reference for scband-linear-projector-32564442038562 (READ-ONLY COPY).

The authoritative reference and input builder live on the scoring server;
editing this copy changes nothing except your own understanding.
"""

import jax, jax.numpy as jnp
import numpy as np

VOCAB = 1000000
EMB_DIM = 64
FEAT_DIM = 128
HID = 64
BATCH = 16384

def setup_inputs(seed: int = 0) -> dict:
    key = jax.random.key(seed)
    k1, k2, k3, k4 = jax.random.split(key, 4)
    feat = jax.random.normal(k1, (BATCH, FEAT_DIM), dtype=jnp.float32)
    ids = jax.random.randint(k2, (BATCH,), 0, VOCAB, dtype=jnp.int64)
    # nn.Linear(128, 64): xavier_uniform weight, zero bias
    limit_w = float(np.sqrt(6.0 / (FEAT_DIM + HID)))
    W = jax.random.uniform(k3, (HID, FEAT_DIM), minval=-limit_w, maxval=limit_w, dtype=jnp.float32)
    b = jnp.zeros((HID,), dtype=jnp.float32)
    # nn.Embedding(max+2, 64, padding_idx=-1): xavier_uniform, padding row zeroed
    limit_e = float(np.sqrt(6.0 / (VOCAB + 1 + EMB_DIM)))
    table = jax.random.uniform(k4, (VOCAB + 1, EMB_DIM), minval=-limit_e, maxval=limit_e, dtype=jnp.float32)
    table = table.at[-1].set(0.0)
    return {"feat": feat, "id": ids, "W": W, "b": b, "table": table}

def reference(feat, id, W, b, table):
    # LinearProjector.forward: iterate ndata features, project each, concat on last dim
    proj_feat = feat @ W.T + b                    # nn.Linear on float32 feature
    proj_id = jnp.take(table, id, axis=0)         # nn.Embedding lookup on int64 feature
    return jnp.concatenate([proj_feat, proj_id], axis=-1)

if __name__ == "__main__":
    import jax
    _d = setup_inputs()
    print(jax.jit(kernel)(*tuple(_d.values())))

</pallas_src>

<mosaic_0001>
#map = affine_map<(d0, d1) -> (0, 0)>
#map1 = affine_map<(d0, d1) -> (0)>
module attributes {stable_mosaic.version = 14 : i64} {
  func.func @_sc_gather(%arg0: i32, %arg1: i32, %arg2: memref<64x1000001xf32, #tpu.memory_space<hbm>>, %arg3: memref<32x528xi32, #tpu.memory_space<hbm>>, %arg4: memref<32x528xi32, #tpu.memory_space<hbm>>, %arg5: memref<1048576xf32, #tpu.memory_space<hbm>>, %arg6: memref<528xi32, #tpu.memory_space<vmem>>, %arg7: memref<528xi32, #tpu.memory_space<vmem>>, %arg8: memref<8x64x128xf32, #tpu.memory_space<vmem>>, %arg9: memref<32768xf32, #tpu.memory_space<vmem>>, %arg10: memref<8x!tpu.dma_semaphore, #tpu.memory_space<semaphore_mem>>, %arg11: memref<!tpu.dma_semaphore, #tpu.memory_space<semaphore_mem>>) attributes {dimension_semantics = [#tpu.dimension_semantics<core_parallel>, #tpu.dimension_semantics<subcore_parallel>], iteration_bounds = array<i64: 2, 16>, scalar_prefetch = 0 : i64, scratch_operands = 6 : i64, tpu.core_type = #tpu.core_type<sc_vector_subcore>, window_params = [{transform_indices = #map}, {transform_indices = #map}, {transform_indices = #map}, {transform_indices = #map1}]} {
    %mul3A = arith.constant 2 : i32
    %mul3A_0 = arith.muli %arg1, %mul3A : i32
    %add3A = arith.addi %mul3A_0, %arg0 : i32
    "tpu.region"() ({
      %run_scoped3A = tpu.sem_alloc : memref<!tpu.dma_semaphore, #tpu.memory_space<semaphore_mem>>
      %dma_start3A = arith.constant 0 : i32
      %dma_start3A_83 = tpu.memref_slice %arg3[%add3A, %dma_start3A] : memref<32x528xi32, #tpu.memory_space<hbm>> -> memref<1x528xi32, #tpu.memory_space<hbm>>
      %dma_start3A_84 = tpu.memref_squeeze %dma_start3A_83 : memref<1x528xi32, #tpu.memory_space<hbm>> -> memref<528xi32, #tpu.memory_space<hbm>>
      %dma_start3A_85 = arith.constant 0 : i32
      %dma_start3A_86 = tpu.memref_slice %arg3[%add3A, %dma_start3A_85] : memref<32x528xi32, #tpu.memory_space<hbm>> -> memref<1x528xi32, #tpu.memory_space<hbm>>
      %dma_start3A_87 = tpu.memref_squeeze %dma_start3A_86 : memref<1x528xi32, #tpu.memory_space<hbm>> -> memref<528xi32, #tpu.memory_space<hbm>>
      tpu.enqueue_dma source(%dma_start3A_87 : memref<528xi32, #tpu.memory_space<hbm>>) target(%arg6 : memref<528xi32, #tpu.memory_space<vmem>>) target_semaphore(%run_scoped3A : memref<!tpu.dma_semaphore, #tpu.memory_space<semaphore_mem>>)
      %dma_wait3A = arith.constant 0 : i32
      %dma_wait3A_88 = tpu.memref_slice %arg3[%add3A, %dma_wait3A] : memref<32x528xi32, #tpu.memory_space<hbm>> -> memref<1x528xi32, #tpu.memory_space<hbm>>
      %dma_wait3A_89 = tpu.memref_squeeze %dma_wait3A_88 : memref<1x528xi32, #tpu.memory_space<hbm>> -> memref<528xi32, #tpu.memory_space<hbm>>
      %dma_wait3A_90 = arith.constant 0 : i32
      %dma_wait3A_91 = tpu.memref_slice %arg3[%add3A, %dma_wait3A_90] : memref<32x528xi32, #tpu.memory_space<hbm>> -> memref<1x528xi32, #tpu.memory_space<hbm>>
      %dma_wait3A_92 = tpu.memref_squeeze %dma_wait3A_91 : memref<1x528xi32, #tpu.memory_space<hbm>> -> memref<528xi32, #tpu.memory_space<hbm>>
      tpu.wait_dma2 semaphore(%run_scoped3A : memref<!tpu.dma_semaphore, #tpu.memory_space<semaphore_mem>>) src(%dma_wait3A_92 : memref<528xi32, #tpu.memory_space<hbm>>) dst(%arg6 : memref<528xi32, #tpu.memory_space<vmem>>)
      tpu.yield
    }) : () -> ()
    "tpu.region"() ({
      %run_scoped3A = tpu.sem_alloc : memref<!tpu.dma_semaphore, #tpu.memory_space<semaphore_mem>>
      %dma_start3A = arith.constant 0 : i32
      %dma_start3A_83 = tpu.memref_slice %arg4[%add3A, %dma_start3A] : memref<32x528xi32, #tpu.memory_space<hbm>> -> memref<1x528xi32, #tpu.memory_space<hbm>>
      %dma_start3A_84 = tpu.memref_squeeze %dma_start3A_83 : memref<1x528xi32, #tpu.memory_space<hbm>> -> memref<528xi32, #tpu.memory_space<hbm>>
      %dma_start3A_85 = arith.constant 0 : i32
      %dma_start3A_86 = tpu.memref_slice %arg4[%add3A, %dma_start3A_85] : memref<32x528xi32, #tpu.memory_space<hbm>> -> memref<1x528xi32, #tpu.memory_space<hbm>>
      %dma_start3A_87 = tpu.memref_squeeze %dma_start3A_86 : memref<1x528xi32, #tpu.memory_space<hbm>> -> memref<528xi32, #tpu.memory_space<hbm>>
      tpu.enqueue_dma source(%dma_start3A_87 : memref<528xi32, #tpu.memory_space<hbm>>) target(%arg7 : memref<528xi32, #tpu.memory_space<vmem>>) target_semaphore(%run_scoped3A : memref<!tpu.dma_semaphore, #tpu.memory_space<semaphore_mem>>)
      %dma_wait3A = arith.constant 0 : i32
      %dma_wait3A_88 = tpu.memref_slice %arg4[%add3A, %dma_wait3A] : memref<32x528xi32, #tpu.memory_space<hbm>> -> memref<1x528xi32, #tpu.memory_space<hbm>>
      %dma_wait3A_89 = tpu.memref_squeeze %dma_wait3A_88 : memref<1x528xi32, #tpu.memory_space<hbm>> -> memref<528xi32, #tpu.memory_space<hbm>>
      %dma_wait3A_90 = arith.constant 0 : i32
      %dma_wait3A_91 = tpu.memref_slice %arg4[%add3A, %dma_wait3A_90] : memref<32x528xi32, #tpu.memory_space<hbm>> -> memref<1x528xi32, #tpu.memory_space<hbm>>
      %dma_wait3A_92 = tpu.memref_squeeze %dma_wait3A_91 : memref<1x528xi32, #tpu.memory_space<hbm>> -> memref<528xi32, #tpu.memory_space<hbm>>
      tpu.wait_dma2 semaphore(%run_scoped3A : memref<!tpu.dma_semaphore, #tpu.memory_space<semaphore_mem>>) src(%dma_wait3A_92 : memref<528xi32, #tpu.memory_space<hbm>>) dst(%arg7 : memref<528xi32, #tpu.memory_space<vmem>>)
      tpu.yield
    }) : () -> ()
    %iota3A = tpu.iota {dimensions = array<i32: 0>} : vector<16xi32>
    %get3A = arith.constant 512 : index
    %get3A_1 = tpu.vector_load %arg6[%get3A] {strides = array<i32>} : memref<528xi32, #tpu.memory_space<vmem>>, vector<16xi32>,
    %slice3A = vector.extract_strided_slice %get3A_1 {offsets = [0], sizes = [1], strides = [1]} : vector<16xi32> to vector<1xi32>
    %squeeze3A = vector.extract %slice3A[0] : i32 from vector<1xi32>
    %shift_right_arithmetic3A = arith.constant 13 : i32
    %shift_right_arithmetic3A_2 = arith.shrsi %squeeze3A, %shift_right_arithmetic3A : i32
    %and3A = arith.constant 1 : i32
    %and3A_3 = arith.andi %shift_right_arithmetic3A_2, %and3A : i32
    %eq3A = arith.constant 1 : i32
    %eq3A_4 = arith.cmpi eq, %and3A_3, %eq3A : i32
    %convert_element_type3A = arith.extui %eq3A_4 : i1 to i32
    %cond3A = arith.constant 0 : i32
    %cond3A_5 = arith.cmpi ne, %convert_element_type3A, %cond3A : i32
    scf.if %cond3A_5 {
      %and3A_83 = arith.constant 8191 : i32
      %and3A_84 = arith.andi %squeeze3A, %and3A_83 : i32
      %mul3A_85 = arith.constant 128 : i32
      %mul3A_86 = arith.muli %and3A_84, %mul3A_85 : i32
      %multiple_of3A = tpu.assume_multiple %mul3A_86, 128 : i32
      %dma_start3A = arith.constant 0 : i32
      %dma_start3A_87 = arith.constant 0 : i32
      %dma_start3A_88 = arith.constant 0 : i32
      %dma_start3A_89 = arith.constant 0 : i32
      %dma_start3A_90 = tpu.memref_slice %arg8[%dma_start3A, %dma_start3A_88, %dma_start3A_89] : memref<8x64x128xf32, #tpu.memory_space<vmem>> -> memref<1x64x128xf32, #tpu.memory_space<vmem>>
      %dma_start3A_91 = tpu.memref_squeeze %dma_start3A_90 : memref<1x64x128xf32, #tpu.memory_space<vmem>> -> memref<64x128xf32, #tpu.memory_space<vmem>>
      %dma_start3A_92 = arith.constant 0 : i32
      %dma_start3A_93 = tpu.memref_slice %arg2[%dma_start3A_92, %multiple_of3A] : memref<64x1000001xf32, #tpu.memory_space<hbm>> -> memref<64x128xf32, #tpu.memory_space<hbm>>
      %dma_start3A_94 = tpu.memref_slice %arg10[%dma_start3A_87] : memref<8x!tpu.dma_semaphore, #tpu.memory_space<semaphore_mem>> -> memref<1x!tpu.dma_semaphore, #tpu.memory_space<semaphore_mem>>
      %dma_start3A_95 = tpu.memref_squeeze %dma_start3A_94 : memref<1x!tpu.dma_semaphore, #tpu.memory_space<semaphore_mem>> -> memref<!tpu.dma_semaphore, #tpu.memory_space<semaphore_mem>>
      %dma_start3A_96 = arith.constant 0 : i32
      %dma_start3A_97 = arith.constant 0 : i32
      %dma_start3A_98 = tpu.memref_slice %arg8[%dma_start3A, %dma_start3A_96, %dma_start3A_97] : memref<8x64x128xf32, #tpu.memory_space<vmem>> -> memref<1x64x128xf32, #tpu.memory_space<vmem>>
      %dma_start3A_99 = tpu.memref_squeeze %dma_start3A_98 : memref<1x64x128xf32, #tpu.memory_space<vmem>> -> memref<64x128xf32, #tpu.memory_space<vmem>>
      %dma_start3A_100 = arith.constant 0 : i32
      %dma_start3A_101 = tpu.memref_slice %arg2[%dma_start3A_100, %multiple_of3A] : memref<64x1000001xf32, #tpu.memory_space<hbm>> -> memref<64x128xf32, #tpu.memory_space<hbm>>
      tpu.enqueue_dma source(%dma_start3A_101 : memref<64x128xf32, #tpu.memory_space<hbm>>) target(%dma_start3A_99 : memref<64x128xf32, #tpu.memory_space<vmem>>) target_semaphore(%dma_start3A_95 : memref<!tpu.dma_semaphore, #tpu.memory_space<semaphore_mem>>)
    } else {
    }
    %slice3A_6 = vector.extract_strided_slice %get3A_1 {offsets = [1], sizes = [1], strides = [1]} : vector<16xi32> to vector<1xi32>
    %squeeze3A_7 = vector.extract %slice3A_6[0] : i32 from vector<1xi32>
    %shift_right_arithmetic3A_8 = arith.constant 13 : i32
    %shift_right_arithmetic3A_9 = arith.shrsi %squeeze3A_7, %shift_right_arithmetic3A_8 : i32
    %and3A_10 = arith.constant 1 : i32
    %and3A_11 = arith.andi %shift_right_arithmetic3A_9, %and3A_10 : i32
    %eq3A_12 = arith.constant 1 : i32
    %eq3A_13 = arith.cmpi eq, %and3A_11, %eq3A_12 : i32
    %convert_element_type3A_14 = arith.extui %eq3A_13 : i1 to i32
    %cond3A_15 = arith.constant 0 : i32
    %cond3A_16 = arith.cmpi ne, %convert_element_type3A_14, %cond3A_15 : i32
    scf.if %cond3A_16 {
      %and3A_83 = arith.constant 8191 : i32
      %and3A_84 = arith.andi %squeeze3A_7, %and3A_83 : i32
      %mul3A_85 = arith.constant 128 : i32
      %mul3A_86 = arith.muli %and3A_84, %mul3A_85 : i32
      %multiple_of3A = tpu.assume_multiple %mul3A_86, 128 : i32
      %dma_start3A = arith.constant 1 : i32
      %dma_start3A_87 = arith.constant 1 : i32
      %dma_start3A_88 = arith.constant 0 : i32
      %dma_start3A_89 = arith.constant 0 : i32
      %dma_start3A_90 = tpu.memref_slice %arg8[%dma_start3A, %dma_start3A_88, %dma_start3A_89] : memref<8x64x128xf32, #tpu.memory_space<vmem>> -> memref<1x64x128xf32, #tpu.memory_space<vmem>>
      %dma_start3A_91 = tpu.memref_squeeze %dma_start3A_90 : memref<1x64x128xf32, #tpu.memory_space<vmem>> -> memref<64x128xf32, #tpu.memory_space<vmem>>
      %dma_start3A_92 = arith.constant 0 : i32
      %dma_start3A_93 = tpu.memref_slice %arg2[%dma_start3A_92, %multiple_of3A] : memref<64x1000001xf32, #tpu.memory_space<hbm>> -> memref<64x128xf32, #tpu.memory_space<hbm>>
      %dma_start3A_94 = tpu.memref_slice %arg10[%dma_start3A_87] : memref<8x!tpu.dma_semaphore, #tpu.memory_space<semaphore_mem>> -> memref<1x!tpu.dma_semaphore, #tpu.memory_space<semaphore_mem>>
      %dma_start3A_95 = tpu.memref_squeeze %dma_start3A_94 : memref<1x!tpu.dma_semaphore, #tpu.memory_space<semaphore_mem>> -> memref<!tpu.dma_semaphore, #tpu.memory_space<semaphore_mem>>
      %dma_start3A_96 = arith.constant 0 : i32
      %dma_start3A_97 = arith.constant 0 : i32
      %dma_start3A_98 = tpu.memref_slice %arg8[%dma_start3A, %dma_start3A_96, %dma_start3A_97] : memref<8x64x128xf32, #tpu.memory_space<vmem>> -> memref<1x64x128xf32, #tpu.memory_space<vmem>>
      %dma_start3A_99 = tpu.memref_squeeze %dma_start3A_98 : memref<1x64x128xf32, #tpu.memory_space<vmem>> -> memref<64x128xf32, #tpu.memory_space<vmem>>
      %dma_start3A_100 = arith.constant 0 : i32
      %dma_start3A_101 = tpu.memref_slice %arg2[%dma_start3A_100, %multiple_of3A] : memref<64x1000001xf32, #tpu.memory_space<hbm>> -> memref<64x128xf32, #tpu.memory_space<hbm>>
      tpu.enqueue_dma source(%dma_start3A_101 : memref<64x128xf32, #tpu.memory_space<hbm>>) target(%dma_start3A_99 : memref<64x128xf32, #tpu.memory_space<vmem>>) target_semaphore(%dma_start3A_95 : memref<!tpu.dma_semaphore, #tpu.memory_space<semaphore_mem>>)
    } else {
    }
    %slice3A_17 = vector.extract_strided_slice %get3A_1 {offsets = [2], sizes = [1], strides = [1]} : vector<16xi32> to vector<1xi32>
    %squeeze3A_18 = vector.extract %slice3A_17[0] : i32 from vector<1xi32>
    %shift_right_arithmetic3A_19 = arith.constant 13 : i32
    %shift_right_arithmetic3A_20 = arith.shrsi %squeeze3A_18, %shift_right_arithmetic3A_19 : i32
    %and3A_21 = arith.constant 1 : i32
    %and3A_22 = arith.andi %shift_right_arithmetic3A_20, %and3A_21 : i32
    %eq3A_23 = arith.constant 1 : i32
    %eq3A_24 = arith.cmpi eq, %and3A_22, %eq3A_23 : i32
    %convert_element_type3A_25 = arith.extui %eq3A_24 : i1 to i32
    %cond3A_26 = arith.constant 0 : i32
    %cond3A_27 = arith.cmpi ne, %convert_element_type3A_25, %cond3A_26 : i32
    scf.if %cond3A_27 {
      %and3A_83 = arith.constant 8191 : i32
      %and3A_84 = arith.andi %squeeze3A_18, %and3A_83 : i32
      %mul3A_85 = arith.constant 128 : i32
      %mul3A_86 = arith.muli %and3A_84, %mul3A_85 : i32
      %multiple_of3A = tpu.assume_multiple %mul3A_86, 128 : i32
      %dma_start3A = arith.constant 2 : i32
      %dma_start3A_87 = arith.constant 2 : i32
      %dma_start3A_88 = arith.constant 0 : i32
      %dma_start3A_89 = arith.constant 0 : i32
      %dma_start3A_90 = tpu.memref_slice %arg8[%dma_start3A, %dma_start3A_88, %dma_start3A_89] : memref<8x64x128xf32, #tpu.memory_space<vmem>> -> memref<1x64x128xf32, #tpu.memory_space<vmem>>
      %dma_start3A_91 = tpu.memref_squeeze %dma_start3A_90 : memref<1x64x128xf32, #tpu.memory_space<vmem>> -> memref<64x128xf32, #tpu.memory_space<vmem>>
      %dma_start3A_92 = arith.constant 0 : i32
      %dma_start3A_93 = tpu.memref_slice %arg2[%dma_start3A_92, %multiple_of3A] : memref<64x1000001xf32, #tpu.memory_space<hbm>> -> memref<64x128xf32, #tpu.memory_space<hbm>>
      %dma_start3A_94 = tpu.memref_slice %arg10[%dma_start3A_87] : memref<8x!tpu.dma_semaphore, #tpu.memory_space<semaphore_mem>> -> memref<1x!tpu.dma_semaphore, #tpu.memory_space<semaphore_mem>>
      %dma_start3A_95 = tpu.memref_squeeze %dma_start3A_94 : memref<1x!tpu.dma_semaphore, #tpu.memory_space<semaphore_mem>> -> memref<!tpu.dma_semaphore, #tpu.memory_space<semaphore_mem>>
      %dma_start3A_96 = arith.constant 0 : i32
      %dma_start3A_97 = arith.constant 0 : i32
      %dma_start3A_98 = tpu.memref_slice %arg8[%dma_start3A, %dma_start3A_96, %dma_start3A_97] : memref<8x64x128xf32, #tpu.memory_space<vmem>> -> memref<1x64x128xf32, #tpu.memory_space<vmem>>
      %dma_start3A_99 = tpu.memref_squeeze %dma_start3A_98 : memref<1x64x128xf32, #tpu.memory_space<vmem>> -> memref<64x128xf32, #tpu.memory_space<vmem>>
      %dma_start3A_100 = arith.constant 0 : i32
      %dma_start3A_101 = tpu.memref_slice %arg2[%dma_start3A_100, %multiple_of3A] : memref<64x1000001xf32, #tpu.memory_space<hbm>> -> memref<64x128xf32, #tpu.memory_space<hbm>>
      tpu.enqueue_dma source(%dma_start3A_101 : memref<64x128xf32, #tpu.memory_space<hbm>>) target(%dma_start3A_99 : memref<64x128xf32, #tpu.memory_space<vmem>>) target_semaphore(%dma_start3A_95 : memref<!tpu.dma_semaphore, #tpu.memory_space<semaphore_mem>>)
    } else {
    }
    %slice3A_28 = vector.extract_strided_slice %get3A_1 {offsets = [3], sizes = [1], strides = [1]} : vector<16xi32> to vector<1xi32>
    %squeeze3A_29 = vector.extract %slice3A_28[0] : i32 from vector<1xi32>
    %shift_right_arithmetic3A_30 = arith.constant 13 : i32
    %shift_right_arithmetic3A_31 = arith.shrsi %squeeze3A_29, %shift_right_arithmetic3A_30 : i32
    %and3A_32 = arith.constant 1 : i32
    %and3A_33 = arith.andi %shift_right_arithmetic3A_31, %and3A_32 : i32
    %eq3A_34 = arith.constant 1 : i32
    %eq3A_35 = arith.cmpi eq, %and3A_33, %eq3A_34 : i32
    %convert_element_type3A_36 = arith.extui %eq3A_35 : i1 to i32
    %cond3A_37 = arith.constant 0 : i32
    %cond3A_38 = arith.cmpi ne, %convert_element_type3A_36, %cond3A_37 : i32
    scf.if %cond3A_38 {
      %and3A_83 = arith.constant 8191 : i32
      %and3A_84 = arith.andi %squeeze3A_29, %and3A_83 : i32
      %mul3A_85 = arith.constant 128 : i32
      %mul3A_86 = arith.muli %and3A_84, %mul3A_85 : i32
      %multiple_of3A = tpu.assume_multiple %mul3A_86, 128 : i32
      %dma_start3A = arith.constant 3 : i32
      %dma_start3A_87 = arith.constant 3 : i32
      %dma_start3A_88 = arith.constant 0 : i32
      %dma_start3A_89 = arith.constant 0 : i32
      %dma_start3A_90 = tpu.memref_slice %arg8[%dma_start3A, %dma_start3A_88, %dma_start3A_89] : memref<8x64x128xf32, #tpu.memory_space<vmem>> -> memref<1x64x128xf32, #tpu.memory_space<vmem>>
      %dma_start3A_91 = tpu.memref_squeeze %dma_start3A_90 : memref<1x64x128xf32, #tpu.memory_space<vmem>> -> memref<64x128xf32, #tpu.memory_space<vmem>>
      %dma_start3A_92 = arith.constant 0 : i32
      %dma_start3A_93 = tpu.memref_slice %arg2[%dma_start3A_92, %multiple_of3A] : memref<64x1000001xf32, #tpu.memory_space<hbm>> -> memref<64x128xf32, #tpu.memory_space<hbm>>
      %dma_start3A_94 = tpu.memref_slice %arg10[%dma_start3A_87] : memref<8x!tpu.dma_semaphore, #tpu.memory_space<semaphore_mem>> -> memref<1x!tpu.dma_semaphore, #tpu.memory_space<semaphore_mem>>
      %dma_start3A_95 = tpu.memref_squeeze %dma_start3A_94 : memref<1x!tpu.dma_semaphore, #tpu.memory_space<semaphore_mem>> -> memref<!tpu.dma_semaphore, #tpu.memory_space<semaphore_mem>>
      %dma_start3A_96 = arith.constant 0 : i32
      %dma_start3A_97 = arith.constant 0 : i32
      %dma_start3A_98 = tpu.memref_slice %arg8[%dma_start3A, %dma_start3A_96, %dma_start3A_97] : memref<8x64x128xf32, #tpu.memory_space<vmem>> -> memref<1x64x128xf32, #tpu.memory_space<vmem>>
      %dma_start3A_99 = tpu.memref_squeeze %dma_start3A_98 : memref<1x64x128xf32, #tpu.memory_space<vmem>> -> memref<64x128xf32, #tpu.memory_space<vmem>>
      %dma_start3A_100 = arith.constant 0 : i32
      %dma_start3A_101 = tpu.memref_slice %arg2[%dma_start3A_100, %multiple_of3A] : memref<64x1000001xf32, #tpu.memory_space<hbm>> -> memref<64x128xf32, #tpu.memory_space<hbm>>
      tpu.enqueue_dma source(%dma_start3A_101 : memref<64x128xf32, #tpu.memory_space<hbm>>) target(%dma_start3A_99 : memref<64x128xf32, #tpu.memory_space<vmem>>) target_semaphore(%dma_start3A_95 : memref<!tpu.dma_semaphore, #tpu.memory_space<semaphore_mem>>)
    } else {
    }
    %slice3A_39 = vector.extract_strided_slice %get3A_1 {offsets = [4], sizes = [1], strides = [1]} : vector<16xi32> to vector<1xi32>
    %squeeze3A_40 = vector.extract %slice3A_39[0] : i32 from vector<1xi32>
    %shift_right_arithmetic3A_41 = arith.constant 13 : i32
    %shift_right_arithmetic3A_42 = arith.shrsi %squeeze3A_40, %shift_right_arithmetic3A_41 : i32
    %and3A_43 = arith.constant 1 : i32
    %and3A_44 = arith.andi %shift_right_arithmetic3A_42, %and3A_43 : i32
    %eq3A_45 = arith.constant 1 : i32
    %eq3A_46 = arith.cmpi eq, %and3A_44, %eq3A_45 : i32
    %convert_element_type3A_47 = arith.extui %eq3A_46 : i1 to i32
    %cond3A_48 = arith.constant 0 : i32
    %cond3A_49 = arith.cmpi ne, %convert_element_type3A_47, %cond3A_48 : i32
    scf.if %cond3A_49 {
      %and3A_83 = arith.constant 8191 : i32
      %and3A_84 = arith.andi %squeeze3A_40, %and3A_83 : i32
      %mul3A_85 = arith.constant 128 : i32
      %mul3A_86 = arith.muli %and3A_84, %mul3A_85 : i32
      %multiple_of3A = tpu.assume_multiple %mul3A_86, 128 : i32
      %dma_start3A = arith.constant 4 : i32
      %dma_start3A_87 = arith.constant 4 : i32
      %dma_start3A_88 = arith.constant 0 : i32
      %dma_start3A_89 = arith.constant 0 : i32
      %dma_start3A_90 = tpu.memref_slice %arg8[%dma_start3A, %dma_start3A_88, %dma_start3A_89] : memref<8x64x128xf32, #tpu.memory_space<vmem>> -> memref<1x64x128xf32, #tpu.memory_space<vmem>>
      %dma_start3A_91 = tpu.memref_squeeze %dma_start3A_90 : memref<1x64x128xf32, #tpu.memory_space<vmem>> -> memref<64x128xf32, #tpu.memory_space<vmem>>
      %dma_start3A_92 = arith.constant 0 : i32
      %dma_start3A_93 = tpu.memref_slice %arg2[%dma_start3A_92, %multiple_of3A] : memref<64x1000001xf32, #tpu.memory_space<hbm>> -> memref<64x128xf32, #tpu.memory_space<hbm>>
      %dma_start3A_94 = tpu.memref_slice %arg10[%dma_start3A_87] : memref<8x!tpu.dma_semaphore, #tpu.memory_space<semaphore_mem>> -> memref<1x!tpu.dma_semaphore, #tpu.memory_space<semaphore_mem>>
      %dma_start3A_95 = tpu.memref_squeeze %dma_start3A_94 : memref<1x!tpu.dma_semaphore, #tpu.memory_space<semaphore_mem>> -> memref<!tpu.dma_semaphore, #tpu.memory_space<semaphore_mem>>
      %dma_start3A_96 = arith.constant 0 : i32
      %dma_start3A_97 = arith.constant 0 : i32
      %dma_start3A_98 = tpu.memref_slice %arg8[%dma_start3A, %dma_start3A_96, %dma_start3A_97] : memref<8x64x128xf32, #tpu.memory_space<vmem>> -> memref<1x64x128xf32, #tpu.memory_space<vmem>>
      %dma_start3A_99 = tpu.memref_squeeze %dma_start3A_98 : memref<1x64x128xf32, #tpu.memory_space<vmem>> -> memref<64x128xf32, #tpu.memory_space<vmem>>
      %dma_start3A_100 = arith.constant 0 : i32
      %dma_start3A_101 = tpu.memref_slice %arg2[%dma_start3A_100, %multiple_of3A] : memref<64x1000001xf32, #tpu.memory_space<hbm>> -> memref<64x128xf32, #tpu.memory_space<hbm>>
      tpu.enqueue_dma source(%dma_start3A_101 : memref<64x128xf32, #tpu.memory_space<hbm>>) target(%dma_start3A_99 : memref<64x128xf32, #tpu.memory_space<vmem>>) target_semaphore(%dma_start3A_95 : memref<!tpu.dma_semaphore, #tpu.memory_space<semaphore_mem>>)
    } else {
    }
    %slice3A_50 = vector.extract_strided_slice %get3A_1 {offsets = [5], sizes = [1], strides = [1]} : vector<16xi32> to vector<1xi32>
    %squeeze3A_51 = vector.extract %slice3A_50[0] : i32 from vector<1xi32>
    %shift_right_arithmetic3A_52 = arith.constant 13 : i32
    %shift_right_arithmetic3A_53 = arith.shrsi %squeeze3A_51, %shift_right_arithmetic3A_52 : i32
    %and3A_54 = arith.constant 1 : i32
    %and3A_55 = arith.andi %shift_right_arithmetic3A_53, %and3A_54 : i32
    %eq3A_56 = arith.constant 1 : i32
    %eq3A_57 = arith.cmpi eq, %and3A_55, %eq3A_56 : i32
    %convert_element_type3A_58 = arith.extui %eq3A_57 : i1 to i32
    %cond3A_59 = arith.constant 0 : i32
    %cond3A_60 = arith.cmpi ne, %convert_element_type3A_58, %cond3A_59 : i32
    scf.if %cond3A_60 {
      %and3A_83 = arith.constant 8191 : i32
      %and3A_84 = arith.andi %squeeze3A_51, %and3A_83 : i32
      %mul3A_85 = arith.constant 128 : i32
      %mul3A_86 = arith.muli %and3A_84, %mul3A_85 : i32
      %multiple_of3A = tpu.assume_multiple %mul3A_86, 128 : i32
      %dma_start3A = arith.constant 5 : i32
      %dma_start3A_87 = arith.constant 5 : i32
      %dma_start3A_88 = arith.constant 0 : i32
      %dma_start3A_89 = arith.constant 0 : i32
      %dma_start3A_90 = tpu.memref_slice %arg8[%dma_start3A, %dma_start3A_88, %dma_start3A_89] : memref<8x64x128xf32, #tpu.memory_space<vmem>> -> memref<1x64x128xf32, #tpu.memory_space<vmem>>
      %dma_start3A_91 = tpu.memref_squeeze %dma_start3A_90 : memref<1x64x128xf32, #tpu.memory_space<vmem>> -> memref<64x128xf32, #tpu.memory_space<vmem>>
      %dma_start3A_92 = arith.constant 0 : i32
      %dma_start3A_93 = tpu.memref_slice %arg2[%dma_start3A_92, %multiple_of3A] : memref<64x1000001xf32, #tpu.memory_space<hbm>> -> memref<64x128xf32, #tpu.memory_space<hbm>>
      %dma_start3A_94 = tpu.memref_slice %arg10[%dma_start3A_87] : memref<8x!tpu.dma_semaphore, #tpu.memory_space<semaphore_mem>> -> memref<1x!tpu.dma_semaphore, #tpu.memory_space<semaphore_mem>>
      %dma_start3A_95 = tpu.memref_squeeze %dma_start3A_94 : memref<1x!tpu.dma_semaphore, #tpu.memory_space<semaphore_mem>> -> memref<!tpu.dma_semaphore, #tpu.memory_space<semaphore_mem>>
      %dma_start3A_96 = arith.constant 0 : i32
      %dma_start3A_97 = arith.constant 0 : i32
      %dma_start3A_98 = tpu.memref_slice %arg8[%dma_start3A, %dma_start3A_96, %dma_start3A_97] : memref<8x64x128xf32, #tpu.memory_space<vmem>> -> memref<1x64x128xf32, #tpu.memory_space<vmem>>
      %dma_start3A_99 = tpu.memref_squeeze %dma_start3A_98 : memref<1x64x128xf32, #tpu.memory_space<vmem>> -> memref<64x128xf32, #tpu.memory_space<vmem>>
      %dma_start3A_100 = arith.constant 0 : i32
      %dma_start3A_101 = tpu.memref_slice %arg2[%dma_start3A_100, %multiple_of3A] : memref<64x1000001xf32, #tpu.memory_space<hbm>> -> memref<64x128xf32, #tpu.memory_space<hbm>>
      tpu.enqueue_dma source(%dma_start3A_101 : memref<64x128xf32, #tpu.memory_space<hbm>>) target(%dma_start3A_99 : memref<64x128xf32, #tpu.memory_space<vmem>>) target_semaphore(%dma_start3A_95 : memref<!tpu.dma_semaphore, #tpu.memory_space<semaphore_mem>>)
    } else {
    }
    %slice3A_61 = vector.extract_strided_slice %get3A_1 {offsets = [6], sizes = [1], strides = [1]} : vector<16xi32> to vector<1xi32>
    %squeeze3A_62 = vector.extract %slice3A_61[0] : i32 from vector<1xi32>
    %shift_right_arithmetic3A_63 = arith.constant 13 : i32
    %shift_right_arithmetic3A_64 = arith.shrsi %squeeze3A_62, %shift_right_arithmetic3A_63 : i32
    %and3A_65 = arith.constant 1 : i32
    %and3A_66 = arith.andi %shift_right_arithmetic3A_64, %and3A_65 : i32
    %eq3A_67 = arith.constant 1 : i32
    %eq3A_68 = arith.cmpi eq, %and3A_66, %eq3A_67 : i32
    %convert_element_type3A_69 = arith.extui %eq3A_68 : i1 to i32
    %cond3A_70 = arith.constant 0 : i32
    %cond3A_71 = arith.cmpi ne, %convert_element_type3A_69, %cond3A_70 : i32
    scf.if %cond3A_71 {
      %and3A_83 = arith.constant 8191 : i32
      %and3A_84 = arith.andi %squeeze3A_62, %and3A_83 : i32
      %mul3A_85 = arith.constant 128 : i32
      %mul3A_86 = arith.muli %and3A_84, %mul3A_85 : i32
      %multiple_of3A = tpu.assume_multiple %mul3A_86, 128 : i32
      %dma_start3A = arith.constant 6 : i32
      %dma_start3A_87 = arith.constant 6 : i32
      %dma_start3A_88 = arith.constant 0 : i32
      %dma_start3A_89 = arith.constant 0 : i32
      %dma_start3A_90 = tpu.memref_slice %arg8[%dma_start3A, %dma_start3A_88, %dma_start3A_89] : memref<8x64x128xf32, #tpu.memory_space<vmem>> -> memref<1x64x128xf32, #tpu.memory_space<vmem>>
      %dma_start3A_91 = tpu.memref_squeeze %dma_start3A_90 : memref<1x64x128xf32, #tpu.memory_space<vmem>> -> memref<64x128xf32, #tpu.memory_space<vmem>>
      %dma_start3A_92 = arith.constant 0 : i32
      %dma_start3A_93 = tpu.memref_slice %arg2[%dma_start3A_92, %multiple_of3A] : memref<64x1000001xf32, #tpu.memory_space<hbm>> -> memref<64x128xf32, #tpu.memory_space<hbm>>
      %dma_start3A_94 = tpu.memref_slice %arg10[%dma_start3A_87] : memref<8x!tpu.dma_semaphore, #tpu.memory_space<semaphore_mem>> -> memref<1x!tpu.dma_semaphore, #tpu.memory_space<semaphore_mem>>
      %dma_start3A_95 = tpu.memref_squeeze %dma_start3A_94 : memref<1x!tpu.dma_semaphore, #tpu.memory_space<semaphore_mem>> -> memref<!tpu.dma_semaphore, #tpu.memory_space<semaphore_mem>>
      %dma_start3A_96 = arith.constant 0 : i32
      %dma_start3A_97 = arith.constant 0 : i32
      %dma_start3A_98 = tpu.memref_slice %arg8[%dma_start3A, %dma_start3A_96, %dma_start3A_97] : memref<8x64x128xf32, #tpu.memory_space<vmem>> -> memref<1x64x128xf32, #tpu.memory_space<vmem>>
      %dma_start3A_99 = tpu.memref_squeeze %dma_start3A_98 : memref<1x64x128xf32, #tpu.memory_space<vmem>> -> memref<64x128xf32, #tpu.memory_space<vmem>>
      %dma_start3A_100 = arith.constant 0 : i32
      %dma_start3A_101 = tpu.memref_slice %arg2[%dma_start3A_100, %multiple_of3A] : memref<64x1000001xf32, #tpu.memory_space<hbm>> -> memref<64x128xf32, #tpu.memory_space<hbm>>
      tpu.enqueue_dma source(%dma_start3A_101 : memref<64x128xf32, #tpu.memory_space<hbm>>) target(%dma_start3A_99 : memref<64x128xf32, #tpu.memory_space<vmem>>) target_semaphore(%dma_start3A_95 : memref<!tpu.dma_semaphore, #tpu.memory_space<semaphore_mem>>)
    } else {
    }
    %scan3A = arith.constant 0 : i32
    %scan3A_72 = arith.constant 0 : i32
    %scan3A_73 = arith.constant 64 : i32
    %scan3A_74 = arith.addi %scan3A_72, %scan3A_73 : i32
    %scan3A_75 = arith.constant 1 : i32
    scf.for %scan3A_83 = %scan3A_72 to %scan3A_74 step %scan3A_75  : i32 {
      %mul3A_84 = arith.constant 8 : i32
      %mul3A_85 = arith.muli %scan3A_83, %mul3A_84 : i32
      %get3A_86 = arith.index_cast %mul3A_85 : i32 to index
      %get3A_87 = tpu.vector_load %arg6[%get3A_86] {strides = array<i32>} : memref<528xi32, #tpu.memory_space<vmem>>, vector<16xi32>,
      %mul3A_88 = arith.constant 8 : i32
      %mul3A_89 = arith.muli %scan3A_83, %mul3A_88 : i32
      %get3A_90 = arith.index_cast %mul3A_89 : i32 to index
      %get3A_91 = tpu.vector_load %arg7[%get3A_90] {strides = array<i32>} : memref<528xi32, #tpu.memory_space<vmem>>, vector<16xi32>,
      %mul3A_92 = arith.constant 8 : i32
      %mul3A_93 = arith.muli %scan3A_83, %mul3A_92 : i32
      %add3A_94 = arith.constant 0 : i32
      %add3A_95 = arith.addi %mul3A_93, %add3A_94 : i32
      %slice3A_96 = vector.extract_strided_slice %get3A_91 {offsets = [0], sizes = [1], strides = [1]} : vector<16xi32> to vector<1xi32>
      %squeeze3A_97 = vector.extract %slice3A_96[0] : i32 from vector<1xi32>
      %shift_right_arithmetic3A_98 = arith.constant 7 : i32
      %shift_right_arithmetic3A_99 = arith.shrsi %squeeze3A_97, %shift_right_arithmetic3A_98 : i32
      %and3A_100 = arith.constant 7 : i32
      %and3A_101 = arith.andi %shift_right_arithmetic3A_99, %and3A_100 : i32
      %shift_right_arithmetic3A_102 = arith.constant 24 : i32
      %shift_right_arithmetic3A_103 = arith.shrsi %squeeze3A_97, %shift_right_arithmetic3A_102 : i32
      %and3A_104 = arith.constant 1 : i32
      %and3A_105 = arith.andi %shift_right_arithmetic3A_103, %and3A_104 : i32
      %eq3A_106 = arith.constant 1 : i32
      %eq3A_107 = arith.cmpi eq, %and3A_105, %eq3A_106 : i32
      %convert_element_type3A_108 = arith.extui %eq3A_107 : i1 to i32
      %cond3A_109 = arith.constant 0 : i32
      %cond3A_110 = arith.cmpi ne, %convert_element_type3A_108, %cond3A_109 : i32
      scf.if %cond3A_110 {
        %dma_wait3A = arith.constant 0 : i32
        %dma_wait3A_728 = arith.constant 0 : i32
        %dma_wait3A_729 = tpu.memref_slice %arg8[%and3A_101, %dma_wait3A, %dma_wait3A_728] : memref<8x64x128xf32, #tpu.memory_space<vmem>> -> memref<1x64x128xf32, #tpu.memory_space<vmem>>
        %dma_wait3A_730 = tpu.memref_squeeze %dma_wait3A_729 : memref<1x64x128xf32, #tpu.memory_space<vmem>> -> memref<64x128xf32, #tpu.memory_space<vmem>>
        %dma_wait3A_731 = arith.constant 0 : i32
        %dma_wait3A_732 = arith.constant 0 : i32
        %dma_wait3A_733 = tpu.memref_slice %arg2[%dma_wait3A_731, %dma_wait3A_732] : memref<64x1000001xf32, #tpu.memory_space<hbm>> -> memref<64x128xf32, #tpu.memory_space<hbm>>
        %dma_wait3A_734 = tpu.memref_slice %arg10[%and3A_101] : memref<8x!tpu.dma_semaphore, #tpu.memory_space<semaphore_mem>> -> memref<1x!tpu.dma_semaphore, #tpu.memory_space<semaphore_mem>>
        %dma_wait3A_735 = tpu.memref_squeeze %dma_wait3A_734 : memref<1x!tpu.dma_semaphore, #tpu.memory_space<semaphore_mem>> -> memref<!tpu.dma_semaphore, #tpu.memory_space<semaphore_mem>>
        %dma_wait3A_736 = arith.constant 0 : i32
        %dma_wait3A_737 = arith.constant 0 : i32
        %dma_wait3A_738 = tpu.memref_slice %arg8[%and3A_101, %dma_wait3A_736, %dma_wait3A_737] : memref<8x64x128xf32, #tpu.memory_space<vmem>> -> memref<1x64x128xf32, #tpu.memory_space<vmem>>
        %dma_wait3A_739 = tpu.memref_squeeze %dma_wait3A_738 : memref<1x64x128xf32, #tpu.memory_space<vmem>> -> memref<64x128xf32, #tpu.memory_space<vmem>>
        %dma_wait3A_740 = arith.constant 0 : i32
        %dma_wait3A_741 = arith.constant 0 : i32
        %dma_wait3A_742 = tpu.memref_slice %arg2[%dma_wait3A_740, %dma_wait3A_741] : memref<64x1000001xf32, #tpu.memory_space<hbm>> -> memref<64x128xf32, #tpu.memory_space<hbm>>
        tpu.wait_dma2 semaphore(%dma_wait3A_735 : memref<!tpu.dma_semaphore, #tpu.memory_space<semaphore_mem>>) src(%dma_wait3A_742 : memref<64x128xf32, #tpu.memory_space<hbm>>) dst(%dma_wait3A_739 : memref<64x128xf32, #tpu.memory_space<vmem>>)
      } else {
      }
      %and3A_111 = arith.constant 127 : i32
      %and3A_112 = arith.andi %squeeze3A_97, %and3A_111 : i32
      %broadcast_in_dim3A = vector.broadcast %and3A_112 : i32 to vector<16xi32>
      %broadcast_in_dim3A_113 = vector.broadcast %and3A_101 : i32 to vector<16xi32>
      %shift_right_arithmetic3A_114 = arith.constant 10 : i32
      %shift_right_arithmetic3A_115 = arith.shrsi %squeeze3A_97, %shift_right_arithmetic3A_114 : i32
      %and3A_116 = arith.constant 16383 : i32
      %and3A_117 = arith.andi %shift_right_arithmetic3A_115, %and3A_116 : i32
      %add3A_118 = arith.constant 0 : i32
      %add3A_119 = vector.broadcast %add3A_118 : i32 to vector<16xi32>
      %add3A_120 = arith.addi %iota3A, %add3A_119 : vector<16xi32>
      %gather3A = tpu.vector_load_idx %arg8[%broadcast_in_dim3A_113, %add3A_120, %broadcast_in_dim3A] : memref<8x64x128xf32, #tpu.memory_space<vmem>>[vector<16xi32>, vector<16xi32>, vector<16xi32>], vector<16xf32>,
      %mul3A_121 = arith.constant 64 : i32
      %mul3A_122 = arith.muli %add3A_95, %mul3A_121 : i32
      %add3A_123 = arith.constant 0 : i32
      %add3A_124 = arith.addi %mul3A_122, %add3A_123 : i32
      %swap3A = arith.index_cast %add3A_124 : i32 to index
      %swap3A_125 = tpu.vector_load %arg9[%swap3A] {strides = array<i32>} : memref<32768xf32, #tpu.memory_space<vmem>>, vector<16xf32>,
      tpu.vector_store %arg9[%swap3A], %gather3A {strides = array<i32>} : memref<32768xf32, #tpu.memory_space<vmem>>, vector<16xf32>,
      %add3A_126 = arith.constant 16 : i32
      %add3A_127 = vector.broadcast %add3A_126 : i32 to vector<16xi32>
      %add3A_128 = arith.addi %iota3A, %add3A_127 : vector<16xi32>
      %gather3A_129 = tpu.vector_load_idx %arg8[%broadcast_in_dim3A_113, %add3A_128, %broadcast_in_dim3A] : memref<8x64x128xf32, #tpu.memory_space<vmem>>[vector<16xi32>, vector<16xi32>, vector<16xi32>], vector<16xf32>,
      %mul3A_130 = arith.constant 64 : i32
      %mul3A_131 = arith.muli %add3A_95, %mul3A_130 : i32
      %add3A_132 = arith.constant 16 : i32
      %add3A_133 = arith.addi %mul3A_131, %add3A_132 : i32
      %swap3A_134 = arith.index_cast %add3A_133 : i32 to index
      %swap3A_135 = tpu.vector_load %arg9[%swap3A_134] {strides = array<i32>} : memref<32768xf32, #tpu.memory_space<vmem>>, vector<16xf32>,
      tpu.vector_store %arg9[%swap3A_134], %gather3A_129 {strides = array<i32>} : memref<32768xf32, #tpu.memory_space<vmem>>, vector<16xf32>,
      %add3A_136 = arith.constant 32 : i32
      %add3A_137 = vector.broadcast %add3A_136 : i32 to vector<16xi32>
      %add3A_138 = arith.addi %iota3A, %add3A_137 : vector<16xi32>
      %gather3A_139 = tpu.vector_load_idx %arg8[%broadcast_in_dim3A_113, %add3A_138, %broadcast_in_dim3A] : memref<8x64x128xf32, #tpu.memory_space<vmem>>[vector<16xi32>, vector<16xi32>, vector<16xi32>], vector<16xf32>,
      %mul3A_140 = arith.constant 64 : i32
      %mul3A_141 = arith.muli %add3A_95, %mul3A_140 : i32
      %add3A_142 = arith.constant 32 : i32
      %add3A_143 = arith.addi %mul3A_141, %add3A_142 : i32
      %swap3A_144 = arith.index_cast %add3A_143 : i32 to index
      %swap3A_145 = tpu.vector_load %arg9[%swap3A_144] {strides = array<i32>} : memref<32768xf32, #tpu.memory_space<vmem>>, vector<16xf32>,
      tpu.vector_store %arg9[%swap3A_144], %gather3A_139 {strides = array<i32>} : memref<32768xf32, #tpu.memory_space<vmem>>, vector<16xf32>,
      %add3A_146 = arith.constant 48 : i32
      %add3A_147 = vector.broadcast %add3A_146 : i32 to vector<16xi32>
      %add3A_148 = arith.addi %iota3A, %add3A_147 : vector<16xi32>
      %gather3A_149 = tpu.vector_load_idx %arg8[%broadcast_in_dim3A_113, %add3A_148, %broadcast_in_dim3A] : memref<8x64x128xf32, #tpu.memory_space<vmem>>[vector<16xi32>, vector<16xi32>, vector<16xi32>], vector<16xf32>,
      %mul3A_150 = arith.constant 64 : i32
      %mul3A_151 = arith.muli %add3A_95, %mul3A_150 : i32
      %add3A_152 = arith.constant 48 : i32
      %add3A_153 = arith.addi %mul3A_151, %add3A_152 : i32
      %swap3A_154 = arith.index_cast %add3A_153 : i32 to index
      %swap3A_155 = tpu.vector_load %arg9[%swap3A_154] {strides = array<i32>} : memref<32768xf32, #tpu.memory_space<vmem>>, vector<16xf32>,
      tpu.vector_store %arg9[%swap3A_154], %gather3A_149 {strides = array<i32>} : memref<32768xf32, #tpu.memory_space<vmem>>, vector<16xf32>,
      %mul3A_156 = arith.constant 64 : i32
      %mul3A_157 = arith.muli %add3A_95, %mul3A_156 : i32
      %mul3A_158 = arith.constant 64 : i32
      %mul3A_159 = arith.muli %and3A_117, %mul3A_158 : i32
      %dma_start3A = tpu.memref_slice %arg9[%mul3A_157] : memref<32768xf32, #tpu.memory_space<vmem>> -> memref<64xf32, #tpu.memory_space<vmem>>
      %dma_start3A_160 = tpu.memref_slice %arg5[%mul3A_159] : memref<1048576xf32, #tpu.memory_space<hbm>> -> memref<64xf32, #tpu.memory_space<hbm>>
      %dma_start3A_161 = tpu.memref_slice %arg5[%mul3A_159] : memref<1048576xf32, #tpu.memory_space<hbm>> -> memref<64xf32, #tpu.memory_space<hbm>>
      %dma_start3A_162 = tpu.memref_slice %arg9[%mul3A_157] : memref<32768xf32, #tpu.memory_space<vmem>> -> memref<64xf32, #tpu.memory_space<vmem>>
      tpu.enqueue_dma source(%dma_start3A_162 : memref<64xf32, #tpu.memory_space<vmem>>) target(%dma_start3A_161 : memref<64xf32, #tpu.memory_space<hbm>>) target_semaphore(%arg11 : memref<!tpu.dma_semaphore, #tpu.memory_space<semaphore_mem>>)
      %eq3A_163 = arith.constant 1 : i32
      %eq3A_164 = arith.cmpi eq, %and3A_105, %eq3A_163 : i32
      %convert_element_type3A_165 = arith.extui %eq3A_164 : i1 to i32
      %cond3A_166 = arith.constant 0 : i32
      %cond3A_167 = arith.cmpi ne, %convert_element_type3A_165, %cond3A_166 : i32
      scf.if %cond3A_167 {
        %slice3A_728 = vector.extract_strided_slice %get3A_87 {offsets = [0], sizes = [1], strides = [1]} : vector<16xi32> to vector<1xi32>
        %squeeze3A_729 = vector.extract %slice3A_728[0] : i32 from vector<1xi32>
        %add3A_730 = arith.constant 8 : i32
        %add3A_731 = arith.addi %and3A_101, %add3A_730 : i32
        %sub3A = arith.constant 1 : i32
        %sub3A_732 = arith.subi %add3A_731, %sub3A : i32
        %jit3A = arith.constant 8 : i32
        %eq3A_733 = arith.constant 0 : i32
        %eq3A_734 = arith.cmpi eq, %jit3A, %eq3A_733 : i32
        %jit3A_735 = arith.constant 1 : i32
        %select_n3A = arith.select %eq3A_734, %jit3A_735, %jit3A : i32
        %rem3A = arith.remsi %sub3A_732, %select_n3A : i32
        %ne3A = arith.constant 0 : i32
        %ne3A_736 = arith.cmpi ne, %rem3A, %ne3A : i32
        %lt3A = arith.constant 0 : i32
        %lt3A_737 = arith.cmpi slt, %rem3A, %lt3A : i32
        %lt3A_738 = arith.constant 0 : i32
        %lt3A_739 = arith.cmpi slt, %select_n3A, %lt3A_738 : i32
        %ne3A_740 = arith.xori %lt3A_737, %lt3A_739 : i1
        %and3A_741 = arith.andi %ne3A_740, %ne3A_736 : i1
        %add3A_742 = arith.addi %rem3A, %select_n3A : i32
        %select_n3A_743 = arith.select %and3A_741, %add3A_742, %rem3A : i32
        %shift_right_arithmetic3A_744 = arith.constant 13 : i32
        %shift_right_arithmetic3A_745 = arith.shrsi %squeeze3A_729, %shift_right_arithmetic3A_744 : i32
        %and3A_746 = arith.constant 1 : i32
        %and3A_747 = arith.andi %shift_right_arithmetic3A_745, %and3A_746 : i32
        %eq3A_748 = arith.constant 1 : i32
        %eq3A_749 = arith.cmpi eq, %and3A_747, %eq3A_748 : i32
        %convert_element_type3A_750 = arith.extui %eq3A_749 : i1 to i32
        %cond3A_751 = arith.constant 0 : i32
        %cond3A_752 = arith.cmpi ne, %convert_element_type3A_750, %cond3A_751 : i32
        scf.if %cond3A_752 {
          %and3A_753 = arith.constant 8191 : i32
          %and3A_754 = arith.andi %squeeze3A_729, %and3A_753 : i32
          %mul3A_755 = arith.constant 128 : i32
          %mul3A_756 = arith.muli %and3A_754, %mul3A_755 : i32
          %multiple_of3A = tpu.assume_multiple %mul3A_756, 128 : i32
          %dma_start3A_757 = arith.constant 0 : i32
          %dma_start3A_758 = arith.constant 0 : i32
          %dma_start3A_759 = tpu.memref_slice %arg8[%select_n3A_743, %dma_start3A_757, %dma_start3A_758] : memref<8x64x128xf32, #tpu.memory_space<vmem>> -> memref<1x64x128xf32, #tpu.memory_space<vmem>>
          %dma_start3A_760 = tpu.memref_squeeze %dma_start3A_759 : memref<1x64x128xf32, #tpu.memory_space<vmem>> -> memref<64x128xf32, #tpu.memory_space<vmem>>
          %dma_start3A_761 = arith.constant 0 : i32
          %dma_start3A_762 = tpu.memref_slice %arg2[%dma_start3A_761, %multiple_of3A] : memref<64x1000001xf32, #tpu.memory_space<hbm>> -> memref<64x128xf32, #tpu.memory_space<hbm>>
          %dma_start3A_763 = tpu.memref_slice %arg10[%select_n3A_743] : memref<8x!tpu.dma_semaphore, #tpu.memory_space<semaphore_mem>> -> memref<1x!tpu.dma_semaphore, #tpu.memory_space<semaphore_mem>>
          %dma_start3A_764 = tpu.memref_squeeze %dma_start3A_763 : memref<1x!tpu.dma_semaphore, #tpu.memory_space<semaphore_mem>> -> memref<!tpu.dma_semaphore, #tpu.memory_space<semaphore_mem>>
          %dma_start3A_765 = arith.constant 0 : i32
          %dma_start3A_766 = arith.constant 0 : i32
          %dma_start3A_767 = tpu.memref_slice %arg8[%select_n3A_743, %dma_start3A_765, %dma_start3A_766] : memref<8x64x128xf32, #tpu.memory_space<vmem>> -> memref<1x64x128xf32, #tpu.memory_space<vmem>>
          %dma_start3A_768 = tpu.memref_squeeze %dma_start3A_767 : memref<1x64x128xf32, #tpu.memory_space<vmem>> -> memref<64x128xf32, #tpu.memory_space<vmem>>
          %dma_start3A_769 = arith.constant 0 : i32
          %dma_start3A_770 = tpu.memref_slice %arg2[%dma_start3A_769, %multiple_of3A] : memref<64x1000001xf32, #tpu.memory_space<hbm>> -> memref<64x128xf32, #tpu.memory_space<hbm>>
          tpu.enqueue_dma source(%dma_start3A_770 : memref<64x128xf32, #tpu.memory_space<hbm>>) target(%dma_start3A_768 : memref<64x128xf32, #tpu.memory_space<vmem>>) target_semaphore(%dma_start3A_764 : memref<!tpu.dma_semaphore, #tpu.memory_space<semaphore_mem>>)
        } else {
        }
      } else {
      }
      %mul3A_168 = arith.constant 8 : i32
      %mul3A_169 = arith.muli %scan3A_83, %mul3A_168 : i32
      %add3A_170 = arith.constant 1 : i32
      %add3A_171 = arith.addi %mul3A_169, %add3A_170 : i32
      %slice3A_172 = vector.extract_strided_slice %get3A_91 {offsets = [1], sizes = [1], strides = [1]} : vector<16xi32> to vector<1xi32>
      %squeeze3A_173 = vector.extract %slice3A_172[0] : i32 from vector<1xi32>
      %shift_right_arithmetic3A_174 = arith.constant 7 : i32
      %shift_right_arithmetic3A_175 = arith.shrsi %squeeze3A_173, %shift_right_arithmetic3A_174 : i32
      %and3A_176 = arith.constant 7 : i32
      %and3A_177 = arith.andi %shift_right_arithmetic3A_175, %and3A_176 : i32
      %shift_right_arithmetic3A_178 = arith.constant 24 : i32
      %shift_right_arithmetic3A_179 = arith.shrsi %squeeze3A_173, %shift_right_arithmetic3A_178 : i32
      %and3A_180 = arith.constant 1 : i32
      %and3A_181 = arith.andi %shift_right_arithmetic3A_179, %and3A_180 : i32
      %eq3A_182 = arith.constant 1 : i32
      %eq3A_183 = arith.cmpi eq, %and3A_181, %eq3A_182 : i32
      %convert_element_type3A_184 = arith.extui %eq3A_183 : i1 to i32
      %cond3A_185 = arith.constant 0 : i32
      %cond3A_186 = arith.cmpi ne, %convert_element_type3A_184, %cond3A_185 : i32
      scf.if %cond3A_186 {
        %dma_wait3A = arith.constant 0 : i32
        %dma_wait3A_728 = arith.constant 0 : i32
        %dma_wait3A_729 = tpu.memref_slice %arg8[%and3A_177, %dma_wait3A, %dma_wait3A_728] : memref<8x64x128xf32, #tpu.memory_space<vmem>> -> memref<1x64x128xf32, #tpu.memory_space<vmem>>
        %dma_wait3A_730 = tpu.memref_squeeze %dma_wait3A_729 : memref<1x64x128xf32, #tpu.memory_space<vmem>> -> memref<64x128xf32, #tpu.memory_space<vmem>>
        %dma_wait3A_731 = arith.constant 0 : i32
        %dma_wait3A_732 = arith.constant 0 : i32
        %dma_wait3A_733 = tpu.memref_slice %arg2[%dma_wait3A_731, %dma_wait3A_732] : memref<64x1000001xf32, #tpu.memory_space<hbm>> -> memref<64x128xf32, #tpu.memory_space<hbm>>
        %dma_wait3A_734 = tpu.memref_slice %arg10[%and3A_177] : memref<8x!tpu.dma_semaphore, #tpu.memory_space<semaphore_mem>> -> memref<1x!tpu.dma_semaphore, #tpu.memory_space<semaphore_mem>>
        %dma_wait3A_735 = tpu.memref_squeeze %dma_wait3A_734 : memref<1x!tpu.dma_semaphore, #tpu.memory_space<semaphore_mem>> -> memref<!tpu.dma_semaphore, #tpu.memory_space<semaphore_mem>>
        %dma_wait3A_736 = arith.constant 0 : i32
        %dma_wait3A_737 = arith.constant 0 : i32
        %dma_wait3A_738 = tpu.memref_slice %arg8[%and3A_177, %dma_wait3A_736, %dma_wait3A_737] : memref<8x64x128xf32, #tpu.memory_space<vmem>> -> memref<1x64x128xf32, #tpu.memory_space<vmem>>
        %dma_wait3A_739 = tpu.memref_squeeze %dma_wait3A_738 : memref<1x64x128xf32, #tpu.memory_space<vmem>> -> memref<64x128xf32, #tpu.memory_space<vmem>>
        %dma_wait3A_740 = arith.constant 0 : i32
        %dma_wait3A_741 = arith.constant 0 : i32
        %dma_wait3A_742 = tpu.memref_slice %arg2[%dma_wait3A_740, %dma_wait3A_741] : memref<64x1000001xf32, #tpu.memory_space<hbm>> -> memref<64x128xf32, #tpu.memory_space<hbm>>
        tpu.wait_dma2 semaphore(%dma_wait3A_735 : memref<!tpu.dma_semaphore, #tpu.memory_space<semaphore_mem>>) src(%dma_wait3A_742 : memref<64x128xf32, #tpu.memory_space<hbm>>) dst(%dma_wait3A_739 : memref<64x128xf32, #tpu.memory_space<vmem>>)
      } else {
      }
      %and3A_187 = arith.constant 127 : i32
      %and3A_188 = arith.andi %squeeze3A_173, %and3A_187 : i32
      %broadcast_in_dim3A_189 = vector.broadcast %and3A_188 : i32 to vector<16xi32>
      %broadcast_in_dim3A_190 = vector.broadcast %and3A_177 : i32 to vector<16xi32>
      %shift_right_arithmetic3A_191 = arith.constant 10 : i32
      %shift_right_arithmetic3A_192 = arith.shrsi %squeeze3A_173, %shift_right_arithmetic3A_191 : i32
      %and3A_193 = arith.constant 16383 : i32
      %and3A_194 = arith.andi %shift_right_arithmetic3A_192, %and3A_193 : i32
      %add3A_195 = arith.constant 0 : i32
      %add3A_196 = vector.broadcast %add3A_195 : i32 to vector<16xi32>
      %add3A_197 = arith.addi %iota3A, %add3A_196 : vector<16xi32>
      %gather3A_198 = tpu.vector_load_idx %arg8[%broadcast_in_dim3A_190, %add3A_197, %broadcast_in_dim3A_189] : memref<8x64x128xf32, #tpu.memory_space<vmem>>[vector<16xi32>, vector<16xi32>, vector<16xi32>], vector<16xf32>,
      %mul3A_199 = arith.constant 64 : i32
      %mul3A_200 = arith.muli %add3A_171, %mul3A_199 : i32
      %add3A_201 = arith.constant 0 : i32
      %add3A_202 = arith.addi %mul3A_200, %add3A_201 : i32
      %swap3A_203 = arith.index_cast %add3A_202 : i32 to index
      %swap3A_204 = tpu.vector_load %arg9[%swap3A_203] {strides = array<i32>} : memref<32768xf32, #tpu.memory_space<vmem>>, vector<16xf32>,
      tpu.vector_store %arg9[%swap3A_203], %gather3A_198 {strides = array<i32>} : memref<32768xf32, #tpu.memory_space<vmem>>, vector<16xf32>,
      %add3A_205 = arith.constant 16 : i32
      %add3A_206 = vector.broadcast %add3A_205 : i32 to vector<16xi32>
      %add3A_207 = arith.addi %iota3A, %add3A_206 : vector<16xi32>
      %gather3A_208 = tpu.vector_load_idx %arg8[%broadcast_in_dim3A_190, %add3A_207, %broadcast_in_dim3A_189] : memref<8x64x128xf32, #tpu.memory_space<vmem>>[vector<16xi32>, vector<16xi32>, vector<16xi32>], vector<16xf32>,
      %mul3A_209 = arith.constant 64 : i32
      %mul3A_210 = arith.muli %add3A_171, %mul3A_209 : i32
      %add3A_211 = arith.constant 16 : i32
      %add3A_212 = arith.addi %mul3A_210, %add3A_211 : i32
      %swap3A_213 = arith.index_cast %add3A_212 : i32 to index
      %swap3A_214 = tpu.vector_load %arg9[%swap3A_213] {strides = array<i32>} : memref<32768xf32, #tpu.memory_space<vmem>>, vector<16xf32>,
      tpu.vector_store %arg9[%swap3A_213], %gather3A_208 {strides = array<i32>} : memref<32768xf32, #tpu.memory_space<vmem>>, vector<16xf32>,
      %add3A_215 = arith.constant 32 : i32
      %add3A_216 = vector.broadcast %add3A_215 : i32 to vector<16xi32>
      %add3A_217 = arith.addi %iota3A, %add3A_216 : vector<16xi32>
      %gather3A_218 = tpu.vector_load_idx %arg8[%broadcast_in_dim3A_190, %add3A_217, %broadcast_in_dim3A_189] : memref<8x64x128xf32, #tpu.memory_space<vmem>>[vector<16xi32>, vector<16xi32>, vector<16xi32>], vector<16xf32>,
      %mul3A_219 = arith.constant 64 : i32
      %mul3A_220 = arith.muli %add3A_171, %mul3A_219 : i32
      %add3A_221 = arith.constant 32 : i32
      %add3A_222 = arith.addi %mul3A_220, %add3A_221 : i32
      %swap3A_223 = arith.index_cast %add3A_222 : i32 to index
      %swap3A_224 = tpu.vector_load %arg9[%swap3A_223] {strides = array<i32>} : memref<32768xf32, #tpu.memory_space<vmem>>, vector<16xf32>,
      tpu.vector_store %arg9[%swap3A_223], %gather3A_218 {strides = array<i32>} : memref<32768xf32, #tpu.memory_space<vmem>>, vector<16xf32>,
      %add3A_225 = arith.constant 48 : i32
      %add3A_226 = vector.broadcast %add3A_225 : i32 to vector<16xi32>
      %add3A_227 = arith.addi %iota3A, %add3A_226 : vector<16xi32>
      %gather3A_228 = tpu.vector_load_idx %arg8[%broadcast_in_dim3A_190, %add3A_227, %broadcast_in_dim3A_189] : memref<8x64x128xf32, #tpu.memory_space<vmem>>[vector<16xi32>, vector<16xi32>, vector<16xi32>], vector<16xf32>,
      %mul3A_229 = arith.constant 64 : i32
      %mul3A_230 = arith.muli %add3A_171, %mul3A_229 : i32
      %add3A_231 = arith.constant 48 : i32
      %add3A_232 = arith.addi %mul3A_230, %add3A_231 : i32
      %swap3A_233 = arith.index_cast %add3A_232 : i32 to index
      %swap3A_234 = tpu.vector_load %arg9[%swap3A_233] {strides = array<i32>} : memref<32768xf32, #tpu.memory_space<vmem>>, vector<16xf32>,
      tpu.vector_store %arg9[%swap3A_233], %gather3A_228 {strides = array<i32>} : memref<32768xf32, #tpu.memory_space<vmem>>, vector<16xf32>,
      %mul3A_235 = arith.constant 64 : i32
      %mul3A_236 = arith.muli %add3A_171, %mul3A_235 : i32
      %mul3A_237 = arith.constant 64 : i32
      %mul3A_238 = arith.muli %and3A_194, %mul3A_237 : i32
      %dma_start3A_239 = tpu.memref_slice %arg9[%mul3A_236] : memref<32768xf32, #tpu.memory_space<vmem>> -> memref<64xf32, #tpu.memory_space<vmem>>
      %dma_start3A_240 = tpu.memref_slice %arg5[%mul3A_238] : memref<1048576xf32, #tpu.memory_space<hbm>> -> memref<64xf32, #tpu.memory_space<hbm>>
      %dma_start3A_241 = tpu.memref_slice %arg5[%mul3A_238] : memref<1048576xf32, #tpu.memory_space<hbm>> -> memref<64xf32, #tpu.memory_space<hbm>>
      %dma_start3A_242 = tpu.memref_slice %arg9[%mul3A_236] : memref<32768xf32, #tpu.memory_space<vmem>> -> memref<64xf32, #tpu.memory_space<vmem>>
      tpu.enqueue_dma source(%dma_start3A_242 : memref<64xf32, #tpu.memory_space<vmem>>) target(%dma_start3A_241 : memref<64xf32, #tpu.memory_space<hbm>>) target_semaphore(%arg11 : memref<!tpu.dma_semaphore, #tpu.memory_space<semaphore_mem>>)
      %eq3A_243 = arith.constant 1 : i32
      %eq3A_244 = arith.cmpi eq, %and3A_181, %eq3A_243 : i32
      %convert_element_type3A_245 = arith.extui %eq3A_244 : i1 to i32
      %cond3A_246 = arith.constant 0 : i32
      %cond3A_247 = arith.cmpi ne, %convert_element_type3A_245, %cond3A_246 : i32
      scf.if %cond3A_247 {
        %slice3A_728 = vector.extract_strided_slice %get3A_87 {offsets = [1], sizes = [1], strides = [1]} : vector<16xi32> to vector<1xi32>
        %squeeze3A_729 = vector.extract %slice3A_728[0] : i32 from vector<1xi32>
        %add3A_730 = arith.constant 8 : i32
        %add3A_731 = arith.addi %and3A_177, %add3A_730 : i32
        %sub3A = arith.constant 1 : i32
        %sub3A_732 = arith.subi %add3A_731, %sub3A : i32
        %jit3A = arith.constant 8 : i32
        %eq3A_733 = arith.constant 0 : i32
        %eq3A_734 = arith.cmpi eq, %jit3A, %eq3A_733 : i32
        %jit3A_735 = arith.constant 1 : i32
        %select_n3A = arith.select %eq3A_734, %jit3A_735, %jit3A : i32
        %rem3A = arith.remsi %sub3A_732, %select_n3A : i32
        %ne3A = arith.constant 0 : i32
        %ne3A_736 = arith.cmpi ne, %rem3A, %ne3A : i32
        %lt3A = arith.constant 0 : i32
        %lt3A_737 = arith.cmpi slt, %rem3A, %lt3A : i32
        %lt3A_738 = arith.constant 0 : i32
        %lt3A_739 = arith.cmpi slt, %select_n3A, %lt3A_738 : i32
        %ne3A_740 = arith.xori %lt3A_737, %lt3A_739 : i1
        %and3A_741 = arith.andi %ne3A_740, %ne3A_736 : i1
        %add3A_742 = arith.addi %rem3A, %select_n3A : i32
        %select_n3A_743 = arith.select %and3A_741, %add3A_742, %rem3A : i32
        %shift_right_arithmetic3A_744 = arith.constant 13 : i32
        %shift_right_arithmetic3A_745 = arith.shrsi %squeeze3A_729, %shift_right_arithmetic3A_744 : i32
        %and3A_746 = arith.constant 1 : i32
        %and3A_747 = arith.andi %shift_right_arithmetic3A_745, %and3A_746 : i32
        %eq3A_748 = arith.constant 1 : i32
        %eq3A_749 = arith.cmpi eq, %and3A_747, %eq3A_748 : i32
        %convert_element_type3A_750 = arith.extui %eq3A_749 : i1 to i32
        %cond3A_751 = arith.constant 0 : i32
        %cond3A_752 = arith.cmpi ne, %convert_element_type3A_750, %cond3A_751 : i32
        scf.if %cond3A_752 {
          %and3A_753 = arith.constant 8191 : i32
          %and3A_754 = arith.andi %squeeze3A_729, %and3A_753 : i32
          %mul3A_755 = arith.constant 128 : i32
          %mul3A_756 = arith.muli %and3A_754, %mul3A_755 : i32
          %multiple_of3A = tpu.assume_multiple %mul3A_756, 128 : i32
          %dma_start3A_757 = arith.constant 0 : i32
          %dma_start3A_758 = arith.constant 0 : i32
          %dma_start3A_759 = tpu.memref_slice %arg8[%select_n3A_743, %dma_start3A_757, %dma_start3A_758] : memref<8x64x128xf32, #tpu.memory_space<vmem>> -> memref<1x64x128xf32, #tpu.memory_space<vmem>>
          %dma_start3A_760 = tpu.memref_squeeze %dma_start3A_759 : memref<1x64x128xf32, #tpu.memory_space<vmem>> -> memref<64x128xf32, #tpu.memory_space<vmem>>
          %dma_start3A_761 = arith.constant 0 : i32
          %dma_start3A_762 = tpu.memref_slice %arg2[%dma_start3A_761, %multiple_of3A] : memref<64x1000001xf32, #tpu.memory_space<hbm>> -> memref<64x128xf32, #tpu.memory_space<hbm>>
          %dma_start3A_763 = tpu.memref_slice %arg10[%select_n3A_743] : memref<8x!tpu.dma_semaphore, #tpu.memory_space<semaphore_mem>> -> memref<1x!tpu.dma_semaphore, #tpu.memory_space<semaphore_mem>>
          %dma_start3A_764 = tpu.memref_squeeze %dma_start3A_763 : memref<1x!tpu.dma_semaphore, #tpu.memory_space<semaphore_mem>> -> memref<!tpu.dma_semaphore, #tpu.memory_space<semaphore_mem>>
          %dma_start3A_765 = arith.constant 0 : i32
          %dma_start3A_766 = arith.constant 0 : i32
          %dma_start3A_767 = tpu.memref_slice %arg8[%select_n3A_743, %dma_start3A_765, %dma_start3A_766] : memref<8x64x128xf32, #tpu.memory_space<vmem>> -> memref<1x64x128xf32, #tpu.memory_space<vmem>>
          %dma_start3A_768 = tpu.memref_squeeze %dma_start3A_767 : memref<1x64x128xf32, #tpu.memory_space<vmem>> -> memref<64x128xf32, #tpu.memory_space<vmem>>
          %dma_start3A_769 = arith.constant 0 : i32
          %dma_start3A_770 = tpu.memref_slice %arg2[%dma_start3A_769, %multiple_of3A] : memref<64x1000001xf32, #tpu.memory_space<hbm>> -> memref<64x128xf32, #tpu.memory_space<hbm>>
          tpu.enqueue_dma source(%dma_start3A_770 : memref<64x128xf32, #tpu.memory_space<hbm>>) target(%dma_start3A_768 : memref<64x128xf32, #tpu.memory_space<vmem>>) target_semaphore(%dma_start3A_764 : memref<!tpu.dma_semaphore, #tpu.memory_space<semaphore_mem>>)
        } else {
        }
      } else {
      }
      %mul3A_248 = arith.constant 8 : i32
      %mul3A_249 = arith.muli %scan3A_83, %mul3A_248 : i32
      %add3A_250 = arith.constant 2 : i32
      %add3A_251 = arith.addi %mul3A_249, %add3A_250 : i32
      %slice3A_252 = vector.extract_strided_slice %get3A_91 {offsets = [2], sizes = [1], strides = [1]} : vector<16xi32> to vector<1xi32>
      %squeeze3A_253 = vector.extract %slice3A_252[0] : i32 from vector<1xi32>
      %shift_right_arithmetic3A_254 = arith.constant 7 : i32
      %shift_right_arithmetic3A_255 = arith.shrsi %squeeze3A_253, %shift_right_arithmetic3A_254 : i32
      %and3A_256 = arith.constant 7 : i32
      %and3A_257 = arith.andi %shift_right_arithmetic3A_255, %and3A_256 : i32
      %shift_right_arithmetic3A_258 = arith.constant 24 : i32
      %shift_right_arithmetic3A_259 = arith.shrsi %squeeze3A_253, %shift_right_arithmetic3A_258 : i32
      %and3A_260 = arith.constant 1 : i32
      %and3A_261 = arith.andi %shift_right_arithmetic3A_259, %and3A_260 : i32
      %eq3A_262 = arith.constant 1 : i32
      %eq3A_263 = arith.cmpi eq, %and3A_261, %eq3A_262 : i32
      %convert_element_type3A_264 = arith.extui %eq3A_263 : i1 to i32
      %cond3A_265 = arith.constant 0 : i32
      %cond3A_266 = arith.cmpi ne, %convert_element_type3A_264, %cond3A_265 : i32
      scf.if %cond3A_266 {
        %dma_wait3A = arith.constant 0 : i32
        %dma_wait3A_728 = arith.constant 0 : i32
        %dma_wait3A_729 = tpu.memref_slice %arg8[%and3A_257, %dma_wait3A, %dma_wait3A_728] : memref<8x64x128xf32, #tpu.memory_space<vmem>> -> memref<1x64x128xf32, #tpu.memory_space<vmem>>
        %dma_wait3A_730 = tpu.memref_squeeze %dma_wait3A_729 : memref<1x64x128xf32, #tpu.memory_space<vmem>> -> memref<64x128xf32, #tpu.memory_space<vmem>>
        %dma_wait3A_731 = arith.constant 0 : i32
        %dma_wait3A_732 = arith.constant 0 : i32
        %dma_wait3A_733 = tpu.memref_slice %arg2[%dma_wait3A_731, %dma_wait3A_732] : memref<64x1000001xf32, #tpu.memory_space<hbm>> -> memref<64x128xf32, #tpu.memory_space<hbm>>
        %dma_wait3A_734 = tpu.memref_slice %arg10[%and3A_257] : memref<8x!tpu.dma_semaphore, #tpu.memory_space<semaphore_mem>> -> memref<1x!tpu.dma_semaphore, #tpu.memory_space<semaphore_mem>>
        %dma_wait3A_735 = tpu.memref_squeeze %dma_wait3A_734 : memref<1x!tpu.dma_semaphore, #tpu.memory_space<semaphore_mem>> -> memref<!tpu.dma_semaphore, #tpu.memory_space<semaphore_mem>>
        %dma_wait3A_736 = arith.constant 0 : i32
        %dma_wait3A_737 = arith.constant 0 : i32
        %dma_wait3A_738 = tpu.memref_slice %arg8[%and3A_257, %dma_wait3A_736, %dma_wait3A_737] : memref<8x64x128xf32, #tpu.memory_space<vmem>> -> memref<1x64x128xf32, #tpu.memory_space<vmem>>
        %dma_wait3A_739 = tpu.memref_squeeze %dma_wait3A_738 : memref<1x64x128xf32, #tpu.memory_space<vmem>> -> memref<64x128xf32, #tpu.memory_space<vmem>>
        %dma_wait3A_740 = arith.constant 0 : i32
        %dma_wait3A_741 = arith.constant 0 : i32
        %dma_wait3A_742 = tpu.memref_slice %arg2[%dma_wait3A_740, %dma_wait3A_741] : memref<64x1000001xf32, #tpu.memory_space<hbm>> -> memref<64x128xf32, #tpu.memory_space<hbm>>
        tpu.wait_dma2 semaphore(%dma_wait3A_735 : memref<!tpu.dma_semaphore, #tpu.memory_space<semaphore_mem>>) src(%dma_wait3A_742 : memref<64x128xf32, #tpu.memory_space<hbm>>) dst(%dma_wait3A_739 : memref<64x128xf32, #tpu.memory_space<vmem>>)
      } else {
      }
      %and3A_267 = arith.constant 127 : i32
      %and3A_268 = arith.andi %squeeze3A_253, %and3A_267 : i32
      %broadcast_in_dim3A_269 = vector.broadcast %and3A_268 : i32 to vector<16xi32>
      %broadcast_in_dim3A_270 = vector.broadcast %and3A_257 : i32 to vector<16xi32>
      %shift_right_arithmetic3A_271 = arith.constant 10 : i32
      %shift_right_arithmetic3A_272 = arith.shrsi %squeeze3A_253, %shift_right_arithmetic3A_271 : i32
      %and3A_273 = arith.constant 16383 : i32
      %and3A_274 = arith.andi %shift_right_arithmetic3A_272, %and3A_273 : i32
      %add3A_275 = arith.constant 0 : i32
      %add3A_276 = vector.broadcast %add3A_275 : i32 to vector<16xi32>
      %add3A_277 = arith.addi %iota3A, %add3A_276 : vector<16xi32>
      %gather3A_278 = tpu.vector_load_idx %arg8[%broadcast_in_dim3A_270, %add3A_277, %broadcast_in_dim3A_269] : memref<8x64x128xf32, #tpu.memory_space<vmem>>[vector<16xi32>, vector<16xi32>, vector<16xi32>], vector<16xf32>,
      %mul3A_279 = arith.constant 64 : i32
      %mul3A_280 = arith.muli %add3A_251, %mul3A_279 : i32
      %add3A_281 = arith.constant 0 : i32
      %add3A_282 = arith.addi %mul3A_280, %add3A_281 : i32
      %swap3A_283 = arith.index_cast %add3A_282 : i32 to index
      %swap3A_284 = tpu.vector_load %arg9[%swap3A_283] {strides = array<i32>} : memref<32768xf32, #tpu.memory_space<vmem>>, vector<16xf32>,
      tpu.vector_store %arg9[%swap3A_283], %gather3A_278 {strides = array<i32>} : memref<32768xf32, #tpu.memory_space<vmem>>, vector<16xf32>,
      %add3A_285 = arith.constant 16 : i32
      %add3A_286 = vector.broadcast %add3A_285 : i32 to vector<16xi32>
      %add3A_287 = arith.addi %iota3A, %add3A_286 : vector<16xi32>
      %gather3A_288 = tpu.vector_load_idx %arg8[%broadcast_in_dim3A_270, %add3A_287, %broadcast_in_dim3A_269] : memref<8x64x128xf32, #tpu.memory_space<vmem>>[vector<16xi32>, vector<16xi32>, vector<16xi32>], vector<16xf32>,
      %mul3A_289 = arith.constant 64 : i32
      %mul3A_290 = arith.muli %add3A_251, %mul3A_289 : i32
      %add3A_291 = arith.constant 16 : i32
      %add3A_292 = arith.addi %mul3A_290, %add3A_291 : i32
      %swap3A_293 = arith.index_cast %add3A_292 : i32 to index
      %swap3A_294 = tpu.vector_load %arg9[%swap3A_293] {strides = array<i32>} : memref<32768xf32, #tpu.memory_space<vmem>>, vector<16xf32>,
      tpu.vector_store %arg9[%swap3A_293], %gather3A_288 {strides = array<i32>} : memref<32768xf32, #tpu.memory_space<vmem>>, vector<16xf32>,
      %add3A_295 = arith.constant 32 : i32
      %add3A_296 = vector.broadcast %add3A_295 : i32 to vector<16xi32>
      %add3A_297 = arith.addi %iota3A, %add3A_296 : vector<16xi32>
      %gather3A_298 = tpu.vector_load_idx %arg8[%broadcast_in_dim3A_270, %add3A_297, %broadcast_in_dim3A_269] : memref<8x64x128xf32, #tpu.memory_space<vmem>>[vector<16xi32>, vector<16xi32>, vector<16xi32>], vector<16xf32>,
      %mul3A_299 = arith.constant 64 : i32
      %mul3A_300 = arith.muli %add3A_251, %mul3A_299 : i32
      %add3A_301 = arith.constant 32 : i32
      %add3A_302 = arith.addi %mul3A_300, %add3A_301 : i32
      %swap3A_303 = arith.index_cast %add3A_302 : i32 to index
      %swap3A_304 = tpu.vector_load %arg9[%swap3A_303] {strides = array<i32>} : memref<32768xf32, #tpu.memory_space<vmem>>, vector<16xf32>,
      tpu.vector_store %arg9[%swap3A_303], %gather3A_298 {strides = array<i32>} : memref<32768xf32, #tpu.memory_space<vmem>>, vector<16xf32>,
      %add3A_305 = arith.constant 48 : i32
      %add3A_306 = vector.broadcast %add3A_305 : i32 to vector<16xi32>
      %add3A_307 = arith.addi %iota3A, %add3A_306 : vector<16xi32>
      %gather3A_308 = tpu.vector_load_idx %arg8[%broadcast_in_dim3A_270, %add3A_307, %broadcast_in_dim3A_269] : memref<8x64x128xf32, #tpu.memory_space<vmem>>[vector<16xi32>, vector<16xi32>, vector<16xi32>], vector<16xf32>,
      %mul3A_309 = arith.constant 64 : i32
      %mul3A_310 = arith.muli %add3A_251, %mul3A_309 : i32
      %add3A_311 = arith.constant 48 : i32
      %add3A_312 = arith.addi %mul3A_310, %add3A_311 : i32
      %swap3A_313 = arith.index_cast %add3A_312 : i32 to index
      %swap3A_314 = tpu.vector_load %arg9[%swap3A_313] {strides = array<i32>} : memref<32768xf32, #tpu.memory_space<vmem>>, vector<16xf32>,
      tpu.vector_store %arg9[%swap3A_313], %gather3A_308 {strides = array<i32>} : memref<32768xf32, #tpu.memory_space<vmem>>, vector<16xf32>,
      %mul3A_315 = arith.constant 64 : i32
      %mul3A_316 = arith.muli %add3A_251, %mul3A_315 : i32
      %mul3A_317 = arith.constant 64 : i32
      %mul3A_318 = arith.muli %and3A_274, %mul3A_317 : i32
      %dma_start3A_319 = tpu.memref_slice %arg9[%mul3A_316] : memref<32768xf32, #tpu.memory_space<vmem>> -> memref<64xf32, #tpu.memory_space<vmem>>
      %dma_start3A_320 = tpu.memref_slice %arg5[%mul3A_318] : memref<1048576xf32, #tpu.memory_space<hbm>> -> memref<64xf32, #tpu.memory_space<hbm>>
      %dma_start3A_321 = tpu.memref_slice %arg5[%mul3A_318] : memref<1048576xf32, #tpu.memory_space<hbm>> -> memref<64xf32, #tpu.memory_space<hbm>>
      %dma_start3A_322 = tpu.memref_slice %arg9[%mul3A_316] : memref<32768xf32, #tpu.memory_space<vmem>> -> memref<64xf32, #tpu.memory_space<vmem>>
      tpu.enqueue_dma source(%dma_start3A_322 : memref<64xf32, #tpu.memory_space<vmem>>) target(%dma_start3A_321 : memref<64xf32, #tpu.memory_space<hbm>>) target_semaphore(%arg11 : memref<!tpu.dma_semaphore, #tpu.memory_space<semaphore_mem>>)
      %eq3A_323 = arith.constant 1 : i32
      %eq3A_324 = arith.cmpi eq, %and3A_261, %eq3A_323 : i32
      %convert_element_type3A_325 = arith.extui %eq3A_324 : i1 to i32
      %cond3A_326 = arith.constant 0 : i32
      %cond3A_327 = arith.cmpi ne, %convert_element_type3A_325, %cond3A_326 : i32
      scf.if %cond3A_327 {
        %slice3A_728 = vector.extract_strided_slice %get3A_87 {offsets = [2], sizes = [1], strides = [1]} : vector<16xi32> to vector<1xi32>
        %squeeze3A_729 = vector.extract %slice3A_728[0] : i32 from vector<1xi32>
        %add3A_730 = arith.constant 8 : i32
        %add3A_731 = arith.addi %and3A_257, %add3A_730 : i32
        %sub3A = arith.constant 1 : i32
        %sub3A_732 = arith.subi %add3A_731, %sub3A : i32
        %jit3A = arith.constant 8 : i32
        %eq3A_733 = arith.constant 0 : i32
        %eq3A_734 = arith.cmpi eq, %jit3A, %eq3A_733 : i32
        %jit3A_735 = arith.constant 1 : i32
        %select_n3A = arith.select %eq3A_734, %jit3A_735, %jit3A : i32
        %rem3A = arith.remsi %sub3A_732, %select_n3A : i32
        %ne3A = arith.constant 0 : i32
        %ne3A_736 = arith.cmpi ne, %rem3A, %ne3A : i32
        %lt3A = arith.constant 0 : i32
        %lt3A_737 = arith.cmpi slt, %rem3A, %lt3A : i32
        %lt3A_738 = arith.constant 0 : i32
        %lt3A_739 = arith.cmpi slt, %select_n3A, %lt3A_738 : i32
        %ne3A_740 = arith.xori %lt3A_737, %lt3A_739 : i1
        %and3A_741 = arith.andi %ne3A_740, %ne3A_736 : i1
        %add3A_742 = arith.addi %rem3A, %select_n3A : i32
        %select_n3A_743 = arith.select %and3A_741, %add3A_742, %rem3A : i32
        %shift_right_arithmetic3A_744 = arith.constant 13 : i32
        %shift_right_arithmetic3A_745 = arith.shrsi %squeeze3A_729, %shift_right_arithmetic3A_744 : i32
        %and3A_746 = arith.constant 1 : i32
        %and3A_747 = arith.andi %shift_right_arithmetic3A_745, %and3A_746 : i32
        %eq3A_748 = arith.constant 1 : i32
        %eq3A_749 = arith.cmpi eq, %and3A_747, %eq3A_748 : i32
        %convert_element_type3A_750 = arith.extui %eq3A_749 : i1 to i32
        %cond3A_751 = arith.constant 0 : i32
        %cond3A_752 = arith.cmpi ne, %convert_element_type3A_750, %cond3A_751 : i32
        scf.if %cond3A_752 {
          %and3A_753 = arith.constant 8191 : i32
          %and3A_754 = arith.andi %squeeze3A_729, %and3A_753 : i32
          %mul3A_755 = arith.constant 128 : i32
          %mul3A_756 = arith.muli %and3A_754, %mul3A_755 : i32
          %multiple_of3A = tpu.assume_multiple %mul3A_756, 128 : i32
          %dma_start3A_757 = arith.constant 0 : i32
          %dma_start3A_758 = arith.constant 0 : i32
          %dma_start3A_759 = tpu.memref_slice %arg8[%select_n3A_743, %dma_start3A_757, %dma_start3A_758] : memref<8x64x128xf32, #tpu.memory_space<vmem>> -> memref<1x64x128xf32, #tpu.memory_space<vmem>>
          %dma_start3A_760 = tpu.memref_squeeze %dma_start3A_759 : memref<1x64x128xf32, #tpu.memory_space<vmem>> -> memref<64x128xf32, #tpu.memory_space<vmem>>
          %dma_start3A_761 = arith.constant 0 : i32
          %dma_start3A_762 = tpu.memref_slice %arg2[%dma_start3A_761, %multiple_of3A] : memref<64x1000001xf32, #tpu.memory_space<hbm>> -> memref<64x128xf32, #tpu.memory_space<hbm>>
          %dma_start3A_763 = tpu.memref_slice %arg10[%select_n3A_743] : memref<8x!tpu.dma_semaphore, #tpu.memory_space<semaphore_mem>> -> memref<1x!tpu.dma_semaphore, #tpu.memory_space<semaphore_mem>>
          %dma_start3A_764 = tpu.memref_squeeze %dma_start3A_763 : memref<1x!tpu.dma_semaphore, #tpu.memory_space<semaphore_mem>> -> memref<!tpu.dma_semaphore, #tpu.memory_space<semaphore_mem>>
          %dma_start3A_765 = arith.constant 0 : i32
          %dma_start3A_766 = arith.constant 0 : i32
          %dma_start3A_767 = tpu.memref_slice %arg8[%select_n3A_743, %dma_start3A_765, %dma_start3A_766] : memref<8x64x128xf32, #tpu.memory_space<vmem>> -> memref<1x64x128xf32, #tpu.memory_space<vmem>>
          %dma_start3A_768 = tpu.memref_squeeze %dma_start3A_767 : memref<1x64x128xf32, #tpu.memory_space<vmem>> -> memref<64x128xf32, #tpu.memory_space<vmem>>
          %dma_start3A_769 = arith.constant 0 : i32
          %dma_start3A_770 = tpu.memref_slice %arg2[%dma_start3A_769, %multiple_of3A] : memref<64x1000001xf32, #tpu.memory_space<hbm>> -> memref<64x128xf32, #tpu.memory_space<hbm>>
          tpu.enqueue_dma source(%dma_start3A_770 : memref<64x128xf32, #tpu.memory_space<hbm>>) target(%dma_start3A_768 : memref<64x128xf32, #tpu.memory_space<vmem>>) target_semaphore(%dma_start3A_764 : memref<!tpu.dma_semaphore, #tpu.memory_space<semaphore_mem>>)
        } else {
        }
      } else {
      }
      %mul3A_328 = arith.constant 8 : i32
      %mul3A_329 = arith.muli %scan3A_83, %mul3A_328 : i32
      %add3A_330 = arith.constant 3 : i32
      %add3A_331 = arith.addi %mul3A_329, %add3A_330 : i32
      %slice3A_332 = vector.extract_strided_slice %get3A_91 {offsets = [3], sizes = [1], strides = [1]} : vector<16xi32> to vector<1xi32>
      %squeeze3A_333 = vector.extract %slice3A_332[0] : i32 from vector<1xi32>
      %shift_right_arithmetic3A_334 = arith.constant 7 : i32
      %shift_right_arithmetic3A_335 = arith.shrsi %squeeze3A_333, %shift_right_arithmetic3A_334 : i32
      %and3A_336 = arith.constant 7 : i32
      %and3A_337 = arith.andi %shift_right_arithmetic3A_335, %and3A_336 : i32
      %shift_right_arithmetic3A_338 = arith.constant 24 : i32
      %shift_right_arithmetic3A_339 = arith.shrsi %squeeze3A_333, %shift_right_arithmetic3A_338 : i32
      %and3A_340 = arith.constant 1 : i32
      %and3A_341 = arith.andi %shift_right_arithmetic3A_339, %and3A_340 : i32
      %eq3A_342 = arith.constant 1 : i32
      %eq3A_343 = arith.cmpi eq, %and3A_341, %eq3A_342 : i32
      %convert_element_type3A_344 = arith.extui %eq3A_343 : i1 to i32
      %cond3A_345 = arith.constant 0 : i32
      %cond3A_346 = arith.cmpi ne, %convert_element_type3A_344, %cond3A_345 : i32
      scf.if %cond3A_346 {
        %dma_wait3A = arith.constant 0 : i32
        %dma_wait3A_728 = arith.constant 0 : i32
        %dma_wait3A_729 = tpu.memref_slice %arg8[%and3A_337, %dma_wait3A, %dma_wait3A_728] : memref<8x64x128xf32, #tpu.memory_space<vmem>> -> memref<1x64x128xf32, #tpu.memory_space<vmem>>
        %dma_wait3A_730 = tpu.memref_squeeze %dma_wait3A_729 : memref<1x64x128xf32, #tpu.memory_space<vmem>> -> memref<64x128xf32, #tpu.memory_space<vmem>>
        %dma_wait3A_731 = arith.constant 0 : i32
        %dma_wait3A_732 = arith.constant 0 : i32
        %dma_wait3A_733 = tpu.memref_slice %arg2[%dma_wait3A_731, %dma_wait3A_732] : memref<64x1000001xf32, #tpu.memory_space<hbm>> -> memref<64x128xf32, #tpu.memory_space<hbm>>
        %dma_wait3A_734 = tpu.memref_slice %arg10[%and3A_337] : memref<8x!tpu.dma_semaphore, #tpu.memory_space<semaphore_mem>> -> memref<1x!tpu.dma_semaphore, #tpu.memory_space<semaphore_mem>>
        %dma_wait3A_735 = tpu.memref_squeeze %dma_wait3A_734 : memref<1x!tpu.dma_semaphore, #tpu.memory_space<semaphore_mem>> -> memref<!tpu.dma_semaphore, #tpu.memory_space<semaphore_mem>>
        %dma_wait3A_736 = arith.constant 0 : i32
        %dma_wait3A_737 = arith.constant 0 : i32
        %dma_wait3A_738 = tpu.memref_slice %arg8[%and3A_337, %dma_wait3A_736, %dma_wait3A_737] : memref<8x64x128xf32, #tpu.memory_space<vmem>> -> memref<1x64x128xf32, #tpu.memory_space<vmem>>
        %dma_wait3A_739 = tpu.memref_squeeze %dma_wait3A_738 : memref<1x64x128xf32, #tpu.memory_space<vmem>> -> memref<64x128xf32, #tpu.memory_space<vmem>>
        %dma_wait3A_740 = arith.constant 0 : i32
        %dma_wait3A_741 = arith.constant 0 : i32
        %dma_wait3A_742 = tpu.memref_slice %arg2[%dma_wait3A_740, %dma_wait3A_741] : memref<64x1000001xf32, #tpu.memory_space<hbm>> -> memref<64x128xf32, #tpu.memory_space<hbm>>
        tpu.wait_dma2 semaphore(%dma_wait3A_735 : memref<!tpu.dma_semaphore, #tpu.memory_space<semaphore_mem>>) src(%dma_wait3A_742 : memref<64x128xf32, #tpu.memory_space<hbm>>) dst(%dma_wait3A_739 : memref<64x128xf32, #tpu.memory_space<vmem>>)
      } else {
      }
      %and3A_347 = arith.constant 127 : i32
      %and3A_348 = arith.andi %squeeze3A_333, %and3A_347 : i32
      %broadcast_in_dim3A_349 = vector.broadcast %and3A_348 : i32 to vector<16xi32>
      %broadcast_in_dim3A_350 = vector.broadcast %and3A_337 : i32 to vector<16xi32>
      %shift_right_arithmetic3A_351 = arith.constant 10 : i32
      %shift_right_arithmetic3A_352 = arith.shrsi %squeeze3A_333, %shift_right_arithmetic3A_351 : i32
      %and3A_353 = arith.constant 16383 : i32
      %and3A_354 = arith.andi %shift_right_arithmetic3A_352, %and3A_353 : i32
      %add3A_355 = arith.constant 0 : i32
      %add3A_356 = vector.broadcast %add3A_355 : i32 to vector<16xi32>
      %add3A_357 = arith.addi %iota3A, %add3A_356 : vector<16xi32>
      %gather3A_358 = tpu.vector_load_idx %arg8[%broadcast_in_dim3A_350, %add3A_357, %broadcast_in_dim3A_349] : memref<8x64x128xf32, #tpu.memory_space<vmem>>[vector<16xi32>, vector<16xi32>, vector<16xi32>], vector<16xf32>,
      %mul3A_359 = arith.constant 64 : i32
      %mul3A_360 = arith.muli %add3A_331, %mul3A_359 : i32
      %add3A_361 = arith.constant 0 : i32
      %add3A_362 = arith.addi %mul3A_360, %add3A_361 : i32
      %swap3A_363 = arith.index_cast %add3A_362 : i32 to index
      %swap3A_364 = tpu.vector_load %arg9[%swap3A_363] {strides = array<i32>} : memref<32768xf32, #tpu.memory_space<vmem>>, vector<16xf32>,
      tpu.vector_store %arg9[%swap3A_363], %gather3A_358 {strides = array<i32>} : memref<32768xf32, #tpu.memory_space<vmem>>, vector<16xf32>,
      %add3A_365 = arith.constant 16 : i32
      %add3A_366 = vector.broadcast %add3A_365 : i32 to vector<16xi32>
      %add3A_367 = arith.addi %iota3A, %add3A_366 : vector<16xi32>
      %gather3A_368 = tpu.vector_load_idx %arg8[%broadcast_in_dim3A_350, %add3A_367, %broadcast_in_dim3A_349] : memref<8x64x128xf32, #tpu.memory_space<vmem>>[vector<16xi32>, vector<16xi32>, vector<16xi32>], vector<16xf32>,
      %mul3A_369 = arith.constant 64 : i32
      %mul3A_370 = arith.muli %add3A_331, %mul3A_369 : i32
      %add3A_371 = arith.constant 16 : i32
      %add3A_372 = arith.addi %mul3A_370, %add3A_371 : i32
      %swap3A_373 = arith.index_cast %add3A_372 : i32 to index
      %swap3A_374 = tpu.vector_load %arg9[%swap3A_373] {strides = array<i32>} : memref<32768xf32, #tpu.memory_space<vmem>>, vector<16xf32>,
      tpu.vector_store %arg9[%swap3A_373], %gather3A_368 {strides = array<i32>} : memref<32768xf32, #tpu.memory_space<vmem>>, vector<16xf32>,
      %add3A_375 = arith.constant 32 : i32
      %add3A_376 = vector.broadcast %add3A_375 : i32 to vector<16xi32>
      %add3A_377 = arith.addi %iota3A, %add3A_376 : vector<16xi32>
      %gather3A_378 = tpu.vector_load_idx %arg8[%broadcast_in_dim3A_350, %add3A_377, %broadcast_in_dim3A_349] : memref<8x64x128xf32, #tpu.memory_space<vmem>>[vector<16xi32>, vector<16xi32>, vector<16xi32>], vector<16xf32>,
      %mul3A_379 = arith.constant 64 : i32
      %mul3A_380 = arith.muli %add3A_331, %mul3A_379 : i32
      %add3A_381 = arith.constant 32 : i32
      %add3A_382 = arith.addi %mul3A_380, %add3A_381 : i32
      %swap3A_383 = arith.index_cast %add3A_382 : i32 to index
      %swap3A_384 = tpu.vector_load %arg9[%swap3A_383] {strides = array<i32>} : memref<32768xf32, #tpu.memory_space<vmem>>, vector<16xf32>,
      tpu.vector_store %arg9[%swap3A_383], %gather3A_378 {strides = array<i32>} : memref<32768xf32, #tpu.memory_space<vmem>>, vector<16xf32>,
      %add3A_385 = arith.constant 48 : i32
      %add3A_386 = vector.broadcast %add3A_385 : i32 to vector<16xi32>
      %add3A_387 = arith.addi %iota3A, %add3A_386 : vector<16xi32>
      %gather3A_388 = tpu.vector_load_idx %arg8[%broadcast_in_dim3A_350, %add3A_387, %broadcast_in_dim3A_349] : memref<8x64x128xf32, #tpu.memory_space<vmem>>[vector<16xi32>, vector<16xi32>, vector<16xi32>], vector<16xf32>,
      %mul3A_389 = arith.constant 64 : i32
      %mul3A_390 = arith.muli %add3A_331, %mul3A_389 : i32
      %add3A_391 = arith.constant 48 : i32
      %add3A_392 = arith.addi %mul3A_390, %add3A_391 : i32
      %swap3A_393 = arith.index_cast %add3A_392 : i32 to index
      %swap3A_394 = tpu.vector_load %arg9[%swap3A_393] {strides = array<i32>} : memref<32768xf32, #tpu.memory_space<vmem>>, vector<16xf32>,
      tpu.vector_store %arg9[%swap3A_393], %gather3A_388 {strides = array<i32>} : memref<32768xf32, #tpu.memory_space<vmem>>, vector<16xf32>,
      %mul3A_395 = arith.constant 64 : i32
      %mul3A_396 = arith.muli %add3A_331, %mul3A_395 : i32
      %mul3A_397 = arith.constant 64 : i32
      %mul3A_398 = arith.muli %and3A_354, %mul3A_397 : i32
      %dma_start3A_399 = tpu.memref_slice %arg9[%mul3A_396] : memref<32768xf32, #tpu.memory_space<vmem>> -> memref<64xf32, #tpu.memory_space<vmem>>
      %dma_start3A_400 = tpu.memref_slice %arg5[%mul3A_398] : memref<1048576xf32, #tpu.memory_space<hbm>> -> memref<64xf32, #tpu.memory_space<hbm>>
      %dma_start3A_401 = tpu.memref_slice %arg5[%mul3A_398] : memref<1048576xf32, #tpu.memory_space<hbm>> -> memref<64xf32, #tpu.memory_space<hbm>>
      %dma_start3A_402 = tpu.memref_slice %arg9[%mul3A_396] : memref<32768xf32, #tpu.memory_space<vmem>> -> memref<64xf32, #tpu.memory_space<vmem>>
      tpu.enqueue_dma source(%dma_start3A_402 : memref<64xf32, #tpu.memory_space<vmem>>) target(%dma_start3A_401 : memref<64xf32, #tpu.memory_space<hbm>>) target_semaphore(%arg11 : memref<!tpu.dma_semaphore, #tpu.memory_space<semaphore_mem>>)
      %eq3A_403 = arith.constant 1 : i32
      %eq3A_404 = arith.cmpi eq, %and3A_341, %eq3A_403 : i32
      %convert_element_type3A_405 = arith.extui %eq3A_404 : i1 to i32
      %cond3A_406 = arith.constant 0 : i32
      %cond3A_407 = arith.cmpi ne, %convert_element_type3A_405, %cond3A_406 : i32
      scf.if %cond3A_407 {
        %slice3A_728 = vector.extract_strided_slice %get3A_87 {offsets = [3], sizes = [1], strides = [1]} : vector<16xi32> to vector<1xi32>
        %squeeze3A_729 = vector.extract %slice3A_728[0] : i32 from vector<1xi32>
        %add3A_730 = arith.constant 8 : i32
        %add3A_731 = arith.addi %and3A_337, %add3A_730 : i32
        %sub3A = arith.constant 1 : i32
        %sub3A_732 = arith.subi %add3A_731, %sub3A : i32
        %jit3A = arith.constant 8 : i32
        %eq3A_733 = arith.constant 0 : i32
        %eq3A_734 = arith.cmpi eq, %jit3A, %eq3A_733 : i32
        %jit3A_735 = arith.constant 1 : i32
        %select_n3A = arith.select %eq3A_734, %jit3A_735, %jit3A : i32
        %rem3A = arith.remsi %sub3A_732, %select_n3A : i32
        %ne3A = arith.constant 0 : i32
        %ne3A_736 = arith.cmpi ne, %rem3A, %ne3A : i32
        %lt3A = arith.constant 0 : i32
        %lt3A_737 = arith.cmpi slt, %rem3A, %lt3A : i32
        %lt3A_738 = arith.constant 0 : i32
        %lt3A_739 = arith.cmpi slt, %select_n3A, %lt3A_738 : i32
        %ne3A_740 = arith.xori %lt3A_737, %lt3A_739 : i1
        %and3A_741 = arith.andi %ne3A_740, %ne3A_736 : i1
        %add3A_742 = arith.addi %rem3A, %select_n3A : i32
        %select_n3A_743 = arith.select %and3A_741, %add3A_742, %rem3A : i32
        %shift_right_arithmetic3A_744 = arith.constant 13 : i32
        %shift_right_arithmetic3A_745 = arith.shrsi %squeeze3A_729, %shift_right_arithmetic3A_744 : i32
        %and3A_746 = arith.constant 1 : i32
        %and3A_747 = arith.andi %shift_right_arithmetic3A_745, %and3A_746 : i32
        %eq3A_748 = arith.constant 1 : i32
        %eq3A_749 = arith.cmpi eq, %and3A_747, %eq3A_748 : i32
        %convert_element_type3A_750 = arith.extui %eq3A_749 : i1 to i32
        %cond3A_751 = arith.constant 0 : i32
        %cond3A_752 = arith.cmpi ne, %convert_element_type3A_750, %cond3A_751 : i32
        scf.if %cond3A_752 {
          %and3A_753 = arith.constant 8191 : i32
          %and3A_754 = arith.andi %squeeze3A_729, %and3A_753 : i32
          %mul3A_755 = arith.constant 128 : i32
          %mul3A_756 = arith.muli %and3A_754, %mul3A_755 : i32
          %multiple_of3A = tpu.assume_multiple %mul3A_756, 128 : i32
          %dma_start3A_757 = arith.constant 0 : i32
          %dma_start3A_758 = arith.constant 0 : i32
          %dma_start3A_759 = tpu.memref_slice %arg8[%select_n3A_743, %dma_start3A_757, %dma_start3A_758] : memref<8x64x128xf32, #tpu.memory_space<vmem>> -> memref<1x64x128xf32, #tpu.memory_space<vmem>>
          %dma_start3A_760 = tpu.memref_squeeze %dma_start3A_759 : memref<1x64x128xf32, #tpu.memory_space<vmem>> -> memref<64x128xf32, #tpu.memory_space<vmem>>
          %dma_start3A_761 = arith.constant 0 : i32
          %dma_start3A_762 = tpu.memref_slice %arg2[%dma_start3A_761, %multiple_of3A] : memref<64x1000001xf32, #tpu.memory_space<hbm>> -> memref<64x128xf32, #tpu.memory_space<hbm>>
          %dma_start3A_763 = tpu.memref_slice %arg10[%select_n3A_743] : memref<8x!tpu.dma_semaphore, #tpu.memory_space<semaphore_mem>> -> memref<1x!tpu.dma_semaphore, #tpu.memory_space<semaphore_mem>>
          %dma_start3A_764 = tpu.memref_squeeze %dma_start3A_763 : memref<1x!tpu.dma_semaphore, #tpu.memory_space<semaphore_mem>> -> memref<!tpu.dma_semaphore, #tpu.memory_space<semaphore_mem>>
          %dma_start3A_765 = arith.constant 0 : i32
          %dma_start3A_766 = arith.constant 0 : i32
          %dma_start3A_767 = tpu.memref_slice %arg8[%select_n3A_743, %dma_start3A_765, %dma_start3A_766] : memref<8x64x128xf32, #tpu.memory_space<vmem>> -> memref<1x64x128xf32, #tpu.memory_space<vmem>>
          %dma_start3A_768 = tpu.memref_squeeze %dma_start3A_767 : memref<1x64x128xf32, #tpu.memory_space<vmem>> -> memref<64x128xf32, #tpu.memory_space<vmem>>
          %dma_start3A_769 = arith.constant 0 : i32
          %dma_start3A_770 = tpu.memref_slice %arg2[%dma_start3A_769, %multiple_of3A] : memref<64x1000001xf32, #tpu.memory_space<hbm>> -> memref<64x128xf32, #tpu.memory_space<hbm>>
          tpu.enqueue_dma source(%dma_start3A_770 : memref<64x128xf32, #tpu.memory_space<hbm>>) target(%dma_start3A_768 : memref<64x128xf32, #tpu.memory_space<vmem>>) target_semaphore(%dma_start3A_764 : memref<!tpu.dma_semaphore, #tpu.memory_space<semaphore_mem>>)
        } else {
        }
      } else {
      }
      %mul3A_408 = arith.constant 8 : i32
      %mul3A_409 = arith.muli %scan3A_83, %mul3A_408 : i32
      %add3A_410 = arith.constant 4 : i32
      %add3A_411 = arith.addi %mul3A_409, %add3A_410 : i32
      %slice3A_412 = vector.extract_strided_slice %get3A_91 {offsets = [4], sizes = [1], strides = [1]} : vector<16xi32> to vector<1xi32>
      %squeeze3A_413 = vector.extract %slice3A_412[0] : i32 from vector<1xi32>
      %shift_right_arithmetic3A_414 = arith.constant 7 : i32
      %shift_right_arithmetic3A_415 = arith.shrsi %squeeze3A_413, %shift_right_arithmetic3A_414 : i32
      %and3A_416 = arith.constant 7 : i32
      %and3A_417 = arith.andi %shift_right_arithmetic3A_415, %and3A_416 : i32
      %shift_right_arithmetic3A_418 = arith.constant 24 : i32
      %shift_right_arithmetic3A_419 = arith.shrsi %squeeze3A_413, %shift_right_arithmetic3A_418 : i32
      %and3A_420 = arith.constant 1 : i32
      %and3A_421 = arith.andi %shift_right_arithmetic3A_419, %and3A_420 : i32
      %eq3A_422 = arith.constant 1 : i32
      %eq3A_423 = arith.cmpi eq, %and3A_421, %eq3A_422 : i32
      %convert_element_type3A_424 = arith.extui %eq3A_423 : i1 to i32
      %cond3A_425 = arith.constant 0 : i32
      %cond3A_426 = arith.cmpi ne, %convert_element_type3A_424, %cond3A_425 : i32
      scf.if %cond3A_426 {
        %dma_wait3A = arith.constant 0 : i32
        %dma_wait3A_728 = arith.constant 0 : i32
        %dma_wait3A_729 = tpu.memref_slice %arg8[%and3A_417, %dma_wait3A, %dma_wait3A_728] : memref<8x64x128xf32, #tpu.memory_space<vmem>> -> memref<1x64x128xf32, #tpu.memory_space<vmem>>
        %dma_wait3A_730 = tpu.memref_squeeze %dma_wait3A_729 : memref<1x64x128xf32, #tpu.memory_space<vmem>> -> memref<64x128xf32, #tpu.memory_space<vmem>>
        %dma_wait3A_731 = arith.constant 0 : i32
        %dma_wait3A_732 = arith.constant 0 : i32
        %dma_wait3A_733 = tpu.memref_slice %arg2[%dma_wait3A_731, %dma_wait3A_732] : memref<64x1000001xf32, #tpu.memory_space<hbm>> -> memref<64x128xf32, #tpu.memory_space<hbm>>
        %dma_wait3A_734 = tpu.memref_slice %arg10[%and3A_417] : memref<8x!tpu.dma_semaphore, #tpu.memory_space<semaphore_mem>> -> memref<1x!tpu.dma_semaphore, #tpu.memory_space<semaphore_mem>>
        %dma_wait3A_735 = tpu.memref_squeeze %dma_wait3A_734 : memref<1x!tpu.dma_semaphore, #tpu.memory_space<semaphore_mem>> -> memref<!tpu.dma_semaphore, #tpu.memory_space<semaphore_mem>>
        %dma_wait3A_736 = arith.constant 0 : i32
        %dma_wait3A_737 = arith.constant 0 : i32
        %dma_wait3A_738 = tpu.memref_slice %arg8[%and3A_417, %dma_wait3A_736, %dma_wait3A_737] : memref<8x64x128xf32, #tpu.memory_space<vmem>> -> memref<1x64x128xf32, #tpu.memory_space<vmem>>
        %dma_wait3A_739 = tpu.memref_squeeze %dma_wait3A_738 : memref<1x64x128xf32, #tpu.memory_space<vmem>> -> memref<64x128xf32, #tpu.memory_space<vmem>>
        %dma_wait3A_740 = arith.constant 0 : i32
        %dma_wait3A_741 = arith.constant 0 : i32
        %dma_wait3A_742 = tpu.memref_slice %arg2[%dma_wait3A_740, %dma_wait3A_741] : memref<64x1000001xf32, #tpu.memory_space<hbm>> -> memref<64x128xf32, #tpu.memory_space<hbm>>
        tpu.wait_dma2 semaphore(%dma_wait3A_735 : memref<!tpu.dma_semaphore, #tpu.memory_space<semaphore_mem>>) src(%dma_wait3A_742 : memref<64x128xf32, #tpu.memory_space<hbm>>) dst(%dma_wait3A_739 : memref<64x128xf32, #tpu.memory_space<vmem>>)
      } else {
      }
      %and3A_427 = arith.constant 127 : i32
      %and3A_428 = arith.andi %squeeze3A_413, %and3A_427 : i32
      %broadcast_in_dim3A_429 = vector.broadcast %and3A_428 : i32 to vector<16xi32>
      %broadcast_in_dim3A_430 = vector.broadcast %and3A_417 : i32 to vector<16xi32>
      %shift_right_arithmetic3A_431 = arith.constant 10 : i32
      %shift_right_arithmetic3A_432 = arith.shrsi %squeeze3A_413, %shift_right_arithmetic3A_431 : i32
      %and3A_433 = arith.constant 16383 : i32
      %and3A_434 = arith.andi %shift_right_arithmetic3A_432, %and3A_433 : i32
      %add3A_435 = arith.constant 0 : i32
      %add3A_436 = vector.broadcast %add3A_435 : i32 to vector<16xi32>
      %add3A_437 = arith.addi %iota3A, %add3A_436 : vector<16xi32>
      %gather3A_438 = tpu.vector_load_idx %arg8[%broadcast_in_dim3A_430, %add3A_437, %broadcast_in_dim3A_429] : memref<8x64x128xf32, #tpu.memory_space<vmem>>[vector<16xi32>, vector<16xi32>, vector<16xi32>], vector<16xf32>,
      %mul3A_439 = arith.constant 64 : i32
      %mul3A_440 = arith.muli %add3A_411, %mul3A_439 : i32
      %add3A_441 = arith.constant 0 : i32
      %add3A_442 = arith.addi %mul3A_440, %add3A_441 : i32
      %swap3A_443 = arith.index_cast %add3A_442 : i32 to index
      %swap3A_444 = tpu.vector_load %arg9[%swap3A_443] {strides = array<i32>} : memref<32768xf32, #tpu.memory_space<vmem>>, vector<16xf32>,
      tpu.vector_store %arg9[%swap3A_443], %gather3A_438 {strides = array<i32>} : memref<32768xf32, #tpu.memory_space<vmem>>, vector<16xf32>,
      %add3A_445 = arith.constant 16 : i32
      %add3A_446 = vector.broadcast %add3A_445 : i32 to vector<16xi32>
      %add3A_447 = arith.addi %iota3A, %add3A_446 : vector<16xi32>
      %gather3A_448 = tpu.vector_load_idx %arg8[%broadcast_in_dim3A_430, %add3A_447, %broadcast_in_dim3A_429] : memref<8x64x128xf32, #tpu.memory_space<vmem>>[vector<16xi32>, vector<16xi32>, vector<16xi32>], vector<16xf32>,
      %mul3A_449 = arith.constant 64 : i32
      %mul3A_450 = arith.muli %add3A_411, %mul3A_449 : i32
      %add3A_451 = arith.constant 16 : i32
      %add3A_452 = arith.addi %mul3A_450, %add3A_451 : i32
      %swap3A_453 = arith.index_cast %add3A_452 : i32 to index
      %swap3A_454 = tpu.vector_load %arg9[%swap3A_453] {strides = array<i32>} : memref<32768xf32, #tpu.memory_space<vmem>>, vector<16xf32>,
      tpu.vector_store %arg9[%swap3A_453], %gather3A_448 {strides = array<i32>} : memref<32768xf32, #tpu.memory_space<vmem>>, vector<16xf32>,
      %add3A_455 = arith.constant 32 : i32
      %add3A_456 = vector.broadcast %add3A_455 : i32 to vector<16xi32>
      %add3A_457 = arith.addi %iota3A, %add3A_456 : vector<16xi32>
      %gather3A_458 = tpu.vector_load_idx %arg8[%broadcast_in_dim3A_430, %add3A_457, %broadcast_in_dim3A_429] : memref<8x64x128xf32, #tpu.memory_space<vmem>>[vector<16xi32>, vector<16xi32>, vector<16xi32>], vector<16xf32>,
      %mul3A_459 = arith.constant 64 : i32
      %mul3A_460 = arith.muli %add3A_411, %mul3A_459 : i32
      %add3A_461 = arith.constant 32 : i32
      %add3A_462 = arith.addi %mul3A_460, %add3A_461 : i32
      %swap3A_463 = arith.index_cast %add3A_462 : i32 to index
      %swap3A_464 = tpu.vector_load %arg9[%swap3A_463] {strides = array<i32>} : memref<32768xf32, #tpu.memory_space<vmem>>, vector<16xf32>,
      tpu.vector_store %arg9[%swap3A_463], %gather3A_458 {strides = array<i32>} : memref<32768xf32, #tpu.memory_space<vmem>>, vector<16xf32>,
      %add3A_465 = arith.constant 48 : i32
      %add3A_466 = vector.broadcast %add3A_465 : i32 to vector<16xi32>
      %add3A_467 = arith.addi %iota3A, %add3A_466 : vector<16xi32>
      %gather3A_468 = tpu.vector_load_idx %arg8[%broadcast_in_dim3A_430, %add3A_467, %broadcast_in_dim3A_429] : memref<8x64x128xf32, #tpu.memory_space<vmem>>[vector<16xi32>, vector<16xi32>, vector<16xi32>], vector<16xf32>,
      %mul3A_469 = arith.constant 64 : i32
      %mul3A_470 = arith.muli %add3A_411, %mul3A_469 : i32
      %add3A_471 = arith.constant 48 : i32
      %add3A_472 = arith.addi %mul3A_470, %add3A_471 : i32
      %swap3A_473 = arith.index_cast %add3A_472 : i32 to index
      %swap3A_474 = tpu.vector_load %arg9[%swap3A_473] {strides = array<i32>} : memref<32768xf32, #tpu.memory_space<vmem>>, vector<16xf32>,
      tpu.vector_store %arg9[%swap3A_473], %gather3A_468 {strides = array<i32>} : memref<32768xf32, #tpu.memory_space<vmem>>, vector<16xf32>,
      %mul3A_475 = arith.constant 64 : i32
      %mul3A_476 = arith.muli %add3A_411, %mul3A_475 : i32
      %mul3A_477 = arith.constant 64 : i32
      %mul3A_478 = arith.muli %and3A_434, %mul3A_477 : i32
      %dma_start3A_479 = tpu.memref_slice %arg9[%mul3A_476] : memref<32768xf32, #tpu.memory_space<vmem>> -> memref<64xf32, #tpu.memory_space<vmem>>
      %dma_start3A_480 = tpu.memref_slice %arg5[%mul3A_478] : memref<1048576xf32, #tpu.memory_space<hbm>> -> memref<64xf32, #tpu.memory_space<hbm>>
      %dma_start3A_481 = tpu.memref_slice %arg5[%mul3A_478] : memref<1048576xf32, #tpu.memory_space<hbm>> -> memref<64xf32, #tpu.memory_space<hbm>>
      %dma_start3A_482 = tpu.memref_slice %arg9[%mul3A_476] : memref<32768xf32, #tpu.memory_space<vmem>> -> memref<64xf32, #tpu.memory_space<vmem>>
      tpu.enqueue_dma source(%dma_start3A_482 : memref<64xf32, #tpu.memory_space<vmem>>) target(%dma_start3A_481 : memref<64xf32, #tpu.memory_space<hbm>>) target_semaphore(%arg11 : memref<!tpu.dma_semaphore, #tpu.memory_space<semaphore_mem>>)
      %eq3A_483 = arith.constant 1 : i32
      %eq3A_484 = arith.cmpi eq, %and3A_421, %eq3A_483 : i32
      %convert_element_type3A_485 = arith.extui %eq3A_484 : i1 to i32
      %cond3A_486 = arith.constant 0 : i32
      %cond3A_487 = arith.cmpi ne, %convert_element_type3A_485, %cond3A_486 : i32
      scf.if %cond3A_487 {
        %slice3A_728 = vector.extract_strided_slice %get3A_87 {offsets = [4], sizes = [1], strides = [1]} : vector<16xi32> to vector<1xi32>
        %squeeze3A_729 = vector.extract %slice3A_728[0] : i32 from vector<1xi32>
        %add3A_730 = arith.constant 8 : i32
        %add3A_731 = arith.addi %and3A_417, %add3A_730 : i32
        %sub3A = arith.constant 1 : i32
        %sub3A_732 = arith.subi %add3A_731, %sub3A : i32
        %jit3A = arith.constant 8 : i32
        %eq3A_733 = arith.constant 0 : i32
        %eq3A_734 = arith.cmpi eq, %jit3A, %eq3A_733 : i32
        %jit3A_735 = arith.constant 1 : i32
        %select_n3A = arith.select %eq3A_734, %jit3A_735, %jit3A : i32
        %rem3A = arith.remsi %sub3A_732, %select_n3A : i32
        %ne3A = arith.constant 0 : i32
        %ne3A_736 = arith.cmpi ne, %rem3A, %ne3A : i32
        %lt3A = arith.constant 0 : i32
        %lt3A_737 = arith.cmpi slt, %rem3A, %lt3A : i32
        %lt3A_738 = arith.constant 0 : i32
        %lt3A_739 = arith.cmpi slt, %select_n3A, %lt3A_738 : i32
        %ne3A_740 = arith.xori %lt3A_737, %lt3A_739 : i1
        %and3A_741 = arith.andi %ne3A_740, %ne3A_736 : i1
        %add3A_742 = arith.addi %rem3A, %select_n3A : i32
        %select_n3A_743 = arith.select %and3A_741, %add3A_742, %rem3A : i32
        %shift_right_arithmetic3A_744 = arith.constant 13 : i32
        %shift_right_arithmetic3A_745 = arith.shrsi %squeeze3A_729, %shift_right_arithmetic3A_744 : i32
        %and3A_746 = arith.constant 1 : i32
        %and3A_747 = arith.andi %shift_right_arithmetic3A_745, %and3A_746 : i32
        %eq3A_748 = arith.constant 1 : i32
        %eq3A_749 = arith.cmpi eq, %and3A_747, %eq3A_748 : i32
        %convert_element_type3A_750 = arith.extui %eq3A_749 : i1 to i32
        %cond3A_751 = arith.constant 0 : i32
        %cond3A_752 = arith.cmpi ne, %convert_element_type3A_750, %cond3A_751 : i32
        scf.if %cond3A_752 {
          %and3A_753 = arith.constant 8191 : i32
          %and3A_754 = arith.andi %squeeze3A_729, %and3A_753 : i32
          %mul3A_755 = arith.constant 128 : i32
          %mul3A_756 = arith.muli %and3A_754, %mul3A_755 : i32
          %multiple_of3A = tpu.assume_multiple %mul3A_756, 128 : i32
          %dma_start3A_757 = arith.constant 0 : i32
          %dma_start3A_758 = arith.constant 0 : i32
          %dma_start3A_759 = tpu.memref_slice %arg8[%select_n3A_743, %dma_start3A_757, %dma_start3A_758] : memref<8x64x128xf32, #tpu.memory_space<vmem>> -> memref<1x64x128xf32, #tpu.memory_space<vmem>>
          %dma_start3A_760 = tpu.memref_squeeze %dma_start3A_759 : memref<1x64x128xf32, #tpu.memory_space<vmem>> -> memref<64x128xf32, #tpu.memory_space<vmem>>
          %dma_start3A_761 = arith.constant 0 : i32
          %dma_start3A_762 = tpu.memref_slice %arg2[%dma_start3A_761, %multiple_of3A] : memref<64x1000001xf32, #tpu.memory_space<hbm>> -> memref<64x128xf32, #tpu.memory_space<hbm>>
          %dma_start3A_763 = tpu.memref_slice %arg10[%select_n3A_743] : memref<8x!tpu.dma_semaphore, #tpu.memory_space<semaphore_mem>> -> memref<1x!tpu.dma_semaphore, #tpu.memory_space<semaphore_mem>>
          %dma_start3A_764 = tpu.memref_squeeze %dma_start3A_763 : memref<1x!tpu.dma_semaphore, #tpu.memory_space<semaphore_mem>> -> memref<!tpu.dma_semaphore, #tpu.memory_space<semaphore_mem>>
          %dma_start3A_765 = arith.constant 0 : i32
          %dma_start3A_766 = arith.constant 0 : i32
          %dma_start3A_767 = tpu.memref_slice %arg8[%select_n3A_743, %dma_start3A_765, %dma_start3A_766] : memref<8x64x128xf32, #tpu.memory_space<vmem>> -> memref<1x64x128xf32, #tpu.memory_space<vmem>>
          %dma_start3A_768 = tpu.memref_squeeze %dma_start3A_767 : memref<1x64x128xf32, #tpu.memory_space<vmem>> -> memref<64x128xf32, #tpu.memory_space<vmem>>
          %dma_start3A_769 = arith.constant 0 : i32
          %dma_start3A_770 = tpu.memref_slice %arg2[%dma_start3A_769, %multiple_of3A] : memref<64x1000001xf32, #tpu.memory_space<hbm>> -> memref<64x128xf32, #tpu.memory_space<hbm>>
          tpu.enqueue_dma source(%dma_start3A_770 : memref<64x128xf32, #tpu.memory_space<hbm>>) target(%dma_start3A_768 : memref<64x128xf32, #tpu.memory_space<vmem>>) target_semaphore(%dma_start3A_764 : memref<!tpu.dma_semaphore, #tpu.memory_space<semaphore_mem>>)
        } else {
        }
      } else {
      }
      %mul3A_488 = arith.constant 8 : i32
      %mul3A_489 = arith.muli %scan3A_83, %mul3A_488 : i32
      %add3A_490 = arith.constant 5 : i32
      %add3A_491 = arith.addi %mul3A_489, %add3A_490 : i32
      %slice3A_492 = vector.extract_strided_slice %get3A_91 {offsets = [5], sizes = [1], strides = [1]} : vector<16xi32> to vector<1xi32>
      %squeeze3A_493 = vector.extract %slice3A_492[0] : i32 from vector<1xi32>
      %shift_right_arithmetic3A_494 = arith.constant 7 : i32
      %shift_right_arithmetic3A_495 = arith.shrsi %squeeze3A_493, %shift_right_arithmetic3A_494 : i32
      %and3A_496 = arith.constant 7 : i32
      %and3A_497 = arith.andi %shift_right_arithmetic3A_495, %and3A_496 : i32
      %shift_right_arithmetic3A_498 = arith.constant 24 : i32
      %shift_right_arithmetic3A_499 = arith.shrsi %squeeze3A_493, %shift_right_arithmetic3A_498 : i32
      %and3A_500 = arith.constant 1 : i32
      %and3A_501 = arith.andi %shift_right_arithmetic3A_499, %and3A_500 : i32
      %eq3A_502 = arith.constant 1 : i32
      %eq3A_503 = arith.cmpi eq, %and3A_501, %eq3A_502 : i32
      %convert_element_type3A_504 = arith.extui %eq3A_503 : i1 to i32
      %cond3A_505 = arith.constant 0 : i32
      %cond3A_506 = arith.cmpi ne, %convert_element_type3A_504, %cond3A_505 : i32
      scf.if %cond3A_506 {
        %dma_wait3A = arith.constant 0 : i32
        %dma_wait3A_728 = arith.constant 0 : i32
        %dma_wait3A_729 = tpu.memref_slice %arg8[%and3A_497, %dma_wait3A, %dma_wait3A_728] : memref<8x64x128xf32, #tpu.memory_space<vmem>> -> memref<1x64x128xf32, #tpu.memory_space<vmem>>
        %dma_wait3A_730 = tpu.memref_squeeze %dma_wait3A_729 : memref<1x64x128xf32, #tpu.memory_space<vmem>> -> memref<64x128xf32, #tpu.memory_space<vmem>>
        %dma_wait3A_731 = arith.constant 0 : i32
        %dma_wait3A_732 = arith.constant 0 : i32
        %dma_wait3A_733 = tpu.memref_slice %arg2[%dma_wait3A_731, %dma_wait3A_732] : memref<64x1000001xf32, #tpu.memory_space<hbm>> -> memref<64x128xf32, #tpu.memory_space<hbm>>
        %dma_wait3A_734 = tpu.memref_slice %arg10[%and3A_497] : memref<8x!tpu.dma_semaphore, #tpu.memory_space<semaphore_mem>> -> memref<1x!tpu.dma_semaphore, #tpu.memory_space<semaphore_mem>>
        %dma_wait3A_735 = tpu.memref_squeeze %dma_wait3A_734 : memref<1x!tpu.dma_semaphore, #tpu.memory_space<semaphore_mem>> -> memref<!tpu.dma_semaphore, #tpu.memory_space<semaphore_mem>>
        %dma_wait3A_736 = arith.constant 0 : i32
        %dma_wait3A_737 = arith.constant 0 : i32
        %dma_wait3A_738 = tpu.memref_slice %arg8[%and3A_497, %dma_wait3A_736, %dma_wait3A_737] : memref<8x64x128xf32, #tpu.memory_space<vmem>> -> memref<1x64x128xf32, #tpu.memory_space<vmem>>
        %dma_wait3A_739 = tpu.memref_squeeze %dma_wait3A_738 : memref<1x64x128xf32, #tpu.memory_space<vmem>> -> memref<64x128xf32, #tpu.memory_space<vmem>>
        %dma_wait3A_740 = arith.constant 0 : i32
        %dma_wait3A_741 = arith.constant 0 : i32
        %dma_wait3A_742 = tpu.memref_slice %arg2[%dma_wait3A_740, %dma_wait3A_741] : memref<64x1000001xf32, #tpu.memory_space<hbm>> -> memref<64x128xf32, #tpu.memory_space<hbm>>
        tpu.wait_dma2 semaphore(%dma_wait3A_735 : memref<!tpu.dma_semaphore, #tpu.memory_space<semaphore_mem>>) src(%dma_wait3A_742 : memref<64x128xf32, #tpu.memory_space<hbm>>) dst(%dma_wait3A_739 : memref<64x128xf32, #tpu.memory_space<vmem>>)
      } else {
      }
      %and3A_507 = arith.constant 127 : i32
      %and3A_508 = arith.andi %squeeze3A_493, %and3A_507 : i32
      %broadcast_in_dim3A_509 = vector.broadcast %and3A_508 : i32 to vector<16xi32>
      %broadcast_in_dim3A_510 = vector.broadcast %and3A_497 : i32 to vector<16xi32>
      %shift_right_arithmetic3A_511 = arith.constant 10 : i32
      %shift_right_arithmetic3A_512 = arith.shrsi %squeeze3A_493, %shift_right_arithmetic3A_511 : i32
      %and3A_513 = arith.constant 16383 : i32
      %and3A_514 = arith.andi %shift_right_arithmetic3A_512, %and3A_513 : i32
      %add3A_515 = arith.constant 0 : i32
      %add3A_516 = vector.broadcast %add3A_515 : i32 to vector<16xi32>
      %add3A_517 = arith.addi %iota3A, %add3A_516 : vector<16xi32>
      %gather3A_518 = tpu.vector_load_idx %arg8[%broadcast_in_dim3A_510, %add3A_517, %broadcast_in_dim3A_509] : memref<8x64x128xf32, #tpu.memory_space<vmem>>[vector<16xi32>, vector<16xi32>, vector<16xi32>], vector<16xf32>,
      %mul3A_519 = arith.constant 64 : i32
      %mul3A_520 = arith.muli %add3A_491, %mul3A_519 : i32
      %add3A_521 = arith.constant 0 : i32
      %add3A_522 = arith.addi %mul3A_520, %add3A_521 : i32
      %swap3A_523 = arith.index_cast %add3A_522 : i32 to index
      %swap3A_524 = tpu.vector_load %arg9[%swap3A_523] {strides = array<i32>} : memref<32768xf32, #tpu.memory_space<vmem>>, vector<16xf32>,
      tpu.vector_store %arg9[%swap3A_523], %gather3A_518 {strides = array<i32>} : memref<32768xf32, #tpu.memory_space<vmem>>, vector<16xf32>,
      %add3A_525 = arith.constant 16 : i32
      %add3A_526 = vector.broadcast %add3A_525 : i32 to vector<16xi32>
      %add3A_527 = arith.addi %iota3A, %add3A_526 : vector<16xi32>
      %gather3A_528 = tpu.vector_load_idx %arg8[%broadcast_in_dim3A_510, %add3A_527, %broadcast_in_dim3A_509] : memref<8x64x128xf32, #tpu.memory_space<vmem>>[vector<16xi32>, vector<16xi32>, vector<16xi32>], vector<16xf32>,
      %mul3A_529 = arith.constant 64 : i32
      %mul3A_530 = arith.muli %add3A_491, %mul3A_529 : i32
      %add3A_531 = arith.constant 16 : i32
      %add3A_532 = arith.addi %mul3A_530, %add3A_531 : i32
      %swap3A_533 = arith.index_cast %add3A_532 : i32 to index
      %swap3A_534 = tpu.vector_load %arg9[%swap3A_533] {strides = array<i32>} : memref<32768xf32, #tpu.memory_space<vmem>>, vector<16xf32>,
      tpu.vector_store %arg9[%swap3A_533], %gather3A_528 {strides = array<i32>} : memref<32768xf32, #tpu.memory_space<vmem>>, vector<16xf32>,
      %add3A_535 = arith.constant 32 : i32
      %add3A_536 = vector.broadcast %add3A_535 : i32 to vector<16xi32>
      %add3A_537 = arith.addi %iota3A, %add3A_536 : vector<16xi32>
      %gather3A_538 = tpu.vector_load_idx %arg8[%broadcast_in_dim3A_510, %add3A_537, %broadcast_in_dim3A_509] : memref<8x64x128xf32, #tpu.memory_space<vmem>>[vector<16xi32>, vector<16xi32>, vector<16xi32>], vector<16xf32>,
      %mul3A_539 = arith.constant 64 : i32
      %mul3A_540 = arith.muli %add3A_491, %mul3A_539 : i32
      %add3A_541 = arith.constant 32 : i32
      %add3A_542 = arith.addi %mul3A_540, %add3A_541 : i32
      %swap3A_543 = arith.index_cast %add3A_542 : i32 to index
      %swap3A_544 = tpu.vector_load %arg9[%swap3A_543] {strides = array<i32>} : memref<32768xf32, #tpu.memory_space<vmem>>, vector<16xf32>,
      tpu.vector_store %arg9[%swap3A_543], %gather3A_538 {strides = array<i32>} : memref<32768xf32, #tpu.memory_space<vmem>>, vector<16xf32>,
      %add3A_545 = arith.constant 48 : i32
      %add3A_546 = vector.broadcast %add3A_545 : i32 to vector<16xi32>
      %add3A_547 = arith.addi %iota3A, %add3A_546 : vector<16xi32>
      %gather3A_548 = tpu.vector_load_idx %arg8[%broadcast_in_dim3A_510, %add3A_547, %broadcast_in_dim3A_509] : memref<8x64x128xf32, #tpu.memory_space<vmem>>[vector<16xi32>, vector<16xi32>, vector<16xi32>], vector<16xf32>,
      %mul3A_549 = arith.constant 64 : i32
      %mul3A_550 = arith.muli %add3A_491, %mul3A_549 : i32
      %add3A_551 = arith.constant 48 : i32
      %add3A_552 = arith.addi %mul3A_550, %add3A_551 : i32
      %swap3A_553 = arith.index_cast %add3A_552 : i32 to index
      %swap3A_554 = tpu.vector_load %arg9[%swap3A_553] {strides = array<i32>} : memref<32768xf32, #tpu.memory_space<vmem>>, vector<16xf32>,
      tpu.vector_store %arg9[%swap3A_553], %gather3A_548 {strides = array<i32>} : memref<32768xf32, #tpu.memory_space<vmem>>, vector<16xf32>,
      %mul3A_555 = arith.constant 64 : i32
      %mul3A_556 = arith.muli %add3A_491, %mul3A_555 : i32
      %mul3A_557 = arith.constant 64 : i32
      %mul3A_558 = arith.muli %and3A_514, %mul3A_557 : i32
      %dma_start3A_559 = tpu.memref_slice %arg9[%mul3A_556] : memref<32768xf32, #tpu.memory_space<vmem>> -> memref<64xf32, #tpu.memory_space<vmem>>
      %dma_start3A_560 = tpu.memref_slice %arg5[%mul3A_558] : memref<1048576xf32, #tpu.memory_space<hbm>> -> memref<64xf32, #tpu.memory_space<hbm>>
      %dma_start3A_561 = tpu.memref_slice %arg5[%mul3A_558] : memref<1048576xf32, #tpu.memory_space<hbm>> -> memref<64xf32, #tpu.memory_space<hbm>>
      %dma_start3A_562 = tpu.memref_slice %arg9[%mul3A_556] : memref<32768xf32, #tpu.memory_space<vmem>> -> memref<64xf32, #tpu.memory_space<vmem>>
      tpu.enqueue_dma source(%dma_start3A_562 : memref<64xf32, #tpu.memory_space<vmem>>) target(%dma_start3A_561 : memref<64xf32, #tpu.memory_space<hbm>>) target_semaphore(%arg11 : memref<!tpu.dma_semaphore, #tpu.memory_space<semaphore_mem>>)
      %eq3A_563 = arith.constant 1 : i32
      %eq3A_564 = arith.cmpi eq, %and3A_501, %eq3A_563 : i32
      %convert_element_type3A_565 = arith.extui %eq3A_564 : i1 to i32
      %cond3A_566 = arith.constant 0 : i32
      %cond3A_567 = arith.cmpi ne, %convert_element_type3A_565, %cond3A_566 : i32
      scf.if %cond3A_567 {
        %slice3A_728 = vector.extract_strided_slice %get3A_87 {offsets = [5], sizes = [1], strides = [1]} : vector<16xi32> to vector<1xi32>
        %squeeze3A_729 = vector.extract %slice3A_728[0] : i32 from vector<1xi32>
        %add3A_730 = arith.constant 8 : i32
        %add3A_731 = arith.addi %and3A_497, %add3A_730 : i32
        %sub3A = arith.constant 1 : i32
        %sub3A_732 = arith.subi %add3A_731, %sub3A : i32
        %jit3A = arith.constant 8 : i32
        %eq3A_733 = arith.constant 0 : i32
        %eq3A_734 = arith.cmpi eq, %jit3A, %eq3A_733 : i32
        %jit3A_735 = arith.constant 1 : i32
        %select_n3A = arith.select %eq3A_734, %jit3A_735, %jit3A : i32
        %rem3A = arith.remsi %sub3A_732, %select_n3A : i32
        %ne3A = arith.constant 0 : i32
        %ne3A_736 = arith.cmpi ne, %rem3A, %ne3A : i32
        %lt3A = arith.constant 0 : i32
        %lt3A_737 = arith.cmpi slt, %rem3A, %lt3A : i32
        %lt3A_738 = arith.constant 0 : i32
        %lt3A_739 = arith.cmpi slt, %select_n3A, %lt3A_738 : i32
        %ne3A_740 = arith.xori %lt3A_737, %lt3A_739 : i1
        %and3A_741 = arith.andi %ne3A_740, %ne3A_736 : i1
        %add3A_742 = arith.addi %rem3A, %select_n3A : i32
        %select_n3A_743 = arith.select %and3A_741, %add3A_742, %rem3A : i32
        %shift_right_arithmetic3A_744 = arith.constant 13 : i32
        %shift_right_arithmetic3A_745 = arith.shrsi %squeeze3A_729, %shift_right_arithmetic3A_744 : i32
        %and3A_746 = arith.constant 1 : i32
        %and3A_747 = arith.andi %shift_right_arithmetic3A_745, %and3A_746 : i32
        %eq3A_748 = arith.constant 1 : i32
        %eq3A_749 = arith.cmpi eq, %and3A_747, %eq3A_748 : i32
        %convert_element_type3A_750 = arith.extui %eq3A_749 : i1 to i32
        %cond3A_751 = arith.constant 0 : i32
        %cond3A_752 = arith.cmpi ne, %convert_element_type3A_750, %cond3A_751 : i32
        scf.if %cond3A_752 {
          %and3A_753 = arith.constant 8191 : i32
          %and3A_754 = arith.andi %squeeze3A_729, %and3A_753 : i32
          %mul3A_755 = arith.constant 128 : i32
          %mul3A_756 = arith.muli %and3A_754, %mul3A_755 : i32
          %multiple_of3A = tpu.assume_multiple %mul3A_756, 128 : i32
          %dma_start3A_757 = arith.constant 0 : i32
          %dma_start3A_758 = arith.constant 0 : i32
          %dma_start3A_759 = tpu.memref_slice %arg8[%select_n3A_743, %dma_start3A_757, %dma_start3A_758] : memref<8x64x128xf32, #tpu.memory_space<vmem>> -> memref<1x64x128xf32, #tpu.memory_space<vmem>>
          %dma_start3A_760 = tpu.memref_squeeze %dma_start3A_759 : memref<1x64x128xf32, #tpu.memory_space<vmem>> -> memref<64x128xf32, #tpu.memory_space<vmem>>
          %dma_start3A_761 = arith.constant 0 : i32
          %dma_start3A_762 = tpu.memref_slice %arg2[%dma_start3A_761, %multiple_of3A] : memref<64x1000001xf32, #tpu.memory_space<hbm>> -> memref<64x128xf32, #tpu.memory_space<hbm>>
          %dma_start3A_763 = tpu.memref_slice %arg10[%select_n3A_743] : memref<8x!tpu.dma_semaphore, #tpu.memory_space<semaphore_mem>> -> memref<1x!tpu.dma_semaphore, #tpu.memory_space<semaphore_mem>>
          %dma_start3A_764 = tpu.memref_squeeze %dma_start3A_763 : memref<1x!tpu.dma_semaphore, #tpu.memory_space<semaphore_mem>> -> memref<!tpu.dma_semaphore, #tpu.memory_space<semaphore_mem>>
          %dma_start3A_765 = arith.constant 0 : i32
          %dma_start3A_766 = arith.constant 0 : i32
          %dma_start3A_767 = tpu.memref_slice %arg8[%select_n3A_743, %dma_start3A_765, %dma_start3A_766] : memref<8x64x128xf32, #tpu.memory_space<vmem>> -> memref<1x64x128xf32, #tpu.memory_space<vmem>>
          %dma_start3A_768 = tpu.memref_squeeze %dma_start3A_767 : memref<1x64x128xf32, #tpu.memory_space<vmem>> -> memref<64x128xf32, #tpu.memory_space<vmem>>
          %dma_start3A_769 = arith.constant 0 : i32
          %dma_start3A_770 = tpu.memref_slice %arg2[%dma_start3A_769, %multiple_of3A] : memref<64x1000001xf32, #tpu.memory_space<hbm>> -> memref<64x128xf32, #tpu.memory_space<hbm>>
          tpu.enqueue_dma source(%dma_start3A_770 : memref<64x128xf32, #tpu.memory_space<hbm>>) target(%dma_start3A_768 : memref<64x128xf32, #tpu.memory_space<vmem>>) target_semaphore(%dma_start3A_764 : memref<!tpu.dma_semaphore, #tpu.memory_space<semaphore_mem>>)
        } else {
        }
      } else {
      }
      %mul3A_568 = arith.constant 8 : i32
      %mul3A_569 = arith.muli %scan3A_83, %mul3A_568 : i32
      %add3A_570 = arith.constant 6 : i32
      %add3A_571 = arith.addi %mul3A_569, %add3A_570 : i32
      %slice3A_572 = vector.extract_strided_slice %get3A_91 {offsets = [6], sizes = [1], strides = [1]} : vector<16xi32> to vector<1xi32>
      %squeeze3A_573 = vector.extract %slice3A_572[0] : i32 from vector<1xi32>
      %shift_right_arithmetic3A_574 = arith.constant 7 : i32
      %shift_right_arithmetic3A_575 = arith.shrsi %squeeze3A_573, %shift_right_arithmetic3A_574 : i32
      %and3A_576 = arith.constant 7 : i32
      %and3A_577 = arith.andi %shift_right_arithmetic3A_575, %and3A_576 : i32
      %shift_right_arithmetic3A_578 = arith.constant 24 : i32
      %shift_right_arithmetic3A_579 = arith.shrsi %squeeze3A_573, %shift_right_arithmetic3A_578 : i32
      %and3A_580 = arith.constant 1 : i32
      %and3A_581 = arith.andi %shift_right_arithmetic3A_579, %and3A_580 : i32
      %eq3A_582 = arith.constant 1 : i32
      %eq3A_583 = arith.cmpi eq, %and3A_581, %eq3A_582 : i32
      %convert_element_type3A_584 = arith.extui %eq3A_583 : i1 to i32
      %cond3A_585 = arith.constant 0 : i32
      %cond3A_586 = arith.cmpi ne, %convert_element_type3A_584, %cond3A_585 : i32
      scf.if %cond3A_586 {
        %dma_wait3A = arith.constant 0 : i32
        %dma_wait3A_728 = arith.constant 0 : i32
        %dma_wait3A_729 = tpu.memref_slice %arg8[%and3A_577, %dma_wait3A, %dma_wait3A_728] : memref<8x64x128xf32, #tpu.memory_space<vmem>> -> memref<1x64x128xf32, #tpu.memory_space<vmem>>
        %dma_wait3A_730 = tpu.memref_squeeze %dma_wait3A_729 : memref<1x64x128xf32, #tpu.memory_space<vmem>> -> memref<64x128xf32, #tpu.memory_space<vmem>>
        %dma_wait3A_731 = arith.constant 0 : i32
        %dma_wait3A_732 = arith.constant 0 : i32
        %dma_wait3A_733 = tpu.memref_slice %arg2[%dma_wait3A_731, %dma_wait3A_732] : memref<64x1000001xf32, #tpu.memory_space<hbm>> -> memref<64x128xf32, #tpu.memory_space<hbm>>
        %dma_wait3A_734 = tpu.memref_slice %arg10[%and3A_577] : memref<8x!tpu.dma_semaphore, #tpu.memory_space<semaphore_mem>> -> memref<1x!tpu.dma_semaphore, #tpu.memory_space<semaphore_mem>>
        %dma_wait3A_735 = tpu.memref_squeeze %dma_wait3A_734 : memref<1x!tpu.dma_semaphore, #tpu.memory_space<semaphore_mem>> -> memref<!tpu.dma_semaphore, #tpu.memory_space<semaphore_mem>>
        %dma_wait3A_736 = arith.constant 0 : i32
        %dma_wait3A_737 = arith.constant 0 : i32
        %dma_wait3A_738 = tpu.memref_slice %arg8[%and3A_577, %dma_wait3A_736, %dma_wait3A_737] : memref<8x64x128xf32, #tpu.memory_space<vmem>> -> memref<1x64x128xf32, #tpu.memory_space<vmem>>
        %dma_wait3A_739 = tpu.memref_squeeze %dma_wait3A_738 : memref<1x64x128xf32, #tpu.memory_space<vmem>> -> memref<64x128xf32, #tpu.memory_space<vmem>>
        %dma_wait3A_740 = arith.constant 0 : i32
        %dma_wait3A_741 = arith.constant 0 : i32
        %dma_wait3A_742 = tpu.memref_slice %arg2[%dma_wait3A_740, %dma_wait3A_741] : memref<64x1000001xf32, #tpu.memory_space<hbm>> -> memref<64x128xf32, #tpu.memory_space<hbm>>
        tpu.wait_dma2 semaphore(%dma_wait3A_735 : memref<!tpu.dma_semaphore, #tpu.memory_space<semaphore_mem>>) src(%dma_wait3A_742 : memref<64x128xf32, #tpu.memory_space<hbm>>) dst(%dma_wait3A_739 : memref<64x128xf32, #tpu.memory_space<vmem>>)
      } else {
      }
      %and3A_587 = arith.constant 127 : i32
      %and3A_588 = arith.andi %squeeze3A_573, %and3A_587 : i32
      %broadcast_in_dim3A_589 = vector.broadcast %and3A_588 : i32 to vector<16xi32>
      %broadcast_in_dim3A_590 = vector.broadcast %and3A_577 : i32 to vector<16xi32>
      %shift_right_arithmetic3A_591 = arith.constant 10 : i32
      %shift_right_arithmetic3A_592 = arith.shrsi %squeeze3A_573, %shift_right_arithmetic3A_591 : i32
      %and3A_593 = arith.constant 16383 : i32
      %and3A_594 = arith.andi %shift_right_arithmetic3A_592, %and3A_593 : i32
      %add3A_595 = arith.constant 0 : i32
      %add3A_596 = vector.broadcast %add3A_595 : i32 to vector<16xi32>
      %add3A_597 = arith.addi %iota3A, %add3A_596 : vector<16xi32>
      %gather3A_598 = tpu.vector_load_idx %arg8[%broadcast_in_dim3A_590, %add3A_597, %broadcast_in_dim3A_589] : memref<8x64x128xf32, #tpu.memory_space<vmem>>[vector<16xi32>, vector<16xi32>, vector<16xi32>], vector<16xf32>,
      %mul3A_599 = arith.constant 64 : i32
      %mul3A_600 = arith.muli %add3A_571, %mul3A_599 : i32
      %add3A_601 = arith.constant 0 : i32
      %add3A_602 = arith.addi %mul3A_600, %add3A_601 : i32
      %swap3A_603 = arith.index_cast %add3A_602 : i32 to index
      %swap3A_604 = tpu.vector_load %arg9[%swap3A_603] {strides = array<i32>} : memref<32768xf32, #tpu.memory_space<vmem>>, vector<16xf32>,
      tpu.vector_store %arg9[%swap3A_603], %gather3A_598 {strides = array<i32>} : memref<32768xf32, #tpu.memory_space<vmem>>, vector<16xf32>,
      %add3A_605 = arith.constant 16 : i32
      %add3A_606 = vector.broadcast %add3A_605 : i32 to vector<16xi32>
      %add3A_607 = arith.addi %iota3A, %add3A_606 : vector<16xi32>
      %gather3A_608 = tpu.vector_load_idx %arg8[%broadcast_in_dim3A_590, %add3A_607, %broadcast_in_dim3A_589] : memref<8x64x128xf32, #tpu.memory_space<vmem>>[vector<16xi32>, vector<16xi32>, vector<16xi32>], vector<16xf32>,
      %mul3A_609 = arith.constant 64 : i32
      %mul3A_610 = arith.muli %add3A_571, %mul3A_609 : i32
      %add3A_611 = arith.constant 16 : i32
      %add3A_612 = arith.addi %mul3A_610, %add3A_611 : i32
      %swap3A_613 = arith.index_cast %add3A_612 : i32 to index
      %swap3A_614 = tpu.vector_load %arg9[%swap3A_613] {strides = array<i32>} : memref<32768xf32, #tpu.memory_space<vmem>>, vector<16xf32>,
      tpu.vector_store %arg9[%swap3A_613], %gather3A_608 {strides = array<i32>} : memref<32768xf32, #tpu.memory_space<vmem>>, vector<16xf32>,
      %add3A_615 = arith.constant 32 : i32
      %add3A_616 = vector.broadcast %add3A_615 : i32 to vector<16xi32>
      %add3A_617 = arith.addi %iota3A, %add3A_616 : vector<16xi32>
      %gather3A_618 = tpu.vector_load_idx %arg8[%broadcast_in_dim3A_590, %add3A_617, %broadcast_in_dim3A_589] : memref<8x64x128xf32, #tpu.memory_space<vmem>>[vector<16xi32>, vector<16xi32>, vector<16xi32>], vector<16xf32>,
      %mul3A_619 = arith.constant 64 : i32
      %mul3A_620 = arith.muli %add3A_571, %mul3A_619 : i32
      %add3A_621 = arith.constant 32 : i32
      %add3A_622 = arith.addi %mul3A_620, %add3A_621 : i32
      %swap3A_623 = arith.index_cast %add3A_622 : i32 to index
      %swap3A_624 = tpu.vector_load %arg9[%swap3A_623] {strides = array<i32>} : memref<32768xf32, #tpu.memory_space<vmem>>, vector<16xf32>,
      tpu.vector_store %arg9[%swap3A_623], %gather3A_618 {strides = array<i32>} : memref<32768xf32, #tpu.memory_space<vmem>>, vector<16xf32>,
      %add3A_625 = arith.constant 48 : i32
      %add3A_626 = vector.broadcast %add3A_625 : i32 to vector<16xi32>
      %add3A_627 = arith.addi %iota3A, %add3A_626 : vector<16xi32>
      %gather3A_628 = tpu.vector_load_idx %arg8[%broadcast_in_dim3A_590, %add3A_627, %broadcast_in_dim3A_589] : memref<8x64x128xf32, #tpu.memory_space<vmem>>[vector<16xi32>, vector<16xi32>, vector<16xi32>], vector<16xf32>,
      %mul3A_629 = arith.constant 64 : i32
      %mul3A_630 = arith.muli %add3A_571, %mul3A_629 : i32
      %add3A_631 = arith.constant 48 : i32
      %add3A_632 = arith.addi %mul3A_630, %add3A_631 : i32
      %swap3A_633 = arith.index_cast %add3A_632 : i32 to index
      %swap3A_634 = tpu.vector_load %arg9[%swap3A_633] {strides = array<i32>} : memref<32768xf32, #tpu.memory_space<vmem>>, vector<16xf32>,
      tpu.vector_store %arg9[%swap3A_633], %gather3A_628 {strides = array<i32>} : memref<32768xf32, #tpu.memory_space<vmem>>, vector<16xf32>,
      %mul3A_635 = arith.constant 64 : i32
      %mul3A_636 = arith.muli %add3A_571, %mul3A_635 : i32
      %mul3A_637 = arith.constant 64 : i32
      %mul3A_638 = arith.muli %and3A_594, %mul3A_637 : i32
      %dma_start3A_639 = tpu.memref_slice %arg9[%mul3A_636] : memref<32768xf32, #tpu.memory_space<vmem>> -> memref<64xf32, #tpu.memory_space<vmem>>
      %dma_start3A_640 = tpu.memref_slice %arg5[%mul3A_638] : memref<1048576xf32, #tpu.memory_space<hbm>> -> memref<64xf32, #tpu.memory_space<hbm>>
      %dma_start3A_641 = tpu.memref_slice %arg5[%mul3A_638] : memref<1048576xf32, #tpu.memory_space<hbm>> -> memref<64xf32, #tpu.memory_space<hbm>>
      %dma_start3A_642 = tpu.memref_slice %arg9[%mul3A_636] : memref<32768xf32, #tpu.memory_space<vmem>> -> memref<64xf32, #tpu.memory_space<vmem>>
      tpu.enqueue_dma source(%dma_start3A_642 : memref<64xf32, #tpu.memory_space<vmem>>) target(%dma_start3A_641 : memref<64xf32, #tpu.memory_space<hbm>>) target_semaphore(%arg11 : memref<!tpu.dma_semaphore, #tpu.memory_space<semaphore_mem>>)
      %eq3A_643 = arith.constant 1 : i32
      %eq3A_644 = arith.cmpi eq, %and3A_581, %eq3A_643 : i32
      %convert_element_type3A_645 = arith.extui %eq3A_644 : i1 to i32
      %cond3A_646 = arith.constant 0 : i32
      %cond3A_647 = arith.cmpi ne, %convert_element_type3A_645, %cond3A_646 : i32
      scf.if %cond3A_647 {
        %slice3A_728 = vector.extract_strided_slice %get3A_87 {offsets = [6], sizes = [1], strides = [1]} : vector<16xi32> to vector<1xi32>
        %squeeze3A_729 = vector.extract %slice3A_728[0] : i32 from vector<1xi32>
        %add3A_730 = arith.constant 8 : i32
        %add3A_731 = arith.addi %and3A_577, %add3A_730 : i32
        %sub3A = arith.constant 1 : i32
        %sub3A_732 = arith.subi %add3A_731, %sub3A : i32
        %jit3A = arith.constant 8 : i32
        %eq3A_733 = arith.constant 0 : i32
        %eq3A_734 = arith.cmpi eq, %jit3A, %eq3A_733 : i32
        %jit3A_735 = arith.constant 1 : i32
        %select_n3A = arith.select %eq3A_734, %jit3A_735, %jit3A : i32
        %rem3A = arith.remsi %sub3A_732, %select_n3A : i32
        %ne3A = arith.constant 0 : i32
        %ne3A_736 = arith.cmpi ne, %rem3A, %ne3A : i32
        %lt3A = arith.constant 0 : i32
        %lt3A_737 = arith.cmpi slt, %rem3A, %lt3A : i32
        %lt3A_738 = arith.constant 0 : i32
        %lt3A_739 = arith.cmpi slt, %select_n3A, %lt3A_738 : i32
        %ne3A_740 = arith.xori %lt3A_737, %lt3A_739 : i1
        %and3A_741 = arith.andi %ne3A_740, %ne3A_736 : i1
        %add3A_742 = arith.addi %rem3A, %select_n3A : i32
        %select_n3A_743 = arith.select %and3A_741, %add3A_742, %rem3A : i32
        %shift_right_arithmetic3A_744 = arith.constant 13 : i32
        %shift_right_arithmetic3A_745 = arith.shrsi %squeeze3A_729, %shift_right_arithmetic3A_744 : i32
        %and3A_746 = arith.constant 1 : i32
        %and3A_747 = arith.andi %shift_right_arithmetic3A_745, %and3A_746 : i32
        %eq3A_748 = arith.constant 1 : i32
        %eq3A_749 = arith.cmpi eq, %and3A_747, %eq3A_748 : i32
        %convert_element_type3A_750 = arith.extui %eq3A_749 : i1 to i32
        %cond3A_751 = arith.constant 0 : i32
        %cond3A_752 = arith.cmpi ne, %convert_element_type3A_750, %cond3A_751 : i32
        scf.if %cond3A_752 {
          %and3A_753 = arith.constant 8191 : i32
          %and3A_754 = arith.andi %squeeze3A_729, %and3A_753 : i32
          %mul3A_755 = arith.constant 128 : i32
          %mul3A_756 = arith.muli %and3A_754, %mul3A_755 : i32
          %multiple_of3A = tpu.assume_multiple %mul3A_756, 128 : i32
          %dma_start3A_757 = arith.constant 0 : i32
          %dma_start3A_758 = arith.constant 0 : i32
          %dma_start3A_759 = tpu.memref_slice %arg8[%select_n3A_743, %dma_start3A_757, %dma_start3A_758] : memref<8x64x128xf32, #tpu.memory_space<vmem>> -> memref<1x64x128xf32, #tpu.memory_space<vmem>>
          %dma_start3A_760 = tpu.memref_squeeze %dma_start3A_759 : memref<1x64x128xf32, #tpu.memory_space<vmem>> -> memref<64x128xf32, #tpu.memory_space<vmem>>
          %dma_start3A_761 = arith.constant 0 : i32
          %dma_start3A_762 = tpu.memref_slice %arg2[%dma_start3A_761, %multiple_of3A] : memref<64x1000001xf32, #tpu.memory_space<hbm>> -> memref<64x128xf32, #tpu.memory_space<hbm>>
          %dma_start3A_763 = tpu.memref_slice %arg10[%select_n3A_743] : memref<8x!tpu.dma_semaphore, #tpu.memory_space<semaphore_mem>> -> memref<1x!tpu.dma_semaphore, #tpu.memory_space<semaphore_mem>>
          %dma_start3A_764 = tpu.memref_squeeze %dma_start3A_763 : memref<1x!tpu.dma_semaphore, #tpu.memory_space<semaphore_mem>> -> memref<!tpu.dma_semaphore, #tpu.memory_space<semaphore_mem>>
          %dma_start3A_765 = arith.constant 0 : i32
          %dma_start3A_766 = arith.constant 0 : i32
          %dma_start3A_767 = tpu.memref_slice %arg8[%select_n3A_743, %dma_start3A_765, %dma_start3A_766] : memref<8x64x128xf32, #tpu.memory_space<vmem>> -> memref<1x64x128xf32, #tpu.memory_space<vmem>>
          %dma_start3A_768 = tpu.memref_squeeze %dma_start3A_767 : memref<1x64x128xf32, #tpu.memory_space<vmem>> -> memref<64x128xf32, #tpu.memory_space<vmem>>
          %dma_start3A_769 = arith.constant 0 : i32
          %dma_start3A_770 = tpu.memref_slice %arg2[%dma_start3A_769, %multiple_of3A] : memref<64x1000001xf32, #tpu.memory_space<hbm>> -> memref<64x128xf32, #tpu.memory_space<hbm>>
          tpu.enqueue_dma source(%dma_start3A_770 : memref<64x128xf32, #tpu.memory_space<hbm>>) target(%dma_start3A_768 : memref<64x128xf32, #tpu.memory_space<vmem>>) target_semaphore(%dma_start3A_764 : memref<!tpu.dma_semaphore, #tpu.memory_space<semaphore_mem>>)
        } else {
        }
      } else {
      }
      %mul3A_648 = arith.constant 8 : i32
      %mul3A_649 = arith.muli %scan3A_83, %mul3A_648 : i32
      %add3A_650 = arith.constant 7 : i32
      %add3A_651 = arith.addi %mul3A_649, %add3A_650 : i32
      %slice3A_652 = vector.extract_strided_slice %get3A_91 {offsets = [7], sizes = [1], strides = [1]} : vector<16xi32> to vector<1xi32>
      %squeeze3A_653 = vector.extract %slice3A_652[0] : i32 from vector<1xi32>
      %shift_right_arithmetic3A_654 = arith.constant 7 : i32
      %shift_right_arithmetic3A_655 = arith.shrsi %squeeze3A_653, %shift_right_arithmetic3A_654 : i32
      %and3A_656 = arith.constant 7 : i32
      %and3A_657 = arith.andi %shift_right_arithmetic3A_655, %and3A_656 : i32
      %shift_right_arithmetic3A_658 = arith.constant 24 : i32
      %shift_right_arithmetic3A_659 = arith.shrsi %squeeze3A_653, %shift_right_arithmetic3A_658 : i32
      %and3A_660 = arith.constant 1 : i32
      %and3A_661 = arith.andi %shift_right_arithmetic3A_659, %and3A_660 : i32
      %eq3A_662 = arith.constant 1 : i32
      %eq3A_663 = arith.cmpi eq, %and3A_661, %eq3A_662 : i32
      %convert_element_type3A_664 = arith.extui %eq3A_663 : i1 to i32
      %cond3A_665 = arith.constant 0 : i32
      %cond3A_666 = arith.cmpi ne, %convert_element_type3A_664, %cond3A_665 : i32
      scf.if %cond3A_666 {
        %dma_wait3A = arith.constant 0 : i32
        %dma_wait3A_728 = arith.constant 0 : i32
        %dma_wait3A_729 = tpu.memref_slice %arg8[%and3A_657, %dma_wait3A, %dma_wait3A_728] : memref<8x64x128xf32, #tpu.memory_space<vmem>> -> memref<1x64x128xf32, #tpu.memory_space<vmem>>
        %dma_wait3A_730 = tpu.memref_squeeze %dma_wait3A_729 : memref<1x64x128xf32, #tpu.memory_space<vmem>> -> memref<64x128xf32, #tpu.memory_space<vmem>>
        %dma_wait3A_731 = arith.constant 0 : i32
        %dma_wait3A_732 = arith.constant 0 : i32
        %dma_wait3A_733 = tpu.memref_slice %arg2[%dma_wait3A_731, %dma_wait3A_732] : memref<64x1000001xf32, #tpu.memory_space<hbm>> -> memref<64x128xf32, #tpu.memory_space<hbm>>
        %dma_wait3A_734 = tpu.memref_slice %arg10[%and3A_657] : memref<8x!tpu.dma_semaphore, #tpu.memory_space<semaphore_mem>> -> memref<1x!tpu.dma_semaphore, #tpu.memory_space<semaphore_mem>>
        %dma_wait3A_735 = tpu.memref_squeeze %dma_wait3A_734 : memref<1x!tpu.dma_semaphore, #tpu.memory_space<semaphore_mem>> -> memref<!tpu.dma_semaphore, #tpu.memory_space<semaphore_mem>>
        %dma_wait3A_736 = arith.constant 0 : i32
        %dma_wait3A_737 = arith.constant 0 : i32
        %dma_wait3A_738 = tpu.memref_slice %arg8[%and3A_657, %dma_wait3A_736, %dma_wait3A_737] : memref<8x64x128xf32, #tpu.memory_space<vmem>> -> memref<1x64x128xf32, #tpu.memory_space<vmem>>
        %dma_wait3A_739 = tpu.memref_squeeze %dma_wait3A_738 : memref<1x64x128xf32, #tpu.memory_space<vmem>> -> memref<64x128xf32, #tpu.memory_space<vmem>>
        %dma_wait3A_740 = arith.constant 0 : i32
        %dma_wait3A_741 = arith.constant 0 : i32
        %dma_wait3A_742 = tpu.memref_slice %arg2[%dma_wait3A_740, %dma_wait3A_741] : memref<64x1000001xf32, #tpu.memory_space<hbm>> -> memref<64x128xf32, #tpu.memory_space<hbm>>
        tpu.wait_dma2 semaphore(%dma_wait3A_735 : memref<!tpu.dma_semaphore, #tpu.memory_space<semaphore_mem>>) src(%dma_wait3A_742 : memref<64x128xf32, #tpu.memory_space<hbm>>) dst(%dma_wait3A_739 : memref<64x128xf32, #tpu.memory_space<vmem>>)
      } else {
      }
      %and3A_667 = arith.constant 127 : i32
      %and3A_668 = arith.andi %squeeze3A_653, %and3A_667 : i32
      %broadcast_in_dim3A_669 = vector.broadcast %and3A_668 : i32 to vector<16xi32>
      %broadcast_in_dim3A_670 = vector.broadcast %and3A_657 : i32 to vector<16xi32>
      %shift_right_arithmetic3A_671 = arith.constant 10 : i32
      %shift_right_arithmetic3A_672 = arith.shrsi %squeeze3A_653, %shift_right_arithmetic3A_671 : i32
      %and3A_673 = arith.constant 16383 : i32
      %and3A_674 = arith.andi %shift_right_arithmetic3A_672, %and3A_673 : i32
      %add3A_675 = arith.constant 0 : i32
      %add3A_676 = vector.broadcast %add3A_675 : i32 to vector<16xi32>
      %add3A_677 = arith.addi %iota3A, %add3A_676 : vector<16xi32>
      %gather3A_678 = tpu.vector_load_idx %arg8[%broadcast_in_dim3A_670, %add3A_677, %broadcast_in_dim3A_669] : memref<8x64x128xf32, #tpu.memory_space<vmem>>[vector<16xi32>, vector<16xi32>, vector<16xi32>], vector<16xf32>,
      %mul3A_679 = arith.constant 64 : i32
      %mul3A_680 = arith.muli %add3A_651, %mul3A_679 : i32
      %add3A_681 = arith.constant 0 : i32
      %add3A_682 = arith.addi %mul3A_680, %add3A_681 : i32
      %swap3A_683 = arith.index_cast %add3A_682 : i32 to index
      %swap3A_684 = tpu.vector_load %arg9[%swap3A_683] {strides = array<i32>} : memref<32768xf32, #tpu.memory_space<vmem>>, vector<16xf32>,
      tpu.vector_store %arg9[%swap3A_683], %gather3A_678 {strides = array<i32>} : memref<32768xf32, #tpu.memory_space<vmem>>, vector<16xf32>,
      %add3A_685 = arith.constant 16 : i32
      %add3A_686 = vector.broadcast %add3A_685 : i32 to vector<16xi32>
      %add3A_687 = arith.addi %iota3A, %add3A_686 : vector<16xi32>
      %gather3A_688 = tpu.vector_load_idx %arg8[%broadcast_in_dim3A_670, %add3A_687, %broadcast_in_dim3A_669] : memref<8x64x128xf32, #tpu.memory_space<vmem>>[vector<16xi32>, vector<16xi32>, vector<16xi32>], vector<16xf32>,
      %mul3A_689 = arith.constant 64 : i32
      %mul3A_690 = arith.muli %add3A_651, %mul3A_689 : i32
      %add3A_691 = arith.constant 16 : i32
      %add3A_692 = arith.addi %mul3A_690, %add3A_691 : i32
      %swap3A_693 = arith.index_cast %add3A_692 : i32 to index
      %swap3A_694 = tpu.vector_load %arg9[%swap3A_693] {strides = array<i32>} : memref<32768xf32, #tpu.memory_space<vmem>>, vector<16xf32>,
      tpu.vector_store %arg9[%swap3A_693], %gather3A_688 {strides = array<i32>} : memref<32768xf32, #tpu.memory_space<vmem>>, vector<16xf32>,
      %add3A_695 = arith.constant 32 : i32
      %add3A_696 = vector.broadcast %add3A_695 : i32 to vector<16xi32>
      %add3A_697 = arith.addi %iota3A, %add3A_696 : vector<16xi32>
      %gather3A_698 = tpu.vector_load_idx %arg8[%broadcast_in_dim3A_670, %add3A_697, %broadcast_in_dim3A_669] : memref<8x64x128xf32, #tpu.memory_space<vmem>>[vector<16xi32>, vector<16xi32>, vector<16xi32>], vector<16xf32>,
      %mul3A_699 = arith.constant 64 : i32
      %mul3A_700 = arith.muli %add3A_651, %mul3A_699 : i32
      %add3A_701 = arith.constant 32 : i32
      %add3A_702 = arith.addi %mul3A_700, %add3A_701 : i32
      %swap3A_703 = arith.index_cast %add3A_702 : i32 to index
      %swap3A_704 = tpu.vector_load %arg9[%swap3A_703] {strides = array<i32>} : memref<32768xf32, #tpu.memory_space<vmem>>, vector<16xf32>,
      tpu.vector_store %arg9[%swap3A_703], %gather3A_698 {strides = array<i32>} : memref<32768xf32, #tpu.memory_space<vmem>>, vector<16xf32>,
      %add3A_705 = arith.constant 48 : i32
      %add3A_706 = vector.broadcast %add3A_705 : i32 to vector<16xi32>
      %add3A_707 = arith.addi %iota3A, %add3A_706 : vector<16xi32>
      %gather3A_708 = tpu.vector_load_idx %arg8[%broadcast_in_dim3A_670, %add3A_707, %broadcast_in_dim3A_669] : memref<8x64x128xf32, #tpu.memory_space<vmem>>[vector<16xi32>, vector<16xi32>, vector<16xi32>], vector<16xf32>,
      %mul3A_709 = arith.constant 64 : i32
      %mul3A_710 = arith.muli %add3A_651, %mul3A_709 : i32
      %add3A_711 = arith.constant 48 : i32
      %add3A_712 = arith.addi %mul3A_710, %add3A_711 : i32
      %swap3A_713 = arith.index_cast %add3A_712 : i32 to index
      %swap3A_714 = tpu.vector_load %arg9[%swap3A_713] {strides = array<i32>} : memref<32768xf32, #tpu.memory_space<vmem>>, vector<16xf32>,
      tpu.vector_store %arg9[%swap3A_713], %gather3A_708 {strides = array<i32>} : memref<32768xf32, #tpu.memory_space<vmem>>, vector<16xf32>,
      %mul3A_715 = arith.constant 64 : i32
      %mul3A_716 = arith.muli %add3A_651, %mul3A_715 : i32
      %mul3A_717 = arith.constant 64 : i32
      %mul3A_718 = arith.muli %and3A_674, %mul3A_717 : i32
      %dma_start3A_719 = tpu.memref_slice %arg9[%mul3A_716] : memref<32768xf32, #tpu.memory_space<vmem>> -> memref<64xf32, #tpu.memory_space<vmem>>
      %dma_start3A_720 = tpu.memref_slice %arg5[%mul3A_718] : memref<1048576xf32, #tpu.memory_space<hbm>> -> memref<64xf32, #tpu.memory_space<hbm>>
      %dma_start3A_721 = tpu.memref_slice %arg5[%mul3A_718] : memref<1048576xf32, #tpu.memory_space<hbm>> -> memref<64xf32, #tpu.memory_space<hbm>>
      %dma_start3A_722 = tpu.memref_slice %arg9[%mul3A_716] : memref<32768xf32, #tpu.memory_space<vmem>> -> memref<64xf32, #tpu.memory_space<vmem>>
      tpu.enqueue_dma source(%dma_start3A_722 : memref<64xf32, #tpu.memory_space<vmem>>) target(%dma_start3A_721 : memref<64xf32, #tpu.memory_space<hbm>>) target_semaphore(%arg11 : memref<!tpu.dma_semaphore, #tpu.memory_space<semaphore_mem>>)
      %eq3A_723 = arith.constant 1 : i32
      %eq3A_724 = arith.cmpi eq, %and3A_661, %eq3A_723 : i32
      %convert_element_type3A_725 = arith.extui %eq3A_724 : i1 to i32
      %cond3A_726 = arith.constant 0 : i32
      %cond3A_727 = arith.cmpi ne, %convert_element_type3A_725, %cond3A_726 : i32
      scf.if %cond3A_727 {
        %slice3A_728 = vector.extract_strided_slice %get3A_87 {offsets = [7], sizes = [1], strides = [1]} : vector<16xi32> to vector<1xi32>
        %squeeze3A_729 = vector.extract %slice3A_728[0] : i32 from vector<1xi32>
        %add3A_730 = arith.constant 8 : i32
        %add3A_731 = arith.addi %and3A_657, %add3A_730 : i32
        %sub3A = arith.constant 1 : i32
        %sub3A_732 = arith.subi %add3A_731, %sub3A : i32
        %jit3A = arith.constant 8 : i32
        %eq3A_733 = arith.constant 0 : i32
        %eq3A_734 = arith.cmpi eq, %jit3A, %eq3A_733 : i32
        %jit3A_735 = arith.constant 1 : i32
        %select_n3A = arith.select %eq3A_734, %jit3A_735, %jit3A : i32
        %rem3A = arith.remsi %sub3A_732, %select_n3A : i32
        %ne3A = arith.constant 0 : i32
        %ne3A_736 = arith.cmpi ne, %rem3A, %ne3A : i32
        %lt3A = arith.constant 0 : i32
        %lt3A_737 = arith.cmpi slt, %rem3A, %lt3A : i32
        %lt3A_738 = arith.constant 0 : i32
        %lt3A_739 = arith.cmpi slt, %select_n3A, %lt3A_738 : i32
        %ne3A_740 = arith.xori %lt3A_737, %lt3A_739 : i1
        %and3A_741 = arith.andi %ne3A_740, %ne3A_736 : i1
        %add3A_742 = arith.addi %rem3A, %select_n3A : i32
        %select_n3A_743 = arith.select %and3A_741, %add3A_742, %rem3A : i32
        %shift_right_arithmetic3A_744 = arith.constant 13 : i32
        %shift_right_arithmetic3A_745 = arith.shrsi %squeeze3A_729, %shift_right_arithmetic3A_744 : i32
        %and3A_746 = arith.constant 1 : i32
        %and3A_747 = arith.andi %shift_right_arithmetic3A_745, %and3A_746 : i32
        %eq3A_748 = arith.constant 1 : i32
        %eq3A_749 = arith.cmpi eq, %and3A_747, %eq3A_748 : i32
        %convert_element_type3A_750 = arith.extui %eq3A_749 : i1 to i32
        %cond3A_751 = arith.constant 0 : i32
        %cond3A_752 = arith.cmpi ne, %convert_element_type3A_750, %cond3A_751 : i32
        scf.if %cond3A_752 {
          %and3A_753 = arith.constant 8191 : i32
          %and3A_754 = arith.andi %squeeze3A_729, %and3A_753 : i32
          %mul3A_755 = arith.constant 128 : i32
          %mul3A_756 = arith.muli %and3A_754, %mul3A_755 : i32
          %multiple_of3A = tpu.assume_multiple %mul3A_756, 128 : i32
          %dma_start3A_757 = arith.constant 0 : i32
          %dma_start3A_758 = arith.constant 0 : i32
          %dma_start3A_759 = tpu.memref_slice %arg8[%select_n3A_743, %dma_start3A_757, %dma_start3A_758] : memref<8x64x128xf32, #tpu.memory_space<vmem>> -> memref<1x64x128xf32, #tpu.memory_space<vmem>>
          %dma_start3A_760 = tpu.memref_squeeze %dma_start3A_759 : memref<1x64x128xf32, #tpu.memory_space<vmem>> -> memref<64x128xf32, #tpu.memory_space<vmem>>
          %dma_start3A_761 = arith.constant 0 : i32
          %dma_start3A_762 = tpu.memref_slice %arg2[%dma_start3A_761, %multiple_of3A] : memref<64x1000001xf32, #tpu.memory_space<hbm>> -> memref<64x128xf32, #tpu.memory_space<hbm>>
          %dma_start3A_763 = tpu.memref_slice %arg10[%select_n3A_743] : memref<8x!tpu.dma_semaphore, #tpu.memory_space<semaphore_mem>> -> memref<1x!tpu.dma_semaphore, #tpu.memory_space<semaphore_mem>>
          %dma_start3A_764 = tpu.memref_squeeze %dma_start3A_763 : memref<1x!tpu.dma_semaphore, #tpu.memory_space<semaphore_mem>> -> memref<!tpu.dma_semaphore, #tpu.memory_space<semaphore_mem>>
          %dma_start3A_765 = arith.constant 0 : i32
          %dma_start3A_766 = arith.constant 0 : i32
          %dma_start3A_767 = tpu.memref_slice %arg8[%select_n3A_743, %dma_start3A_765, %dma_start3A_766] : memref<8x64x128xf32, #tpu.memory_space<vmem>> -> memref<1x64x128xf32, #tpu.memory_space<vmem>>
          %dma_start3A_768 = tpu.memref_squeeze %dma_start3A_767 : memref<1x64x128xf32, #tpu.memory_space<vmem>> -> memref<64x128xf32, #tpu.memory_space<vmem>>
          %dma_start3A_769 = arith.constant 0 : i32
          %dma_start3A_770 = tpu.memref_slice %arg2[%dma_start3A_769, %multiple_of3A] : memref<64x1000001xf32, #tpu.memory_space<hbm>> -> memref<64x128xf32, #tpu.memory_space<hbm>>
          tpu.enqueue_dma source(%dma_start3A_770 : memref<64x128xf32, #tpu.memory_space<hbm>>) target(%dma_start3A_768 : memref<64x128xf32, #tpu.memory_space<vmem>>) target_semaphore(%dma_start3A_764 : memref<!tpu.dma_semaphore, #tpu.memory_space<semaphore_mem>>)
        } else {
        }
      } else {
      }
    }
    %scan3A_76 = arith.constant 64 : i32
    %scan3A_77 = arith.constant 0 : i32
    %scan3A_78 = arith.constant 0 : i32
    %scan3A_79 = arith.constant 512 : i32
    %scan3A_80 = arith.addi %scan3A_78, %scan3A_79 : i32
    %scan3A_81 = arith.constant 8 : i32
    scf.for %scan3A_83 = %scan3A_78 to %scan3A_80 step %scan3A_81  : i32 {
      %dma_wait3A = arith.constant 0 : i32
      %dma_wait3A_84 = tpu.memref_slice %arg9[%dma_wait3A] : memref<32768xf32, #tpu.memory_space<vmem>> -> memref<64xf32, #tpu.memory_space<vmem>>
      %dma_wait3A_85 = arith.constant 0 : i32
      %dma_wait3A_86 = tpu.memref_slice %arg5[%dma_wait3A_85] : memref<1048576xf32, #tpu.memory_space<hbm>> -> memref<64xf32, #tpu.memory_space<hbm>>
      %dma_wait3A_87 = arith.constant 0 : i32
      %dma_wait3A_88 = tpu.memref_slice %arg5[%dma_wait3A_87] : memref<1048576xf32, #tpu.memory_space<hbm>> -> memref<64xf32, #tpu.memory_space<hbm>>
      %dma_wait3A_89 = arith.constant 0 : i32
      %dma_wait3A_90 = tpu.memref_slice %arg9[%dma_wait3A_89] : memref<32768xf32, #tpu.memory_space<vmem>> -> memref<64xf32, #tpu.memory_space<vmem>>
      tpu.wait_dma2 semaphore(%arg11 : memref<!tpu.dma_semaphore, #tpu.memory_space<semaphore_mem>>) src(%dma_wait3A_90 : memref<64xf32, #tpu.memory_space<vmem>>) dst(%dma_wait3A_88 : memref<64xf32, #tpu.memory_space<hbm>>)
      %scan3A_91 = arith.constant 1 : i32
      %scan3A_92 = arith.addi %scan3A_83, %scan3A_91 : i32
      %dma_wait3A_93 = arith.constant 0 : i32
      %dma_wait3A_94 = tpu.memref_slice %arg9[%dma_wait3A_93] : memref<32768xf32, #tpu.memory_space<vmem>> -> memref<64xf32, #tpu.memory_space<vmem>>
      %dma_wait3A_95 = arith.constant 0 : i32
      %dma_wait3A_96 = tpu.memref_slice %arg5[%dma_wait3A_95] : memref<1048576xf32, #tpu.memory_space<hbm>> -> memref<64xf32, #tpu.memory_space<hbm>>
      %dma_wait3A_97 = arith.constant 0 : i32
      %dma_wait3A_98 = tpu.memref_slice %arg5[%dma_wait3A_97] : memref<1048576xf32, #tpu.memory_space<hbm>> -> memref<64xf32, #tpu.memory_space<hbm>>
      %dma_wait3A_99 = arith.constant 0 : i32
      %dma_wait3A_100 = tpu.memref_slice %arg9[%dma_wait3A_99] : memref<32768xf32, #tpu.memory_space<vmem>> -> memref<64xf32, #tpu.memory_space<vmem>>
      tpu.wait_dma2 semaphore(%arg11 : memref<!tpu.dma_semaphore, #tpu.memory_space<semaphore_mem>>) src(%dma_wait3A_100 : memref<64xf32, #tpu.memory_space<vmem>>) dst(%dma_wait3A_98 : memref<64xf32, #tpu.memory_space<hbm>>)
      %scan3A_101 = arith.constant 2 : i32
      %scan3A_102 = arith.addi %scan3A_83, %scan3A_101 : i32
      %dma_wait3A_103 = arith.constant 0 : i32
      %dma_wait3A_104 = tpu.memref_slice %arg9[%dma_wait3A_103] : memref<32768xf32, #tpu.memory_space<vmem>> -> memref<64xf32, #tpu.memory_space<vmem>>
      %dma_wait3A_105 = arith.constant 0 : i32
      %dma_wait3A_106 = tpu.memref_slice %arg5[%dma_wait3A_105] : memref<1048576xf32, #tpu.memory_space<hbm>> -> memref<64xf32, #tpu.memory_space<hbm>>
      %dma_wait3A_107 = arith.constant 0 : i32
      %dma_wait3A_108 = tpu.memref_slice %arg5[%dma_wait3A_107] : memref<1048576xf32, #tpu.memory_space<hbm>> -> memref<64xf32, #tpu.memory_space<hbm>>
      %dma_wait3A_109 = arith.constant 0 : i32
      %dma_wait3A_110 = tpu.memref_slice %arg9[%dma_wait3A_109] : memref<32768xf32, #tpu.memory_space<vmem>> -> memref<64xf32, #tpu.memory_space<vmem>>
      tpu.wait_dma2 semaphore(%arg11 : memref<!tpu.dma_semaphore, #tpu.memory_space<semaphore_mem>>) src(%dma_wait3A_110 : memref<64xf32, #tpu.memory_space<vmem>>) dst(%dma_wait3A_108 : memref<64xf32, #tpu.memory_space<hbm>>)
      %scan3A_111 = arith.constant 3 : i32
      %scan3A_112 = arith.addi %scan3A_83, %scan3A_111 : i32
      %dma_wait3A_113 = arith.constant 0 : i32
      %dma_wait3A_114 = tpu.memref_slice %arg9[%dma_wait3A_113] : memref<32768xf32, #tpu.memory_space<vmem>> -> memref<64xf32, #tpu.memory_space<vmem>>
      %dma_wait3A_115 = arith.constant 0 : i32
      %dma_wait3A_116 = tpu.memref_slice %arg5[%dma_wait3A_115] : memref<1048576xf32, #tpu.memory_space<hbm>> -> memref<64xf32, #tpu.memory_space<hbm>>
      %dma_wait3A_117 = arith.constant 0 : i32
      %dma_wait3A_118 = tpu.memref_slice %arg5[%dma_wait3A_117] : memref<1048576xf32, #tpu.memory_space<hbm>> -> memref<64xf32, #tpu.memory_space<hbm>>
      %dma_wait3A_119 = arith.constant 0 : i32
      %dma_wait3A_120 = tpu.memref_slice %arg9[%dma_wait3A_119] : memref<32768xf32, #tpu.memory_space<vmem>> -> memref<64xf32, #tpu.memory_space<vmem>>
      tpu.wait_dma2 semaphore(%arg11 : memref<!tpu.dma_semaphore, #tpu.memory_space<semaphore_mem>>) src(%dma_wait3A_120 : memref<64xf32, #tpu.memory_space<vmem>>) dst(%dma_wait3A_118 : memref<64xf32, #tpu.memory_space<hbm>>)
      %scan3A_121 = arith.constant 4 : i32
      %scan3A_122 = arith.addi %scan3A_83, %scan3A_121 : i32
      %dma_wait3A_123 = arith.constant 0 : i32
      %dma_wait3A_124 = tpu.memref_slice %arg9[%dma_wait3A_123] : memref<32768xf32, #tpu.memory_space<vmem>> -> memref<64xf32, #tpu.memory_space<vmem>>
      %dma_wait3A_125 = arith.constant 0 : i32
      %dma_wait3A_126 = tpu.memref_slice %arg5[%dma_wait3A_125] : memref<1048576xf32, #tpu.memory_space<hbm>> -> memref<64xf32, #tpu.memory_space<hbm>>
      %dma_wait3A_127 = arith.constant 0 : i32
      %dma_wait3A_128 = tpu.memref_slice %arg5[%dma_wait3A_127] : memref<1048576xf32, #tpu.memory_space<hbm>> -> memref<64xf32, #tpu.memory_space<hbm>>
      %dma_wait3A_129 = arith.constant 0 : i32
      %dma_wait3A_130 = tpu.memref_slice %arg9[%dma_wait3A_129] : memref<32768xf32, #tpu.memory_space<vmem>> -> memref<64xf32, #tpu.memory_space<vmem>>
      tpu.wait_dma2 semaphore(%arg11 : memref<!tpu.dma_semaphore, #tpu.memory_space<semaphore_mem>>) src(%dma_wait3A_130 : memref<64xf32, #tpu.memory_space<vmem>>) dst(%dma_wait3A_128 : memref<64xf32, #tpu.memory_space<hbm>>)
      %scan3A_131 = arith.constant 5 : i32
      %scan3A_132 = arith.addi %scan3A_83, %scan3A_131 : i32
      %dma_wait3A_133 = arith.constant 0 : i32
      %dma_wait3A_134 = tpu.memref_slice %arg9[%dma_wait3A_133] : memref<32768xf32, #tpu.memory_space<vmem>> -> memref<64xf32, #tpu.memory_space<vmem>>
      %dma_wait3A_135 = arith.constant 0 : i32
      %dma_wait3A_136 = tpu.memref_slice %arg5[%dma_wait3A_135] : memref<1048576xf32, #tpu.memory_space<hbm>> -> memref<64xf32, #tpu.memory_space<hbm>>
      %dma_wait3A_137 = arith.constant 0 : i32
      %dma_wait3A_138 = tpu.memref_slice %arg5[%dma_wait3A_137] : memref<1048576xf32, #tpu.memory_space<hbm>> -> memref<64xf32, #tpu.memory_space<hbm>>
      %dma_wait3A_139 = arith.constant 0 : i32
      %dma_wait3A_140 = tpu.memref_slice %arg9[%dma_wait3A_139] : memref<32768xf32, #tpu.memory_space<vmem>> -> memref<64xf32, #tpu.memory_space<vmem>>
      tpu.wait_dma2 semaphore(%arg11 : memref<!tpu.dma_semaphore, #tpu.memory_space<semaphore_mem>>) src(%dma_wait3A_140 : memref<64xf32, #tpu.memory_space<vmem>>) dst(%dma_wait3A_138 : memref<64xf32, #tpu.memory_space<hbm>>)
      %scan3A_141 = arith.constant 6 : i32
      %scan3A_142 = arith.addi %scan3A_83, %scan3A_141 : i32
      %dma_wait3A_143 = arith.constant 0 : i32
      %dma_wait3A_144 = tpu.memref_slice %arg9[%dma_wait3A_143] : memref<32768xf32, #tpu.memory_space<vmem>> -> memref<64xf32, #tpu.memory_space<vmem>>
      %dma_wait3A_145 = arith.constant 0 : i32
      %dma_wait3A_146 = tpu.memref_slice %arg5[%dma_wait3A_145] : memref<1048576xf32, #tpu.memory_space<hbm>> -> memref<64xf32, #tpu.memory_space<hbm>>
      %dma_wait3A_147 = arith.constant 0 : i32
      %dma_wait3A_148 = tpu.memref_slice %arg5[%dma_wait3A_147] : memref<1048576xf32, #tpu.memory_space<hbm>> -> memref<64xf32, #tpu.memory_space<hbm>>
      %dma_wait3A_149 = arith.constant 0 : i32
      %dma_wait3A_150 = tpu.memref_slice %arg9[%dma_wait3A_149] : memref<32768xf32, #tpu.memory_space<vmem>> -> memref<64xf32, #tpu.memory_space<vmem>>
      tpu.wait_dma2 semaphore(%arg11 : memref<!tpu.dma_semaphore, #tpu.memory_space<semaphore_mem>>) src(%dma_wait3A_150 : memref<64xf32, #tpu.memory_space<vmem>>) dst(%dma_wait3A_148 : memref<64xf32, #tpu.memory_space<hbm>>)
      %scan3A_151 = arith.constant 7 : i32
      %scan3A_152 = arith.addi %scan3A_83, %scan3A_151 : i32
      %dma_wait3A_153 = arith.constant 0 : i32
      %dma_wait3A_154 = tpu.memref_slice %arg9[%dma_wait3A_153] : memref<32768xf32, #tpu.memory_space<vmem>> -> memref<64xf32, #tpu.memory_space<vmem>>
      %dma_wait3A_155 = arith.constant 0 : i32
      %dma_wait3A_156 = tpu.memref_slice %arg5[%dma_wait3A_155] : memref<1048576xf32, #tpu.memory_space<hbm>> -> memref<64xf32, #tpu.memory_space<hbm>>
      %dma_wait3A_157 = arith.constant 0 : i32
      %dma_wait3A_158 = tpu.memref_slice %arg5[%dma_wait3A_157] : memref<1048576xf32, #tpu.memory_space<hbm>> -> memref<64xf32, #tpu.memory_space<hbm>>
      %dma_wait3A_159 = arith.constant 0 : i32
      %dma_wait3A_160 = tpu.memref_slice %arg9[%dma_wait3A_159] : memref<32768xf32, #tpu.memory_space<vmem>> -> memref<64xf32, #tpu.memory_space<vmem>>
      tpu.wait_dma2 semaphore(%arg11 : memref<!tpu.dma_semaphore, #tpu.memory_space<semaphore_mem>>) src(%dma_wait3A_160 : memref<64xf32, #tpu.memory_space<vmem>>) dst(%dma_wait3A_158 : memref<64xf32, #tpu.memory_space<hbm>>)
    }
    %scan3A_82 = arith.constant 512 : i32
    return
  }
}

module attributes {stable_mosaic.version = 14 : i64} {
  func.func @_tc_body(%arg0: i32, %arg1: memref<2048x128xf32, #tpu.memory_space<vmem>>, %arg2: memref<64x128xf32, #tpu.memory_space<vmem>>, %arg3: memref<1x64xf32, #tpu.memory_space<vmem>>, %arg4: memref<2048x64xf32, #tpu.memory_space<vmem>>, %arg5: memref<2048x128xf32, #tpu.memory_space<vmem>>) attributes {dimension_semantics = [#tpu.dimension_semantics<arbitrary>], iteration_bounds = array<i64: 8>, scalar_prefetch = 0 : i64, scratch_operands = 0 : i64, tpu.core_type = #tpu.core_type<tc>, window_params = [{transform_indices = @transform_0, window_bounds = array<i64: 2048, 128>}, {pipeline_mode = #tpu.pipeline_mode<synchronous>, transform_indices = @transform_1, window_bounds = array<i64: 64, 128>}, {pipeline_mode = #tpu.pipeline_mode<synchronous>, transform_indices = @transform_2, window_bounds = array<i64: 1, 64>}, {transform_indices = @transform_3, window_bounds = array<i64: 2048, 64>}, {transform_indices = @transform_4, window_bounds = array<i64: 2048, 128>}]} {
    %get3A = arith.constant 0 : index
    %get3A_0 = arith.constant 0 : index
    %get3A_1 = vector.load %arg1[%get3A, %get3A_0] : memref<2048x128xf32, #tpu.memory_space<vmem>>, vector<2048x128xf32>
    %get3A_2 = arith.constant 0 : index
    %get3A_3 = arith.constant 0 : index
    %get3A_4 = vector.load %arg2[%get3A_2, %get3A_3] : memref<64x128xf32, #tpu.memory_space<vmem>>, vector<64x128xf32>
    %dot_general3A = arith.constant dense<0.000000e+00> : vector<2048x64xf32>
    %dot_general3A_5 = tpu.matmul %get3A_1, %get3A_4, %dot_general3A {dimension_numbers = #tpu.dot_dimension_numbers<[1], [1], [0], [0], [0, 0, 1, 0], [], []>, transpose_lhs_hint = false} : vector<2048x128xf32>, vector<64x128xf32>, vector<2048x64xf32> -> vector<2048x64xf32>
    %get3A_6 = arith.constant 0 : index
    %get3A_7 = arith.constant 0 : index
    %get3A_8 = vector.load %arg3[%get3A_6, %get3A_7] : memref<1x64xf32, #tpu.memory_space<vmem>>, vector<1x64xf32>
    %add3A = vector.broadcast %get3A_8 : vector<1x64xf32> to vector<2048x64xf32>
    %add3A_9 = arith.addf %dot_general3A_5, %add3A : vector<2048x64xf32>
    %swap3A = arith.constant 0 : index
    %swap3A_10 = arith.constant 0 : index
    %swap3A_11 = vector.load %arg5[%swap3A, %swap3A_10] : memref<2048x128xf32, #tpu.memory_space<vmem>>, vector<2048x64xf32>
    tpu.vector_store %arg5[%swap3A, %swap3A_10], %add3A_9 {strides = array<i32>} : memref<2048x128xf32, #tpu.memory_space<vmem>>, vector<2048x64xf32>,
    %get3A_12 = arith.constant 0 : index
    %get3A_13 = arith.constant 0 : index
    %get3A_14 = vector.load %arg4[%get3A_12, %get3A_13] : memref<2048x64xf32, #tpu.memory_space<vmem>>, vector<2048x64xf32>
    %swap3A_15 = arith.constant 0 : index
    %swap3A_16 = arith.constant 64 : index
    %swap3A_17 = vector.load %arg5[%swap3A_15, %swap3A_16] : memref<2048x128xf32, #tpu.memory_space<vmem>>, vector<2048x64xf32>
    tpu.vector_store %arg5[%swap3A_15, %swap3A_16], %get3A_14 {strides = array<i32>} : memref<2048x128xf32, #tpu.memory_space<vmem>>, vector<2048x64xf32>,
    return
  }
  func.func @transform_0(%arg0: i32) -> (i32, i32) {
    %c0_i32 = arith.constant 0 : i32
    %c0_i32_0 = arith.constant 0 : i32
    return %arg0, %c0_i32 : i32, i32
  }
  func.func @transform_1(%arg0: i32) -> (i32, i32) {
    %c0_i32 = arith.constant 0 : i32
    %c0_i32_0 = arith.constant 0 : i32
    %c0_i32_1 = arith.constant 0 : i32
    return %c0_i32, %c0_i32_0 : i32, i32
  }
  func.func @transform_2(%arg0: i32) -> (i32, i32) {
    %c0_i32 = arith.constant 0 : i32
    %c0_i32_0 = arith.constant 0 : i32
    %c0_i32_1 = arith.constant 0 : i32
    return %c0_i32, %c0_i32_0 : i32, i32
  }
  func.func @transform_3(%arg0: i32) -> (i32, i32) {
    %c0_i32 = arith.constant 0 : i32
    %c0_i32_0 = arith.constant 0 : i32
    return %arg0, %c0_i32 : i32, i32
  }
  func.func @transform_4(%arg0: i32) -> (i32, i32) {
    %c0_i32 = arith.constant 0 : i32
    %c0_i32_0 = arith.constant 0 : i32
    return %arg0, %c0_i32 : i32, i32
  }
}

</mosaic_0001>

<sc_bundles>
// kernel: gather_offload_async_start
scs
__scs_entry_jumppad:
0x0: {  	(pc) =	sbr.rel $0x88, $3  }
0x1: {  	(tag) =	ssettag $0x0;
	lr =	simm.s32 $0x1  }
0x2: {  	[smem:$0x3F9C] =	sst lr;
	_ =	strace $0xD0000000  }
0x3: {  	_ = 	snop  }
0x4: {  	_ = 	snop  }
0x5: {  	_ = 	snop  }
0x6: {  	_ = 	snop  }
0x7: {  	_ = 	snop  }
__scs_overlays_trampoline_lowered:
0x8: {  	[smem:$0x3FAB] =	sst s0  }
0x9: {  	[smem:$0x3FAC] =	sst s1  }
0xa: {  	[smem:$0x3FAD] =	sst s2  }
0xb: {  	[smem:$0x3FAE] =	sst s3  }
0xc: {  	[smem:$0x3FAF] =	sst s4  }
0xd: {  	[smem:$0x3FB0] =	sst s5  }
0xe: {  	[smem:$0x3FB1] =	sst s6  }
0xf: {  	[smem:$0x3FB2] =	sst s7  }
0x10: {  	[smem:$0x3FB3] =	sst s8  }
0x11: {  	[smem:$0x3FB4] =	sst s9;
	s0 =	simm.s32 @!p0 $0x0  }
0x12: {  	s1 =	sld [smem:$0x3F9A];
	s0 =	simm.s32 @p0 $0x1  }
0x13: {  	[smem:$0x3FB5] =	sst s0;
	s0 =	simm.s32 @!p1 $0x0  }
0x14: {  	s2 =	sld [smem:$0x3F99];
	s0 =	simm.s32 @p1 $0x1  }
0x15: {  	[smem:$0x3FB6] =	sst s0;
	s0 =	simm.s32 @!p2 $0x0  }
0x16: {  	s3 =	sld [smem:$0x3FDB];
	s0 =	simm.s32 @p2 $0x1  }
0x17: {  	s4 =	simm.s32 $0x1BF5;
	[smem:$0x3FB8] =	sst s0  }
0x18: {  	s0 =	sld [smem:$0x3F9B];
	_ =	swait.ge [sflag:s4], $0x0  }
0x19: {  	s7 =	sld [smem:$0x3F9C]  }
0x1a: {  	s8 =	sadd.s32 $0xFFFFE003, lr  }
0x1b: {  	s9 =	sadd.s32 $0xFFFFFEF7, lr;
	s5 =	simm.s32 $0xFFFFFFFF;
	p2 =	slt.u32 s8, $0xFFFFF086  }
0x1c: {  	p1 =	slt.u32 s9, $0xF7A;
	s5 =	simm.s32 @!p2 $0x0  }
0x1d: {  	s5 =	simm.s32 @p1 $0x1;
	p0 =	seq.s32 s7, s2  }
0x1e: {  	s7 =	smul.u32 @!p0 $0xF7A, s2;
	p2 =	seq.s32 @!p0 s5, $0x0  }
0x1f: {  	s9 =	smul.u32 $0xF7A, s1;
	s8 =	simm.s32 @!p0 $0x1BF5;
	p2 =	por !p2, p0  }
0x20: {  	[sflag:s8] =	ssyncset.s32 @!p0 $0xFFFFF086;
	s6 =	sadd.s32 @!p0 s3, s7;
	s7 =	simm.s32 @!p0 $0x108  }
0x21: {  	s3 =	sadd.s32 s3, s9;
	s6 =	sadd.s32 @!p0 $0x88, s6;
	s7 =	simm.s32 @p2 $0x1082  }
0x22: {  	[simem:s7], [sflag:s8] =	dma.local @!p0 [hbm:s6], $0xF7A  }
0x23: {  	s9 =	sor.u32 $0xD0000000, s2;
	s6 =	simm.s32 $0x108;
	_ =	swait.ge @!p0 [sflag:s8], $0x0  }
0x24: {  	s3 =	sadd.s32 $0x88, s3;
	s6 =	simm.s32 @!p1 $0x1082;
	[sflag:s4] =	ssyncset.s32 $0xFFFFF086  }
0x25: {  	[simem:s6], [sflag:s4] =	dma.local [hbm:s3], $0xF7A  }
0x26: {  	[smem:$0x3F9C] =	sst s1;
	(tag) =	ssettag s2;
	_ =	strace s9  }
0x27: {  	s1 =	sld [smem:$0x3FAC]  }
0x28: {  	s2 =	sld [smem:$0x3FAD]  }
0x29: {  	s4 =	sld [smem:$0x3FAF]  }
0x2a: {  	p0 =	seq.s32 s5, $0x0;
	s5 =	sld [smem:$0x3FB0]  }
0x2b: {  	s6 =	sld [smem:$0x3FB1]  }
0x2c: {  	s7 =	sld [smem:$0x3FB2]  }
0x2d: {  	s3 =	simm.s32 $0x108;
	s8 =	sld [smem:$0x3FB3]  }
0x2e: {  	s3 =	simm.s32 @!p0 $0x1082;
	s9 =	sld [smem:$0x3FB4]  }
0x2f: {  	lr =	sadd.s32 s0, s3;
	s0 =	sld [smem:$0x3FAB]  }
0x30: {  	s3 =	sld [smem:$0x3FAE]  }
0x31: {  	[smem:$0x3FB7] =	sst s10  }
0x32: {  	s10 =	sld [smem:$0x3FB5];
	_ =	sdelay $0x3  }
0x33: {  	p0 =	seq.s32 s10, $0x1;
	s10 =	sld [smem:$0x3FB7];
	_ =	sdelay $0x3  }
0x34: {  	[smem:$0x3FB7] =	sst s10  }
0x35: {  	s10 =	sld [smem:$0x3FB6];
	_ =	sdelay $0x3  }
0x36: {  	p1 =	seq.s32 s10, $0x1;
	s10 =	sld [smem:$0x3FB7];
	_ =	sdelay $0x3  }
0x37: {  	[smem:$0x3FB7] =	sst s10  }
0x38: {  	s10 =	sld [smem:$0x3FB8]  }
0x39: {  	_ = 	snop;
	(pc) =	sbr.ind lr, $3  }
0x3a: {  	_ = 	snop  }
0x3b: {  	_ = 	snop  }
0x3c: {  	p2 =	seq.s32 s10, $0x1;
	s10 =	sld [smem:$0x3FB7]  }
0x3d: {  	_ =	shalt  }
0x3e: {  	_ =	shalt  }
0x3f: {  	_ =	shalt  }
0x40: {  	_ =	shalt  }
0x41: {  	_ =	shalt  }
0x42: {  	_ =	shalt  }
0x43: {  	_ =	shalt  }
0x44: {  	_ =	shalt  }
0x45: {  	_ =	shalt  }
0x46: {  	_ =	shalt  }
0x47: {  	_ =	shalt  }
0x48: {  	_ =	shalt  }
0x49: {  	_ =	shalt  }
0x4a: {  	_ =	shalt  }
0x4b: {  	_ =	shalt  }
0x4c: {  	_ =	shalt  }
0x4d: {  	_ =	shalt  }
0x4e: {  	_ =	shalt  }
0x4f: {  	_ =	shalt  }
0x50: {  	_ =	shalt  }
0x51: {  	_ =	shalt  }
0x52: {  	_ =	shalt  }
0x53: {  	_ =	shalt  }
0x54: {  	_ =	shalt  }
0x55: {  	_ =	shalt  }
0x56: {  	_ =	shalt  }
0x57: {  	_ =	shalt  }
0x58: {  	_ =	shalt  }
0x59: {  	_ =	shalt  }
0x5a: {  	_ =	shalt  }
0x5b: {  	_ =	shalt  }
0x5c: {  	_ =	shalt  }
0x5d: {  	_ =	shalt  }
0x5e: {  	_ =	shalt  }
0x5f: {  	_ =	shalt  }
0x60: {  	_ =	shalt  }
0x61: {  	_ =	shalt  }
0x62: {  	_ =	shalt  }
0x63: {  	_ =	shalt  }
0x64: {  	_ =	shalt  }
0x65: {  	_ =	shalt  }
0x66: {  	_ =	shalt  }
0x67: {  	_ =	shalt  }
0x68: {  	_ =	shalt  }
0x69: {  	_ =	shalt  }
0x6a: {  	_ =	shalt  }
0x6b: {  	_ =	shalt  }
0x6c: {  	_ =	shalt  }
0x6d: {  	_ =	shalt  }
0x6e: {  	_ =	shalt  }
0x6f: {  	_ =	shalt  }
0x70: {  	_ =	shalt  }
0x71: {  	_ =	shalt  }
0x72: {  	_ =	shalt  }
0x73: {  	_ =	shalt  }
0x74: {  	_ =	shalt  }
0x75: {  	_ =	shalt  }
0x76: {  	_ =	shalt  }
0x77: {  	_ =	shalt  }
0x78: {  	_ =	shalt  }
0x79: {  	_ =	shalt  }
0x7a: {  	_ =	shalt  }
0x7b: {  	_ =	shalt  }
0x7c: {  	_ =	shalt  }
0x7d: {  	_ =	shalt  }
0x7e: {  	_ =	shalt  }
0x7f: {  	_ =	shalt  }
0x80: {  	_ =	shalt  }
0x81: {  	_ =	shalt  }
0x82: {  	_ =	shalt  }
0x83: {  	_ =	shalt  }
0x84: {  	_ =	shalt  }
0x85: {  	_ =	shalt  }
0x86: {  	_ =	shalt  }
0x87: {  	_ =	shalt  }
.Lfunc_end0:
.L_simem_size_0:
called_computation_lowered:
.L_overlay_start_0:
0x88: {  	s2 =	sld [smem:$0x3FD9]  }
0x89: {  	s3 =	sld [smem:$0x3FFE];
	_ =	sdelay $0x1  }
0x8a: {  	s1 =	srdreg.scid  }
0x8b: {  	s0 =	sand.u32 $0x1, s1  }
0x8c: {  	s17 =	sshll.u32 s0, $0xA;
	s2 =	sadd.s32 s3, s2  }
0x8d: {  	s2 =	sadd.s32 s2, s17  }
0x8e: {  	[smem:$0x3FC3] =	sst s2  }
0x8f: {  	_ = 	snop  }
0x90: {  	s2 =	sld [smem:$0x3FD0];
	(tm) =	ssettm $0x1  }
0x91: {  	s18 =	sld [smem:$0x3FFB];
	_ =	sdelay $0x3  }
0x92: {  	_ =	strace s18  }
0x93: {  	s3 =	sld [smem:$0x3FFC];
	_ =	sdelay $0x3  }
0x94: {  	_ =	strace s3  }
0x95: {  	s3 =	sld [smem:$0x3FFD];
	_ =	sdelay $0x3  }
0x96: {  	_ =	strace s3  }
0x97: {  	_ =	strace $0x8FFFFFFF  }
0x98: {  	s19 =	sld [smem:$0x3FDB];
	_ =	sdelay $0x1  }
0x99: {  	s4 =	simm.s32 $_scs_section_size  }
0x9a: {  	s5 =	simm.s32 $_size__tile_overlayer_lowered;
	s6 =	simm.s32 $_tile_overlayer_lowered  }
0x9b: {  	s22 =	simm.s32 $0x1BFF;
	s21 =	sshll.u32 s6, $0x1;
	s3 =	sadd.s32 s4, s19  }
0x9c: {  	s7 =	simm.s32 $0x0;
	s20 =	sshll.u32 s5, $0x1;
	s5 =	sadd.s32 s21, s3  }
0x9d: {  	[timem:s7], [sflag:s22] =	dma.local [hbm:s5], s20  }
0x9e: {  	_ =	swait.ge [sflag:s22], s20  }
0x9f: {  	s4 =	ssub.s32 $0x0, s20;
	[sflag:s22] =	ssyncset.done $0x0  }
0xa0: {  	[sflag:s22] =	ssyncadd.s32 s4;
	_ =	sdelay $0x1  }
0xa1: {  	s23 =	simm.s32 $0x1B8B  }
0xa2: {  	_ =	swait.ge [sflag:s23], $0x1  }
0xa3: {  	[sflag:s23] =	ssyncset.done $0x0  }
0xa4: {  	s25 =	simm.s32 $0x1B8E;
	s24 =	sld [smem:$0x3FFE];
	[sflag:s23] =	ssyncadd.s32 $0xFFFFFFFF  }
0xa5: {  	s26 =	simm.s32 $execute0_lowered;
	[smem:$0x3FD2] =	sst s25  }
0xa6: {  	s5 =	sshll.u32 s26, $0x1;
	_ =	strace $0x80000046;
	[dreg:$0x1] =	wrdreg $0xFFFFFFFF  }
0xa7: {  	s28 =	simm.s32 $_size_execute0_lowered;
	s3 =	sadd.s32 s3, s5;
	[dreg:$0x0] =	wrdreg $0x0  }
0xa8: {  	s5 =	sshll.u32 s28, $0x1;
	[dreg:$0x2] =	wrdreg s3  }
0xa9: {  	[dreg:$0x3] =	wrdreg s5  }
0xaa: {  	[dreg:$0x4] =	wrdreg $0xC0  }
0xab: {  	_ =	task [dreg:s7], $0x5FFFF  }
0xac: {  	[dreg:$0x1] =	wrdreg $0xFFFFFFFF  }
0xad: {  	[dreg:$0x0] =	wrdreg $0x60  }
0xae: {  	[dreg:$0x2] =	wrdreg s24  }
0xaf: {  	[dreg:$0x3] =	wrdreg s2  }
0xb0: {  	[dreg:$0x4] =	wrdreg $0x9  }
0xb1: {  	_ =	task.clear_ibuf [dreg:s7], $0x5FFFF;
	_ =	strace $0x90000046  }
0xb2: {  	s29 =	simm.s32 $0x9;
	_ =	strace $0x80000048  }
0xb3: {  	_ =	swait.ge [sflag:s29], $0x1  }
0xb4: {  	[sflag:s29] =	ssyncadd.s32 $0xFFFFFFFF  }
0xb5: {  	_ =	strace $0x90000048  }
0xb6: {  	_ =	sfence  }
0xb7: {  	s30 =	sld [smem:$0x0];
	_ =	sdelay $0x2  }
0xb8: {  	s31 =	sshll.u32 s1, $0xD;
	s1 =	sshrl.u32 s1, $0x2  }
0xb9: {  	s3 =	sand.u32 $0x4000, s31;
	s1 =	sadd.s32 s1, s30  }
0xba: {  	s0 =	sor.u32 s3, s0;
	s1 =	sshll.u32 s1, $0x11  }
0xbb: {  	s0 =	sor.u32 s1, s0  }
0xbc: {  	s0 =	sadd.s32 $0x8F2B, s0  }
0xbd: {  	[sflag:s0] =	ssyncadd.remote.s32 $0x1  }
0xbe: {  	_ =	sfence.sel $0xFFFF  }
0xbf: {  	[dreg:$0x0] =	wrdreg $0xFFFFFFFF;
	(pc) =	sbr.abs _section_cstart, $3  }
0xc0: {  	[dreg:$0x1] =	wrdreg $0xFFFFFFFF  }
0xc1: {  	_ =	task.clear_ibuf [dreg:s7], $0x2FFFF;
	_ =	strace $0x9FFFFFFF  }
0xc2: {  	(tm) =	ssettm $0x7FFFFFFF  }
0xc3: {  	_ =	shalt  }
tec
execute0_lowered:
.L_overlay_start_1:
0x0: {  	(tag) =	ssettag $0x1  }
0x1: {  	s1 =	srdreg.scid;
	s2 =	rddreg [dreg:$0x0]  }
0x2: {  	s0 =	stileid.u32;
	s3 =	rddreg [dreg:$0x1]  }
0x3: {  	s6 =	simm.s32 $0x1;
	s9 =	simm.s32 $0x1;
	s1 =	sshll.u32 s1, $0x8  }
0x4: {  	s10 =	simm.s32 $0x3;
	s4 =	sshll.u32 s0, $0x9;
	s5 =	sand.u32 $0x100, s1  }
0x5: {  	s13 =	simm.s32 $0x0;
	s12 =	simm.s32 $0x0;
	s4 =	sor.u32 s4, s5  }
0x6: {  	s1 =	rddreg [dreg:$0x2];
	_ =	strace $0x80000047;
	s8 =	ssub.s32 $0x4000, s4  }
.Ltmp0:
0x7: {  	s5 =	sadd.s32 $0x1000, s2;
	s7 =	sand.u32 $0x1F00, s8;
	(pc) =	sbr.rel .LBB2_1-.Ltmp0, $4  }
0x8: {  	[sflag:s6] =	ssyncpa.u1 $0x0;
	s11 =	smov.u32 s4;
	p0 =	sne.s32 s7, $0x0  }
0x9: {  	s8 =	sshrl.u32 s8, $0xD;
	s7 =	simm.s32 $0x2;
	s9 =	simm.s32 @!p0 $0x0  }
0xa: {  	[sflag:s7] =	ssyncpa.u1 $0x0;
	p0 =	por $0x0, $0x0;
	s8 =	sadd.s32 s9, s8  }
0xb: {  	vm0 =	vmmov $0xffff;
	[sflag:s10] =	ssyncpa.u1 $0x0;
	s10 =	simm.s32 $0x0;
	s9 =	sadd.s32 $0x1, s8  }
.LBB2_4:
0xc: {  	vm1 =	veq.s32 v0, $0x80000000;
	v63 =	vand.u32 $0x1F, v0;
	v2 =	vand.u32 $0x1FF, v2  }
0xd: {  	v0 =	vsel vm1, $0xFFFFFFFF, v63;
	v2 =	vsel vm1, $0xFFFFFFFF, v2  }
0xe: {  	v3 =	vshll.u32 v0, $0x9;
	v4 =	vshll.u32 v2, $0x3  }
0xf: {  	v0 =	vshll.u32 v0, $0x7;
	v3 =	vand.u32 $0xFFFFF000, v3;
	v4 =	vand.u32 $0xFFFFFC00, v4  }
0x10: {  	v0 =	vand.u32 $0x380, v0;
	v3 =	vadd.s32 v3, v4  }
0x11: {  	v2 =	vand.u32 $0x7F, v2;
	v0 =	vor.u32 v0, v3  }
0x12: {  	v0 =	vor.u32 v2, v0;
	_ =	sdelay $0x1  }
0x13: {  	(ifvalue) =	ssetifvalue $0x7FFFFFFF;
	s14 =	sadd.s32 $0x10, s14  }
0x14: {  	[tilespmem:s14], [sflag:$0x1] =	stream.indirect_vreg.gather [hbm4b:s5+s10], $0x1, v1, vm0, $0x4038;
	[tilespmem:$0x400] =	vst v63  }
0x15: {  	(ifvalue) =	ssetifvalue $0x7FFFFFFF;
	s14 =	sadd.s32 $0x10, s14  }
0x16: {  	[tilespmem:s14], [sflag:$0x1] =	stream.indirect_vreg.gather [hbm4b:s5+s10], $0x1, v0, vm0, $0x4038;
	[tilespmem:$0x400] =	vst v63  }
0x17: {  	_ =	swait.ge [sflag:s6], $0x100  }
0x18: {  	s30 =	sshrl.u32 s13, $0x3;
	[sflag:s6] =	ssyncset.done $0x0  }
0x19: {  	s31 =	sand.u32 $0x7, s13;
	s14 =	sadd.s32 s3, s30;
	[sflag:s6] =	ssyncadd.s32 $0xFFFFFF00  }
0x1a: {  	[hbm4b:s14+s31] =	stream.linear.scatter [tilespmem:s15], [sflag:$0x3], $0x100, $0x38;
	[tilespmem:$0x400] =	vst v63  }
.LBB2_5:
0x1b: {  	s15 =	sadd.s32 $0x2000, s11  }
0x1c: {  	p2 =	sgt.s32 s15, $0x3FFF  }
0x1d: {  	s15 =	smov.u32 @p2 s4;
	p2 =	sne.s32 s12, s9  }
.Ltmp1:
0x1e: {  	p1 =	slt.u32 s12, $0x2;
	(pc) =	sbr.rel @!p2 .LBB2_6-.Ltmp1, $4  }
0x1f: {  	s14 =	simm.s32 @!p1 $0x3  }
0x20: {  	s16 =	sadd.s32 $0x1, s12;
	_ =	swait.ge @!p1 [sflag:s14], $0x100  }
0x21: {  	s13 =	smov.u32 s11;
	p0 =	por !p0, !p0;
	[sflag:s14] =	ssyncset.done @!p1 $0x0  }
0x22: {  	s12 =	smov.u32 s16;
	s11 =	smov.u32 s15;
	[sflag:s14] =	ssyncadd.s32 @!p1 $0xFFFFFF00  }
.LBB2_1:
0x23: {  	p1 =	sge.u32 s12, s8  }
0x24: {  	s14 =	sxor.u32 @!p1 $0xFFFFFFFF, s12  }
0x25: {  	s31 =	sadd.s32 $0xFFFFFFFF, s12;
	s15 =	sshrl.u32 @!p1 s11, $0x3;
	s14 =	sshll.u32 @!p1 s14, $0x8  }
0x26: {  	s16 =	sand.u32 @!p1 $0x7, s11;
	s15 =	sadd.s32 @!p1 s2, s15;
	s14 =	sand.u32 @!p1 $0x100, s14  }
0x27: {  	[tilespmem:s14], [sflag:$0x2] =	stream.linear.gather @!p1 [hbm4b:s15+s16], $0x100, $0x38;
	[tilespmem:$0x400] =	vst v63  }
0x28: {  	p1 =	sge.u32 s31, s8  }
.Ltmp2:
0x29: {  	_ = 	snop;
	(pc) =	sbr.rel @p1 .LBB2_5-.Ltmp2, $1  }
0x2a: {  	_ =	sdelay $0x3  }
0x2b: {  	s14 =	simm.s32 $0x1  }
0x2c: {  	_ =	swait.ge [sflag:s7], $0x100;
	s14 =	simm.s32 @!p0 $0x0  }
0x2d: {  	[sflag:s7] =	ssyncset.done $0x0;
	s14 =	sshll.u32 s14, $0x8  }
0x2e: {  	[sflag:s7] =	ssyncadd.s32 $0xFFFFFF00;
	(ifvalue) =	ssetifvalue $0x7FFFFFFF;
	v0 =	vld.msk [tilespmem:s14+$0x0 ss:$0x1], $0xffff;
	_ =	sdelay $0x3  }
0x2f: {  	s15 =	sadd.s32 $0x10, s14  }
0x30: {  	v2 =	vld.msk [tilespmem:s15+$0x0 ss:$0x1], $0xffff;
	v1 =	vshrl.u32 v0, $0x5  }
0x31: {  	vm1 =	veq.s32 v0, $0x80000000;
	v0 =	vand.u32 $0x1F, v0;
	v1 =	vand.u32 $0x1FF, v1  }
0x32: {  	v0 =	vsel vm1, $0xFFFFFFFF, v0;
	v1 =	vsel vm1, $0xFFFFFFFF, v1  }
0x33: {  	v3 =	vshll.u32 v0, $0x9;
	v4 =	vshll.u32 v1, $0x3  }
0x34: {  	v0 =	vshll.u32 v0, $0x7;
	v3 =	vand.u32 $0xFFFFF000, v3;
	v4 =	vand.u32 $0xFFFFFC00, v4  }
0x35: {  	vm1 =	veq.s32 v2, $0x80000000;
	v0 =	vand.u32 $0x380, v0;
	v3 =	vadd.s32 v3, v4  }
0x36: {  	v1 =	vand.u32 $0x7F, v1;
	v0 =	vor.u32 v0, v3;
	v3 =	vshrl.u32 v2, $0x5  }
0x37: {  	s17 =	sadd.s32 $0x10, s15;
	v2 =	vand.u32 $0x1F, v2;
	v1 =	vor.u32 v1, v0;
	v3 =	vand.u32 $0x1FF, v3  }
0x38: {  	v0 =	vld.msk [tilespmem:s17+$0x0 ss:$0x1], $0xffff;
	v2 =	vsel vm1, $0xFFFFFFFF, v2;
	v3 =	vsel vm1, $0xFFFFFFFF, v3  }
0x39: {  	v63 =	vshll.u32 v2, $0x9;
	v5 =	vshll.u32 v3, $0x3  }
0x3a: {  	s31 =	sshll.u32 s12, $0x8;
	v2 =	vshll.u32 v2, $0x7;
	v4 =	vand.u32 $0xFFFFF000, v63;
	v5 =	vand.u32 $0xFFFFFC00, v5  }
0x3b: {  	s14 =	sor.u32 $0x200, s14;
	s15 =	sand.u32 $0x100, s31;
	(ifvalue) =	ssetifvalue $0x7FFFFFFF;
	v2 =	vand.u32 $0x380, v2;
	v4 =	vadd.s32 v4, v5  }
0x3c: {  	[tilespmem:s14], [sflag:$0x1] =	stream.indirect_vreg.gather [hbm4b:s5+s10], $0x1, v1, vm0, $0x4038;
	v1 =	vand.u32 $0x7F, v3;
	v3 =	vor.u32 v2, v4;
	[tilespmem:$0x400] =	vst v63  }
0x3d: {  	s16 =	simm.s32 $0x20;
	s15 =	sor.u32 $0x200, s15;
	s17 =	sadd.s32 $0x10, s17;
	v2 =	vshrl.u32 v0, $0x5;
	v1 =	vor.u32 v1, v3  }
.LBB2_3:
0x3e: {  	s16 =	sadd.s32 $0x10, s16;
	vm1 =	veq.s32 v0, $0x80000000;
	v3 =	vand.u32 $0x1F, v0;
	v0 =	vld.msk [tilespmem:s17+$0x0 ss:$0x1], $0xffff;
	v2 =	vand.u32 $0x1FF, v2  }
0x3f: {  	p1 =	slt.u32 s16, $0xF0;
	v3 =	vsel vm1, $0xFFFFFFFF, v3;
	v2 =	vsel vm1, $0xFFFFFFFF, v2  }
.Ltmp3:
0x40: {  	v4 =	vshll.u32 v3, $0x9;
	v5 =	vshll.u32 v2, $0x3;
	(pc) =	sbr.rel @p1 .LBB2_3-.Ltmp3, $4  }
0x41: {  	s14 =	sadd.s32 $0x10, s14;
	v3 =	vshll.u32 v3, $0x7;
	v4 =	vand.u32 $0xFFFFF000, v4;
	v5 =	vand.u32 $0xFFFFFC00, v5;
	(ifvalue) =	ssetifvalue $0x7FFFFFFF  }
0x42: {  	v3 =	vand.u32 $0x380, v3;
	v4 =	vadd.s32 v4, v5;
	[tilespmem:s14], [sflag:$0x1] =	stream.indirect_vreg.gather [hbm4b:s5+s10], $0x1, v1, vm0, $0x4038;
	[tilespmem:$0x400] =	vst v63  }
0x43: {  	v1 =	vand.u32 $0x7F, v2;
	v3 =	vor.u32 v3, v4  }
0x44: {  	s17 =	sadd.s32 $0x10, s17;
	v2 =	vshrl.u32 v0, $0x5;
	v1 =	vor.u32 v1, v3  }
.Ltmp4:
0x45: {  	_ = 	snop;
	(pc) =	sbr.rel .LBB2_4-.Ltmp4, $1  }
0x46: {  	_ =	sdelay $0x3  }
.LBB2_6:
0x47: {  	_ =	sfence.sel $0x180000  }
0x48: {  	s2 =	simm.s32 $0x2;
	[bflag:$0x0] =	sbarrier.arrive $0xFFFF  }
0x49: {  	s30 =	simm.s32 $0x3;
	[sflag:s2] =	ssyncpa.u1 $0x1  }
0x4a: {  	s31 =	simm.s32 $0x1;
	[sflag:s30] =	ssyncpa.u1 $0x1  }
0x4b: {  	[sflag:s31] =	ssyncpa.u1 $0x1  }
0x4c: {  	p0 =	sne.s32 s0, $0x0;
	_ =	strace $0x90000047  }
0x4d: {  	s0 =	sadd.s32 @!p0 $0x100000, s1;
	[bflag:$0x2] =	sbarrier.arrive $0xFFFF  }
0x4e: {  	[sflag:s0] =	ssyncadd.tile.s32 @!p0 $0x1;
	_ =	shalt  }
.Lfunc_end2:
_tile_overlayer_lowered:
.L_overlay_start_2:
0x4f: {  	(tag) =	ssettag $0x2  }
0x50: {  	s0 =	rddreg [dreg:$0x0];
	s2 =	stileid.u32  }
0x51: {  	s1 =	rddreg [dreg:$0x1];
	p0 =	sne.s32 s2, $0x0  }
0x52: {  	s3 =	rddreg [dreg:$0x2];
	[bflag:$0x3] =	sbarrier.arrive $0xFFFF;
	s2 =	simm.s32 @!p0 $0x1C01  }
0x53: {  	[timem:s3], [sflag:s2] =	dma.local @!p0 [hbm:s0], s1  }
0x54: {  	s0 =	simm.s32 @!p0 $0x1  }
0x55: {  	_ =	swait.ge @!p0 [sflag:s0], s1  }
0x56: {  	s1 =	ssub.s32 @!p0 $0x0, s1;
	[sflag:s0] =	ssyncset.done @!p0 $0x0  }
0x57: {  	[sflag:s0] =	ssyncadd.s32 @!p0 s1  }
0x58: {  	[bflag:$0x3] =	sbarrier.arrive $0xFFFF  }
0x59: {  	_ =	shalt  }

// kernel: kernel.4.cloned.1.call-start
scs
__scs_entry_jumppad:
0x0: {  	(pc) =	sbr.rel $0x88, $3  }
0x1: {  	(tag) =	ssettag $0x0;
	lr =	simm.s32 $0x1  }
0x2: {  	[smem:$0x3F9C] =	sst lr;
	_ =	strace $0xD0000000  }
0x3: {  	_ = 	snop  }
0x4: {  	_ = 	snop  }
0x5: {  	_ = 	snop  }
0x6: {  	_ = 	snop  }
0x7: {  	_ = 	snop  }
__scs_overlays_trampoline_lowered:
0x8: {  	[smem:$0x3FAB] =	sst s0  }
0x9: {  	[smem:$0x3FAC] =	sst s1  }
0xa: {  	[smem:$0x3FAD] =	sst s2  }
0xb: {  	[smem:$0x3FAE] =	sst s3  }
0xc: {  	[smem:$0x3FAF] =	sst s4  }
0xd: {  	[smem:$0x3FB0] =	sst s5  }
0xe: {  	[smem:$0x3FB1] =	sst s6  }
0xf: {  	[smem:$0x3FB2] =	sst s7  }
0x10: {  	[smem:$0x3FB3] =	sst s8  }
0x11: {  	[smem:$0x3FB4] =	sst s9;
	s0 =	simm.s32 @!p0 $0x0  }
0x12: {  	s1 =	sld [smem:$0x3F9A];
	s0 =	simm.s32 @p0 $0x1  }
0x13: {  	[smem:$0x3FB5] =	sst s0;
	s0 =	simm.s32 @!p1 $0x0  }
0x14: {  	s2 =	sld [smem:$0x3F99];
	s0 =	simm.s32 @p1 $0x1  }
0x15: {  	[smem:$0x3FB6] =	sst s0;
	s0 =	simm.s32 @!p2 $0x0  }
0x16: {  	s3 =	sld [smem:$0x3FDB];
	s0 =	simm.s32 @p2 $0x1  }
0x17: {  	s4 =	simm.s32 $0x1BF5;
	[smem:$0x3FB8] =	sst s0  }
0x18: {  	s0 =	sld [smem:$0x3F9B];
	_ =	swait.ge [sflag:s4], $0x0  }
0x19: {  	s7 =	sld [smem:$0x3F9C]  }
0x1a: {  	s8 =	sadd.s32 $0xFFFFE003, lr  }
0x1b: {  	s9 =	sadd.s32 $0xFFFFFEF7, lr;
	s5 =	simm.s32 $0xFFFFFFFF;
	p2 =	slt.u32 s8, $0xFFFFF086  }
0x1c: {  	p1 =	slt.u32 s9, $0xF7A;
	s5 =	simm.s32 @!p2 $0x0  }
0x1d: {  	s5 =	simm.s32 @p1 $0x1;
	p0 =	seq.s32 s7, s2  }
0x1e: {  	s7 =	smul.u32 @!p0 $0xF7A, s2;
	p2 =	seq.s32 @!p0 s5, $0x0  }
0x1f: {  	s9 =	smul.u32 $0xF7A, s1;
	s8 =	simm.s32 @!p0 $0x1BF5;
	p2 =	por !p2, p0  }
0x20: {  	[sflag:s8] =	ssyncset.s32 @!p0 $0xFFFFF086;
	s6 =	sadd.s32 @!p0 s3, s7;
	s7 =	simm.s32 @!p0 $0x108  }
0x21: {  	s3 =	sadd.s32 s3, s9;
	s6 =	sadd.s32 @!p0 $0x88, s6;
	s7 =	simm.s32 @p2 $0x1082  }
0x22: {  	[simem:s7], [sflag:s8] =	dma.local @!p0 [hbm:s6], $0xF7A  }
0x23: {  	s9 =	sor.u32 $0xD0000000, s2;
	s6 =	simm.s32 $0x108;
	_ =	swait.ge @!p0 [sflag:s8], $0x0  }
0x24: {  	s3 =	sadd.s32 $0x88, s3;
	s6 =	simm.s32 @!p1 $0x1082;
	[sflag:s4] =	ssyncset.s32 $0xFFFFF086  }
0x25: {  	[simem:s6], [sflag:s4] =	dma.local [hbm:s3], $0xF7A  }
0x26: {  	[smem:$0x3F9C] =	sst s1;
	(tag) =	ssettag s2;
	_ =	strace s9  }
0x27: {  	s1 =	sld [smem:$0x3FAC]  }
0x28: {  	s2 =	sld [smem:$0x3FAD]  }
0x29: {  	s4 =	sld [smem:$0x3FAF]  }
0x2a: {  	p0 =	seq.s32 s5, $0x0;
	s5 =	sld [smem:$0x3FB0]  }
0x2b: {  	s6 =	sld [smem:$0x3FB1]  }
0x2c: {  	s7 =	sld [smem:$0x3FB2]  }
0x2d: {  	s3 =	simm.s32 $0x108;
	s8 =	sld [smem:$0x3FB3]  }
0x2e: {  	s3 =	simm.s32 @!p0 $0x1082;
	s9 =	sld [smem:$0x3FB4]  }
0x2f: {  	lr =	sadd.s32 s0, s3;
	s0 =	sld [smem:$0x3FAB]  }
0x30: {  	s3 =	sld [smem:$0x3FAE]  }
0x31: {  	[smem:$0x3FB7] =	sst s10  }
0x32: {  	s10 =	sld [smem:$0x3FB5];
	_ =	sdelay $0x3  }
0x33: {  	p0 =	seq.s32 s10, $0x1;
	s10 =	sld [smem:$0x3FB7];
	_ =	sdelay $0x3  }
0x34: {  	[smem:$0x3FB7] =	sst s10  }
0x35: {  	s10 =	sld [smem:$0x3FB6];
	_ =	sdelay $0x3  }
0x36: {  	p1 =	seq.s32 s10, $0x1;
	s10 =	sld [smem:$0x3FB7];
	_ =	sdelay $0x3  }
0x37: {  	[smem:$0x3FB7] =	sst s10  }
0x38: {  	s10 =	sld [smem:$0x3FB8]  }
0x39: {  	_ = 	snop;
	(pc) =	sbr.ind lr, $3  }
0x3a: {  	_ = 	snop  }
0x3b: {  	_ = 	snop  }
0x3c: {  	p2 =	seq.s32 s10, $0x1;
	s10 =	sld [smem:$0x3FB7]  }
0x3d: {  	_ =	shalt  }
0x3e: {  	_ =	shalt  }
0x3f: {  	_ =	shalt  }
0x40: {  	_ =	shalt  }
0x41: {  	_ =	shalt  }
0x42: {  	_ =	shalt  }
0x43: {  	_ =	shalt  }
0x44: {  	_ =	shalt  }
0x45: {  	_ =	shalt  }
0x46: {  	_ =	shalt  }
0x47: {  	_ =	shalt  }
0x48: {  	_ =	shalt  }
0x49: {  	_ =	shalt  }
0x4a: {  	_ =	shalt  }
0x4b: {  	_ =	shalt  }
0x4c: {  	_ =	shalt  }
0x4d: {  	_ =	shalt  }
0x4e: {  	_ =	shalt  }
0x4f: {  	_ =	shalt  }
0x50: {  	_ =	shalt  }
0x51: {  	_ =	shalt  }
0x52: {  	_ =	shalt  }
0x53: {  	_ =	shalt  }
0x54: {  	_ =	shalt  }
0x55: {  	_ =	shalt  }
0x56: {  	_ =	shalt  }
0x57: {  	_ =	shalt  }
0x58: {  	_ =	shalt  }
0x59: {  	_ =	shalt  }
0x5a: {  	_ =	shalt  }
0x5b: {  	_ =	shalt  }
0x5c: {  	_ =	shalt  }
0x5d: {  	_ =	shalt  }
0x5e: {  	_ =	shalt  }
0x5f: {  	_ =	shalt  }
0x60: {  	_ =	shalt  }
0x61: {  	_ =	shalt  }
0x62: {  	_ =	shalt  }
0x63: {  	_ =	shalt  }
0x64: {  	_ =	shalt  }
0x65: {  	_ =	shalt  }
0x66: {  	_ =	shalt  }
0x67: {  	_ =	shalt  }
0x68: {  	_ =	shalt  }
0x69: {  	_ =	shalt  }
0x6a: {  	_ =	shalt  }
0x6b: {  	_ =	shalt  }
0x6c: {  	_ =	shalt  }
0x6d: {  	_ =	shalt  }
0x6e: {  	_ =	shalt  }
0x6f: {  	_ =	shalt  }
0x70: {  	_ =	shalt  }
0x71: {  	_ =	shalt  }
0x72: {  	_ =	shalt  }
0x73: {  	_ =	shalt  }
0x74: {  	_ =	shalt  }
0x75: {  	_ =	shalt  }
0x76: {  	_ =	shalt  }
0x77: {  	_ =	shalt  }
0x78: {  	_ =	shalt  }
0x79: {  	_ =	shalt  }
0x7a: {  	_ =	shalt  }
0x7b: {  	_ =	shalt  }
0x7c: {  	_ =	shalt  }
0x7d: {  	_ =	shalt  }
0x7e: {  	_ =	shalt  }
0x7f: {  	_ =	shalt  }
0x80: {  	_ =	shalt  }
0x81: {  	_ =	shalt  }
0x82: {  	_ =	shalt  }
0x83: {  	_ =	shalt  }
0x84: {  	_ =	shalt  }
0x85: {  	_ =	shalt  }
0x86: {  	_ =	shalt  }
0x87: {  	_ =	shalt  }
.Lfunc_end0:
.L_simem_size_0:
called_computation.1_lowered:
.L_overlay_start_0:
0x88: {  	s2 =	sld [smem:$0x3FD9]  }
0x89: {  	s3 =	sld [smem:$0x3FFE];
	_ =	sdelay $0x1  }
0x8a: {  	s1 =	srdreg.scid  }
0x8b: {  	s0 =	sand.u32 $0x1, s1  }
0x8c: {  	s17 =	sshll.u32 s0, $0xA;
	s2 =	sadd.s32 s3, s2  }
0x8d: {  	s2 =	sadd.s32 s2, s17  }
0x8e: {  	[smem:$0x3FC3] =	sst s2  }
0x8f: {  	_ = 	snop  }
0x90: {  	s2 =	sld [smem:$0x3FC5]  }
0x91: {  	s18 =	sld [smem:$0x3FD0];
	(tm) =	ssettm $0x1  }
0x92: {  	s4 =	sld [smem:$0x3FFB];
	_ =	sdelay $0x3  }
0x93: {  	_ =	strace s4  }
0x94: {  	s4 =	sld [smem:$0x3FFC];
	_ =	sdelay $0x3  }
0x95: {  	_ =	strace s4  }
0x96: {  	s4 =	sld [smem:$0x3FFD];
	_ =	sdelay $0x3  }
0x97: {  	_ =	strace s4  }
0x98: {  	_ =	strace $0x8FFFFFFF  }
0x99: {  	s19 =	sld [smem:$0x3FDB];
	_ =	sdelay $0x1  }
0x9a: {  	s5 =	simm.s32 $_scs_section_size  }
0x9b: {  	s6 =	simm.s32 $_size__tile_overlayer_lowered;
	s7 =	simm.s32 $_tile_overlayer_lowered  }
0x9c: {  	s22 =	simm.s32 $0x1BFF;
	s21 =	sshll.u32 s7, $0x1;
	s4 =	sadd.s32 s5, s19  }
0x9d: {  	s8 =	simm.s32 $0x0;
	s20 =	sshll.u32 s6, $0x1;
	s6 =	sadd.s32 s21, s4  }
0x9e: {  	[timem:s8], [sflag:s22] =	dma.local [hbm:s6], s20  }
0x9f: {  	_ =	swait.ge [sflag:s22], s20  }
0xa0: {  	s5 =	ssub.s32 $0x0, s20;
	[sflag:s22] =	ssyncset.done $0x0  }
0xa1: {  	[sflag:s22] =	ssyncadd.s32 s5;
	_ =	sdelay $0x1  }
0xa2: {  	s23 =	simm.s32 $0x1B8B  }
0xa3: {  	_ =	swait.ge [sflag:s23], $0x1  }
0xa4: {  	[sflag:s23] =	ssyncset.done $0x0  }
0xa5: {  	s25 =	simm.s32 $0x1B8E;
	s24 =	sld [smem:$0x3FFE];
	[sflag:s23] =	ssyncadd.s32 $0xFFFFFFFF  }
0xa6: {  	s26 =	simm.s32 $execute0_lowered;
	[smem:$0x3FD2] =	sst s25  }
0xa7: {  	s6 =	sshll.u32 s26, $0x1;
	_ =	strace $0x80000049;
	[dreg:$0x1] =	wrdreg $0xFFFFFFFF  }
0xa8: {  	s28 =	simm.s32 $_size_execute0_lowered;
	s4 =	sadd.s32 s4, s6;
	[dreg:$0x0] =	wrdreg $0x0  }
0xa9: {  	s6 =	sshll.u32 s28, $0x1;
	[dreg:$0x2] =	wrdreg s4  }
0xaa: {  	[dreg:$0x3] =	wrdreg s6  }
0xab: {  	[dreg:$0x4] =	wrdreg $0xC0  }
0xac: {  	_ =	task [dreg:s8], $0x5FFFF  }
0xad: {  	[dreg:$0x1] =	wrdreg $0xFFFFFFFF  }
0xae: {  	[dreg:$0x0] =	wrdreg $0x60  }
0xaf: {  	[dreg:$0x2] =	wrdreg s2  }
0xb0: {  	[dreg:$0x3] =	wrdreg s24  }
0xb1: {  	[dreg:$0x4] =	wrdreg s18  }
0xb2: {  	[dreg:$0x5] =	wrdreg $0x9  }
0xb3: {  	_ =	task.clear_ibuf [dreg:s8], $0x6FFFF;
	_ =	strace $0x90000049  }
0xb4: {  	s29 =	simm.s32 $0x9;
	_ =	strace $0x8000004B  }
0xb5: {  	_ =	swait.ge [sflag:s29], $0x1  }
0xb6: {  	[sflag:s29] =	ssyncadd.s32 $0xFFFFFFFF  }
0xb7: {  	_ =	strace $0x9000004B  }
0xb8: {  	_ =	sfence  }
0xb9: {  	s30 =	sld [smem:$0x0];
	_ =	sdelay $0x2  }
0xba: {  	s31 =	sshll.u32 s1, $0xD;
	s1 =	sshrl.u32 s1, $0x2  }
0xbb: {  	s3 =	sand.u32 $0x4000, s31;
	s1 =	sadd.s32 s1, s30  }
0xbc: {  	s0 =	sor.u32 s3, s0;
	s1 =	sshll.u32 s1, $0x11  }
0xbd: {  	s0 =	sor.u32 s1, s0  }
0xbe: {  	s0 =	sadd.s32 $0x8F2B, s0  }
0xbf: {  	[sflag:s0] =	ssyncadd.remote.s32 $0x1  }
0xc0: {  	_ =	sfence.sel $0xFFFF  }
0xc1: {  	[dreg:$0x0] =	wrdreg $0xFFFFFFFF;
	(pc) =	sbr.abs _section_cstart, $3  }
0xc2: {  	[dreg:$0x1] =	wrdreg $0xFFFFFFFF  }
0xc3: {  	_ =	task.clear_ibuf [dreg:s8], $0x2FFFF;
	_ =	strace $0x9FFFFFFF  }
0xc4: {  	(tm) =	ssettm $0x7FFFFFFF  }
0xc5: {  	_ =	shalt  }
tec
execute0_lowered:
.L_overlay_start_1:
0x0: {  	(tag) =	ssettag $0x1  }
0x1: {  	s7 =	rddreg [dreg:$0x0];
	s3 =	stileid.u32  }
0x2: {  	s0 =	rddreg [dreg:$0x1];
	s1 =	srdreg.scid;
	s2 =	sshrl.u32 s3, $0x2  }
0x3: {  	s1 =	sand.u32 $0x1, s1;
	s3 =	sshll.u32 s3, $0x8;
	s2 =	smul.u32 $0x1400, s2  }
0x4: {  	s4 =	sshll.u32 s1, $0x7;
	s3 =	sand.u32 $0x300, s3;
	s1 =	ssub.s32 $0x2, s1  }
0x5: {  	s29 =	rddreg [dreg:$0x2];
	s3 =	sor.u32 s4, s3;
	s30 =	sshrl.u32 s1, $0x1  }
0x6: {  	s13 =	simm.s32 $0x0;
	s2 =	sor.u32 s2, s3;
	s1 =	ssub.s32 s1, s30  }
0x7: {  	v0 =	vlaneseq.u32;
	[smem:$0x7FF] =	sst s13;
	s2 =	sshrl.u32 s2, $0x3;
	s31 =	smax.u32 s1, $0x1  }
0x8: {  	v0 =	vmul.u32 $0x80, v0;
	_ =	strace $0x8000004A;
	s0 =	sadd.s32 s0, s2;
	[dreg:$0x17] =	wrdreg s31  }
0x9: {  	[dreg:$0x15] =	wrdreg s0;
	s0 =	sadd.s32 $0xA00, s0  }
0xa: {  	s12 =	simm.s32 $0x500;
	v1 =	vor.u32 $0x800, v0;
	v2 =	vor.u32 $0x1000, v0;
	v3 =	vor.u32 $0x1800, v0;
	s2 =	simm.s32 $0x0;
	[dreg:$0x16] =	wrdreg s0  }
.LBB2_1:
0xb: {  	[dreg:$0x18] =	wrdreg s2  }
0xc: {  	s0 =	rddreg [dreg:$0x16]  }
0xd: {  	s1 =	simm.s32 $0x80;
	s30 =	simm.s32 $0x400;
	s3 =	simm.s32 $0xA  }
0xe: {  	[tilespmem:s13], [sflag:$0xA] =	stream.strided.gather [hbm4b:s0+s1], $0x280, s30, s1, $0x38;
	[tilespmem:$0x18500] =	vst v63  }
0xf: {  	_ =	swait.ge [sflag:s3], $0x280  }
0x10: {  	[sflag:s3] =	ssyncset.done $0x0  }
0x11: {  	s4 =	simm.s32 $0x280;
	s31 =	rddreg [dreg:$0x15];
	[sflag:s3] =	ssyncadd.s32 $0xFFFFFD80  }
0x12: {  	[tilespmem:s4], [sflag:$0xA] =	stream.strided.gather [hbm4b:s31+s1], $0x280, s30, s1, $0x38;
	[tilespmem:$0x18500] =	vst v63  }
0x13: {  	_ =	swait.ge [sflag:s3], $0x280  }
0x14: {  	[sflag:s3] =	ssyncset.done $0x0  }
0x15: {  	[sflag:s3] =	ssyncadd.s32 $0xFFFFFD80  }
0x16: {  	v4 =	vld [tilespmem:$0x200];
	_ =	sdelay $0x4  }
0x17: {  	(v2sf) =	vpush v4, $0x0;
	_ =	sdelay $0x6  }
0x18: {  	(v2sf) =	vpush v4, $0x1;
	_ =	sdelay $0x6  }
0x19: {  	(v2sf) =	vpush v4, $0x2  }
0x1a: {  	s0 =	spop (v2sf)  }
0x1b: {  	s5 =	sand.u32 $0x2000, s0  }
0x1c: {  	p0 =	seq.s32 s5, $0x0  }
0x1d: {  	s0 =	sshll.u32 @!p0 s0, $0x7  }
0x1e: {  	s1 =	simm.s32 @!p0 $0x400;
	s0 =	sand.u32 @!p0 $0xFFF80, s0  }
0x1f: {  	s2 =	simm.s32 @!p0 $0x7A1400;
	s3 =	simm.s32 @!p0 $0x500;
	s0 =	sadd.s32 @!p0 s7, s0  }
0x20: {  	(v2sf) =	vpush v4, $0x3;
	[tilespmem:s3], [sflag:$0x1] =	stream.strided.gather @!p0 [hbm4b:s0+s1], $0x2000, s2, s1, $0x38;
	[tilespmem:$0x18500] =	vst v63  }
0x21: {  	s0 =	spop (v2sf)  }
0x22: {  	s6 =	sand.u32 $0x2000, s0  }
0x23: {  	p0 =	seq.s32 s6, $0x0  }
0x24: {  	s0 =	sshll.u32 @!p0 s0, $0x7  }
0x25: {  	s1 =	simm.s32 @!p0 $0x400;
	s0 =	sand.u32 @!p0 $0xFFF80, s0  }
0x26: {  	s2 =	simm.s32 @!p0 $0x7A1400;
	s3 =	simm.s32 @!p0 $0x2500;
	s0 =	sadd.s32 @!p0 s7, s0  }
0x27: {  	(v2sf) =	vpush v4, $0x4;
	[tilespmem:s3], [sflag:$0x2] =	stream.strided.gather @!p0 [hbm4b:s0+s1], $0x2000, s2, s1, $0x38;
	[tilespmem:$0x18500] =	vst v63  }
0x28: {  	s0 =	spop (v2sf)  }
0x29: {  	s8 =	sand.u32 $0x2000, s0  }
0x2a: {  	p0 =	seq.s32 s8, $0x0  }
0x2b: {  	s0 =	sshll.u32 @!p0 s0, $0x7  }
0x2c: {  	s1 =	simm.s32 @!p0 $0x400;
	s0 =	sand.u32 @!p0 $0xFFF80, s0  }
0x2d: {  	s2 =	simm.s32 @!p0 $0x7A1400;
	s3 =	simm.s32 @!p0 $0x4500;
	s0 =	sadd.s32 @!p0 s7, s0  }
0x2e: {  	(v2sf) =	vpush v4, $0x5;
	[tilespmem:s3], [sflag:$0x3] =	stream.strided.gather @!p0 [hbm4b:s0+s1], $0x2000, s2, s1, $0x38;
	[tilespmem:$0x18500] =	vst v63  }
0x2f: {  	s0 =	spop (v2sf)  }
0x30: {  	s9 =	sand.u32 $0x2000, s0  }
0x31: {  	p0 =	seq.s32 s9, $0x0  }
0x32: {  	s0 =	sshll.u32 @!p0 s0, $0x7  }
0x33: {  	s1 =	simm.s32 @!p0 $0x400;
	s0 =	sand.u32 @!p0 $0xFFF80, s0  }
0x34: {  	s2 =	simm.s32 @!p0 $0x7A1400;
	s3 =	simm.s32 @!p0 $0x6500;
	s0 =	sadd.s32 @!p0 s7, s0  }
0x35: {  	(v2sf) =	vpush v4, $0x6;
	[tilespmem:s3], [sflag:$0x4] =	stream.strided.gather @!p0 [hbm4b:s0+s1], $0x2000, s2, s1, $0x38;
	[tilespmem:$0x18500] =	vst v63  }
0x36: {  	s0 =	spop (v2sf)  }
0x37: {  	s10 =	sand.u32 $0x2000, s0  }
0x38: {  	p0 =	seq.s32 s10, $0x0  }
0x39: {  	s0 =	sshll.u32 @!p0 s0, $0x7  }
0x3a: {  	s1 =	simm.s32 @!p0 $0x400;
	s0 =	sand.u32 @!p0 $0xFFF80, s0  }
0x3b: {  	s2 =	simm.s32 @!p0 $0x7A1400;
	s3 =	simm.s32 @!p0 $0x8500;
	s0 =	sadd.s32 @!p0 s7, s0  }
0x3c: {  	[tilespmem:s3], [sflag:$0x5] =	stream.strided.gather @!p0 [hbm4b:s0+s1], $0x2000, s2, s1, $0x38;
	[tilespmem:$0x18500] =	vst v63  }
0x3d: {  	s0 =	spop (v2sf)  }
0x3e: {  	s11 =	sand.u32 $0x2000, s0  }
0x3f: {  	p0 =	seq.s32 s11, $0x0  }
0x40: {  	s0 =	sshll.u32 @!p0 s0, $0x7  }
0x41: {  	s1 =	simm.s32 @!p0 $0x400;
	s0 =	sand.u32 @!p0 $0xFFF80, s0  }
0x42: {  	s2 =	simm.s32 @!p0 $0x7A1400;
	s3 =	simm.s32 @!p0 $0xA500;
	s0 =	sadd.s32 @!p0 s7, s0  }
0x43: {  	[tilespmem:s3], [sflag:$0x6] =	stream.strided.gather @!p0 [hbm4b:s0+s1], $0x2000, s2, s1, $0x38;
	[tilespmem:$0x18500] =	vst v63  }
0x44: {  	s0 =	spop (v2sf)  }
0x45: {  	s14 =	sand.u32 $0x2000, s0  }
0x46: {  	p0 =	seq.s32 s14, $0x0  }
0x47: {  	s0 =	sshll.u32 @!p0 s0, $0x7  }
0x48: {  	s1 =	simm.s32 @!p0 $0x400;
	s0 =	sand.u32 @!p0 $0xFFF80, s0  }
0x49: {  	s2 =	simm.s32 @!p0 $0x7A1400;
	s3 =	simm.s32 @!p0 $0xC500;
	s0 =	sadd.s32 @!p0 s7, s0  }
0x4a: {  	[tilespmem:s3], [sflag:$0x7] =	stream.strided.gather @!p0 [hbm4b:s0+s1], $0x2000, s2, s1, $0x38;
	[tilespmem:$0x18500] =	vst v63  }
0x4b: {  	v5 =	vld [tilespmem:s4+$0x0];
	_ =	sdelay $0x4  }
0x4c: {  	(v2sf) =	vpush v5, $0x0;
	_ =	sdelay $0x5  }
0x4d: {  	(v2sf) =	vpush v5, $0x1;
	_ =	sdelay $0x8  }
0x4e: {  	v4 =	vld [tilespmem:s13+$0x0];
	s15 =	spop (v2sf)  }
0x4f: {  	(v2sf) =	vpush v5, $0x2;
	s1 =	sshrl.u32 s15, $0x7  }
0x50: {  	(v2sf) =	vpush v5, $0x3;
	s2 =	sand.u32 $0x7, s1  }
0x51: {  	(v2sf) =	vpush v5, $0x4;
	s16 =	sand.u32 $0x1000000, s15;
	s0 =	sand.u32 $0x7F, s15;
	s17 =	sshll.u32 s2, $0xD  }
0x52: {  	(v2sf) =	vpush v5, $0x5;
	p0 =	seq.s32 s16, $0x0;
	s18 =	sor.u32 s0, s17  }
0x53: {  	(v2sf) =	vpush @!p0 v4, $0x0;
	v6 =	vor.u32 s18, v0  }
0x54: {  	s19 =	spop (v2sf);
	s0 =	sadd.s32 @!p0 $0x1, s2;
	(v2sf) =	vpush v5, $0x6  }
0x55: {  	_ =	swait.ge @!p0 [sflag:s0], $0x2000  }
0x56: {  	[sflag:s0] =	ssyncset.done @!p0 $0x0  }
0x57: {  	[sflag:s0] =	ssyncadd.s32 @!p0 $0xFFFFE000  }
0x58: {  	v6 =	vld.idx.msk [tilespmem:v6+s12+$0x0], $0xffff  }
0x59: {  	v7 =	vor.u32 s18, v1;
	_ =	sdelay $0x2  }
0x5a: {  	s0 =	simm.s32 $0x0  }
0x5b: {  	[tilespmem:s0+$0x10500] =	vst v6  }
0x5c: {  	v6 =	vld.idx.msk [tilespmem:v7+s12+$0x0], $0xffff  }
0x5d: {  	v44 =	vor.u32 s18, v2;
	_ =	sdelay $0x3  }
0x5e: {  	[tilespmem:s0+$0x10510] =	vst v6  }
0x5f: {  	v6 =	vld.idx.msk [tilespmem:v44+s12+$0x0], $0xffff  }
0x60: {  	v45 =	vor.u32 s18, v3;
	s6 =	spop (v2sf)  }
0x61: {  	s5 =	spop (v2sf)  }
0x62: {  	s20 =	spop (v2sf)  }
0x63: {  	(v2sf) =	vpush v5, $0x7;
	s2 =	spop (v2sf)  }
0x64: {  	s3 =	spop @!p0 (v2sf);
	[tilespmem:s0+$0x10520] =	vst v6  }
0x65: {  	s8 =	sand.u32 @!p0 $0x2000, s3;
	v5 =	vld.idx.msk [tilespmem:v45+s12+$0x0], $0xffff  }
0x66: {  	s21 =	simm.s32 $0x10500;
	p1 =	seq.s32 @!p0 s8, $0x0  }
0x67: {  	s11 =	rddreg [dreg:$0x0];
	s8 =	sshrl.u32 s19, $0x7;
	p0 =	por p1, p0  }
0x68: {  	s9 =	sadd.s32 @!p0 $0xFFFFFFFF, s1;
	s1 =	sand.u32 $0x1FFF8, s1;
	s3 =	sshll.u32 @!p0 s3, $0x7  }
0x69: {  	s9 =	sand.u32 @!p0 $0x7, s9;
	s3 =	sand.u32 @!p0 $0xFFF80, s3;
	s1 =	sadd.s32 s29, s1  }
0x6a: {  	s10 =	sshll.u32 @!p0 s9, $0xD;
	s9 =	sadd.s32 @!p0 $0x1, s9;
	s3 =	sadd.s32 @!p0 s11, s3;
	[tilespmem:s0+$0x10530] =	vst v5  }
0x6b: {  	[hbm4b:s1+s13] =	stream.linear.scatter [tilespmem:s21], [sflag:$0x9], $0x40, $0x38;
	[tilespmem:$0x18500] =	vst v63  }
0x6c: {  	s11 =	simm.s32 @!p0 $0x7A1400;
	s1 =	sor.u32 @!p0 $0x500, s10;
	s10 =	simm.s32 @!p0 $0x400  }
0x6d: {  	[tilespmem:s1], [sflag:s9] =	stream.strided.gather @!p0 [hbm4b:s3+s10], $0x2000, s11, s10, $0x38;
	[tilespmem:$0x18500] =	vst v63  }
0x6e: {  	s9 =	sand.u32 $0x7, s8  }
0x6f: {  	s22 =	sand.u32 $0x7F, s19;
	s23 =	sshll.u32 s9, $0xD  }
0x70: {  	s7 =	sand.u32 $0x1000000, s19;
	s24 =	sor.u32 s22, s23  }
0x71: {  	s25 =	spop (v2sf);
	p0 =	seq.s32 s7, $0x0;
	v5 =	vor.u32 s24, v0  }
0x72: {  	s1 =	spop (v2sf);
	(v2sf) =	vpush @!p0 v4, $0x1;
	s7 =	sadd.s32 @!p0 $0x1, s9  }
0x73: {  	_ =	swait.ge @!p0 [sflag:s7], $0x2000  }
0x74: {  	[sflag:s7] =	ssyncset.done @!p0 $0x0  }
0x75: {  	[sflag:s7] =	ssyncadd.s32 @!p0 $0xFFFFE000  }
0x76: {  	v5 =	vld.idx.msk [tilespmem:v5+s12+$0x0], $0xffff  }
0x77: {  	v46 =	vor.u32 s24, v1;
	_ =	sdelay $0x3  }
0x78: {  	[tilespmem:s0+$0x10540] =	vst v5  }
0x79: {  	v5 =	vld.idx.msk [tilespmem:v46+s12+$0x0], $0xffff  }
0x7a: {  	v47 =	vor.u32 s24, v2;
	_ =	sdelay $0x3  }
0x7b: {  	[tilespmem:s0+$0x10550] =	vst v5  }
0x7c: {  	v5 =	vld.idx.msk [tilespmem:v47+s12+$0x0], $0xffff  }
0x7d: {  	v48 =	vor.u32 s24, v3;
	_ =	sdelay $0x3  }
0x7e: {  	s7 =	spop @!p0 (v2sf);
	[tilespmem:s0+$0x10560] =	vst v5  }
0x7f: {  	s9 =	sand.u32 @!p0 $0x2000, s7;
	v5 =	vld.idx.msk [tilespmem:v48+s12+$0x0], $0xffff  }
0x80: {  	p1 =	seq.s32 @!p0 s9, $0x0  }
0x81: {  	s26 =	simm.s32 $0x10540;
	s11 =	rddreg [dreg:$0x0];
	p0 =	por p1, p0  }
0x82: {  	s9 =	sadd.s32 @!p0 $0xFFFFFFFF, s8;
	s8 =	sand.u32 $0x1FFF8, s8;
	s7 =	sshll.u32 @!p0 s7, $0x7  }
0x83: {  	s9 =	sand.u32 @!p0 $0x7, s9;
	s7 =	sand.u32 @!p0 $0xFFF80, s7;
	s8 =	sadd.s32 s29, s8  }
0x84: {  	s10 =	sshll.u32 @!p0 s9, $0xD;
	s9 =	sadd.s32 @!p0 $0x1, s9;
	s7 =	sadd.s32 @!p0 s11, s7;
	[tilespmem:s0+$0x10570] =	vst v5  }
0x85: {  	[hbm4b:s8+s13] =	stream.linear.scatter [tilespmem:s26], [sflag:$0x9], $0x40, $0x38;
	[tilespmem:$0x18500] =	vst v63  }
0x86: {  	s11 =	simm.s32 @!p0 $0x7A1400;
	s8 =	sor.u32 @!p0 $0x500, s10;
	s10 =	simm.s32 @!p0 $0x400  }
0x87: {  	[tilespmem:s8], [sflag:s9] =	stream.strided.gather @!p0 [hbm4b:s7+s10], $0x2000, s11, s10, $0x38;
	[tilespmem:$0x18500] =	vst v63  }
0x88: {  	s7 =	sshrl.u32 s6, $0x7  }
0x89: {  	s8 =	sand.u32 $0x7, s7  }
0x8a: {  	s28 =	sand.u32 $0x7F, s6;
	s30 =	sshll.u32 s8, $0xD  }
0x8b: {  	s6 =	sand.u32 $0x1000000, s6;
	s9 =	sor.u32 s28, s30  }
0x8c: {  	p0 =	seq.s32 s6, $0x0;
	v5 =	vor.u32 s9, v0  }
0x8d: {  	(v2sf) =	vpush @!p0 v4, $0x2;
	s6 =	sadd.s32 @!p0 $0x1, s8  }
0x8e: {  	_ =	swait.ge @!p0 [sflag:s6], $0x2000  }
0x8f: {  	[sflag:s6] =	ssyncset.done @!p0 $0x0  }
0x90: {  	[sflag:s6] =	ssyncadd.s32 @!p0 $0xFFFFE000  }
0x91: {  	v5 =	vld.idx.msk [tilespmem:v5+s12+$0x0], $0xffff  }
0x92: {  	v49 =	vor.u32 s9, v1;
	_ =	sdelay $0x3  }
0x93: {  	[tilespmem:s0+$0x10580] =	vst v5  }
0x94: {  	v5 =	vld.idx.msk [tilespmem:v49+s12+$0x0], $0xffff  }
0x95: {  	v50 =	vor.u32 s9, v2;
	_ =	sdelay $0x3  }
0x96: {  	[tilespmem:s0+$0x10590] =	vst v5  }
0x97: {  	v5 =	vld.idx.msk [tilespmem:v50+s12+$0x0], $0xffff  }
0x98: {  	v51 =	vor.u32 s9, v3;
	_ =	sdelay $0x3  }
0x99: {  	s6 =	spop @!p0 (v2sf);
	[tilespmem:s0+$0x105A0] =	vst v5  }
0x9a: {  	s8 =	sand.u32 @!p0 $0x2000, s6;
	v5 =	vld.idx.msk [tilespmem:v51+s12+$0x0], $0xffff  }
0x9b: {  	p1 =	seq.s32 @!p0 s8, $0x0  }
0x9c: {  	s31 =	simm.s32 $0x10580;
	s10 =	rddreg [dreg:$0x0];
	p0 =	por p1, p0  }
0x9d: {  	s8 =	sadd.s32 @!p0 $0xFFFFFFFF, s7;
	s7 =	sand.u32 $0x1FFF8, s7;
	s6 =	sshll.u32 @!p0 s6, $0x7  }
0x9e: {  	s8 =	sand.u32 @!p0 $0x7, s8;
	s6 =	sand.u32 @!p0 $0xFFF80, s6;
	s7 =	sadd.s32 s29, s7  }
0x9f: {  	s9 =	sshll.u32 @!p0 s8, $0xD;
	s8 =	sadd.s32 @!p0 $0x1, s8;
	s6 =	sadd.s32 @!p0 s10, s6;
	[tilespmem:s0+$0x105B0] =	vst v5  }
0xa0: {  	[hbm4b:s7+s13] =	stream.linear.scatter [tilespmem:s31], [sflag:$0x9], $0x40, $0x38;
	[tilespmem:$0x18500] =	vst v63  }
0xa1: {  	s10 =	simm.s32 @!p0 $0x7A1400;
	s7 =	sor.u32 @!p0 $0x500, s9;
	s9 =	simm.s32 @!p0 $0x400  }
0xa2: {  	[tilespmem:s7], [sflag:s8] =	stream.strided.gather @!p0 [hbm4b:s6+s9], $0x2000, s10, s9, $0x38;
	[tilespmem:$0x18500] =	vst v63  }
0xa3: {  	s6 =	sshrl.u32 s5, $0x7  }
0xa4: {  	s7 =	sand.u32 $0x7, s6  }
0xa5: {  	s10 =	sand.u32 $0x7F, s5;
	s11 =	sshll.u32 s7, $0xD  }
0xa6: {  	s5 =	sand.u32 $0x1000000, s5;
	s8 =	sor.u32 s10, s11  }
0xa7: {  	p0 =	seq.s32 s5, $0x0;
	v5 =	vor.u32 s8, v0  }
0xa8: {  	(v2sf) =	vpush @!p0 v4, $0x3;
	s5 =	sadd.s32 @!p0 $0x1, s7  }
0xa9: {  	_ =	swait.ge @!p0 [sflag:s5], $0x2000  }
0xaa: {  	[sflag:s5] =	ssyncset.done @!p0 $0x0  }
0xab: {  	[sflag:s5] =	ssyncadd.s32 @!p0 $0xFFFFE000  }
0xac: {  	v5 =	vld.idx.msk [tilespmem:v5+s12+$0x0], $0xffff  }
0xad: {  	v52 =	vor.u32 s8, v1;
	_ =	sdelay $0x3  }
0xae: {  	[tilespmem:s0+$0x105C0] =	vst v5  }
0xaf: {  	v5 =	vld.idx.msk [tilespmem:v52+s12+$0x0], $0xffff  }
0xb0: {  	v53 =	vor.u32 s8, v2;
	_ =	sdelay $0x3  }
0xb1: {  	[tilespmem:s0+$0x105D0] =	vst v5  }
0xb2: {  	v5 =	vld.idx.msk [tilespmem:v53+s12+$0x0], $0xffff  }
0xb3: {  	v54 =	vor.u32 s8, v3;
	_ =	sdelay $0x3  }
0xb4: {  	s5 =	spop @!p0 (v2sf);
	[tilespmem:s0+$0x105E0] =	vst v5  }
0xb5: {  	s7 =	sand.u32 @!p0 $0x2000, s5;
	v5 =	vld.idx.msk [tilespmem:v54+s12+$0x0], $0xffff  }
0xb6: {  	p1 =	seq.s32 @!p0 s7, $0x0  }
0xb7: {  	s14 =	simm.s32 $0x105C0;
	s9 =	rddreg [dreg:$0x0];
	p0 =	por p1, p0  }
0xb8: {  	s7 =	sadd.s32 @!p0 $0xFFFFFFFF, s6;
	s5 =	sshll.u32 @!p0 s5, $0x7;
	s6 =	sand.u32 $0x1FFF8, s6  }
0xb9: {  	s7 =	sand.u32 @!p0 $0x7, s7;
	s5 =	sand.u32 @!p0 $0xFFF80, s5;
	s6 =	sadd.s32 s29, s6  }
0xba: {  	s8 =	sshll.u32 @!p0 s7, $0xD;
	s5 =	sadd.s32 @!p0 s9, s5;
	s9 =	simm.s32 @!p0 $0x7A1400;
	[tilespmem:s0+$0x105F0] =	vst v5  }
0xbb: {  	[hbm4b:s6+s13] =	stream.linear.scatter [tilespmem:s14], [sflag:$0x9], $0x40, $0x38;
	[tilespmem:$0x18500] =	vst v63  }
0xbc: {  	s8 =	sor.u32 @!p0 $0x500, s8;
	s6 =	sadd.s32 @!p0 $0x1, s7;
	s7 =	simm.s32 @!p0 $0x400  }
0xbd: {  	[tilespmem:s8], [sflag:s6] =	stream.strided.gather @!p0 [hbm4b:s5+s7], $0x2000, s9, s7, $0x38;
	[tilespmem:$0x18500] =	vst v63  }
0xbe: {  	s5 =	sshrl.u32 s20, $0x7  }
0xbf: {  	s6 =	sand.u32 $0x7, s5  }
0xc0: {  	s15 =	sand.u32 $0x7F, s20;
	s16 =	sshll.u32 s6, $0xD  }
0xc1: {  	s4 =	sand.u32 $0x1000000, s20;
	s7 =	sor.u32 s15, s16  }
0xc2: {  	p0 =	seq.s32 s4, $0x0;
	v5 =	vor.u32 s7, v0  }
0xc3: {  	(v2sf) =	vpush @!p0 v4, $0x4;
	s4 =	sadd.s32 @!p0 $0x1, s6  }
0xc4: {  	_ =	swait.ge @!p0 [sflag:s4], $0x2000  }
0xc5: {  	[sflag:s4] =	ssyncset.done @!p0 $0x0  }
0xc6: {  	[sflag:s4] =	ssyncadd.s32 @!p0 $0xFFFFE000  }
0xc7: {  	v5 =	vld.idx.msk [tilespmem:v5+s12+$0x0], $0xffff  }
0xc8: {  	v55 =	vor.u32 s7, v1;
	_ =	sdelay $0x3  }
0xc9: {  	[tilespmem:s0+$0x10600] =	vst v5  }
0xca: {  	v5 =	vld.idx.msk [tilespmem:v55+s12+$0x0], $0xffff  }
0xcb: {  	v56 =	vor.u32 s7, v2;
	_ =	sdelay $0x3  }
0xcc: {  	[tilespmem:s0+$0x10610] =	vst v5  }
0xcd: {  	v5 =	vld.idx.msk [tilespmem:v56+s12+$0x0], $0xffff  }
0xce: {  	v57 =	vor.u32 s7, v3;
	_ =	sdelay $0x3  }
0xcf: {  	s4 =	spop @!p0 (v2sf);
	[tilespmem:s0+$0x10620] =	vst v5  }
0xd0: {  	s6 =	sand.u32 @!p0 $0x2000, s4;
	v5 =	vld.idx.msk [tilespmem:v57+s12+$0x0], $0xffff  }
0xd1: {  	s18 =	simm.s32 $0x10600;
	p1 =	seq.s32 @!p0 s6, $0x0  }
0xd2: {  	s17 =	sand.u32 $0x1FFF8, s5;
	s7 =	sshrl.u32 s2, $0x7;
	p0 =	por p1, p0  }
0xd3: {  	s9 =	rddreg [dreg:$0x0];
	s5 =	sadd.s32 @!p0 $0xFFFFFFFF, s5;
	s4 =	sshll.u32 @!p0 s4, $0x7  }
0xd4: {  	s6 =	sadd.s32 s29, s17;
	s5 =	sand.u32 @!p0 $0x7, s5;
	s4 =	sand.u32 @!p0 $0xFFF80, s4  }
0xd5: {  	s8 =	sshll.u32 @!p0 s5, $0xD;
	s5 =	sadd.s32 @!p0 $0x1, s5;
	s4 =	sadd.s32 @!p0 s9, s4;
	[tilespmem:s0+$0x10630] =	vst v5  }
0xd6: {  	[hbm4b:s6+s13] =	stream.linear.scatter [tilespmem:s18], [sflag:$0x9], $0x40, $0x38;
	[tilespmem:$0x18500] =	vst v63  }
0xd7: {  	s9 =	simm.s32 @!p0 $0x7A1400;
	s6 =	sor.u32 @!p0 $0x500, s8;
	s8 =	simm.s32 @!p0 $0x400  }
0xd8: {  	[tilespmem:s6], [sflag:s5] =	stream.strided.gather @!p0 [hbm4b:s4+s8], $0x2000, s9, s8, $0x38;
	[tilespmem:$0x18500] =	vst v63  }
0xd9: {  	s4 =	sand.u32 $0x7, s7  }
0xda: {  	s19 =	sand.u32 $0x7F, s2;
	s20 =	sshll.u32 s4, $0xD  }
0xdb: {  	s2 =	sand.u32 $0x1000000, s2;
	s5 =	sor.u32 s19, s20  }
0xdc: {  	p0 =	seq.s32 s2, $0x0;
	v5 =	vor.u32 s5, v0  }
0xdd: {  	(v2sf) =	vpush @!p0 v4, $0x5;
	s2 =	sadd.s32 @!p0 $0x1, s4  }
0xde: {  	_ =	swait.ge @!p0 [sflag:s2], $0x2000  }
0xdf: {  	[sflag:s2] =	ssyncset.done @!p0 $0x0  }
0xe0: {  	[sflag:s2] =	ssyncadd.s32 @!p0 $0xFFFFE000  }
0xe1: {  	v5 =	vld.idx.msk [tilespmem:v5+s12+$0x0], $0xffff  }
0xe2: {  	v58 =	vor.u32 s5, v1;
	_ =	sdelay $0x3  }
0xe3: {  	[tilespmem:s0+$0x10640] =	vst v5  }
0xe4: {  	v5 =	vld.idx.msk [tilespmem:v58+s12+$0x0], $0xffff  }
0xe5: {  	v59 =	vor.u32 s5, v2;
	_ =	sdelay $0x3  }
0xe6: {  	[tilespmem:s0+$0x10650] =	vst v5  }
0xe7: {  	v5 =	vld.idx.msk [tilespmem:v59+s12+$0x0], $0xffff  }
0xe8: {  	v60 =	vor.u32 s5, v3;
	_ =	sdelay $0x2  }
0xe9: {  	s3 =	sand.u32 $0x7F, s25;
	s2 =	spop @!p0 (v2sf)  }
0xea: {  	s22 =	sand.u32 $0x1000000, s25;
	s21 =	sand.u32 $0x1FFF8, s7;
	s4 =	sand.u32 @!p0 $0x2000, s2;
	[tilespmem:s0+$0x10660] =	vst v5  }
0xeb: {  	s24 =	simm.s32 $0x10640;
	s5 =	sadd.s32 s29, s21;
	p1 =	seq.s32 @!p0 s4, $0x0;
	v5 =	vld.idx.msk [tilespmem:v60+s12+$0x0], $0xffff  }
0xec: {  	s10 =	rddreg [dreg:$0x0];
	s4 =	sshrl.u32 s25, $0x7;
	p1 =	por p1, p0  }
0xed: {  	s8 =	sand.u32 $0x7, s4;
	p0 =	seq.s32 s22, $0x0;
	s7 =	sadd.s32 @!p1 $0xFFFFFFFF, s7  }
0xee: {  	s23 =	sshll.u32 s8, $0xD;
	s2 =	sshll.u32 @!p1 s2, $0x7;
	s6 =	simm.s32 @!p1 $0x7A1400  }
0xef: {  	s8 =	sadd.s32 @!p0 $0x1, s8;
	s7 =	sand.u32 @!p1 $0x7, s7;
	s3 =	sor.u32 s3, s23  }
0xf0: {  	s2 =	sand.u32 @!p1 $0xFFF80, s2;
	s9 =	sshll.u32 @!p1 s7, $0xD;
	s7 =	sadd.s32 @!p1 $0x1, s7;
	[tilespmem:s0+$0x10670] =	vst v5  }
0xf1: {  	[hbm4b:s5+s13] =	stream.linear.scatter [tilespmem:s24], [sflag:$0x9], $0x40, $0x38;
	[tilespmem:$0x18500] =	vst v63  }
0xf2: {  	s2 =	sadd.s32 @!p1 s10, s2;
	s9 =	sor.u32 @!p1 $0x500, s9;
	v5 =	vor.u32 s3, v0;
	s5 =	simm.s32 @!p1 $0x400  }
0xf3: {  	(v2sf) =	vpush @!p0 v4, $0x6;
	[tilespmem:s9], [sflag:s7] =	stream.strided.gather @!p1 [hbm4b:s2+s5], $0x2000, s6, s5, $0x38;
	[tilespmem:$0x18500] =	vst v63  }
0xf4: {  	_ =	swait.ge @!p0 [sflag:s8], $0x2000  }
0xf5: {  	[sflag:s8] =	ssyncset.done @!p0 $0x0  }
0xf6: {  	[sflag:s8] =	ssyncadd.s32 @!p0 $0xFFFFE000  }
0xf7: {  	v5 =	vld.idx.msk [tilespmem:v5+s12+$0x0], $0xffff  }
0xf8: {  	v61 =	vor.u32 s3, v1;
	_ =	sdelay $0x3  }
0xf9: {  	[tilespmem:s0+$0x10680] =	vst v5  }
0xfa: {  	v5 =	vld.idx.msk [tilespmem:v61+s12+$0x0], $0xffff  }
0xfb: {  	v62 =	vor.u32 s3, v2;
	_ =	sdelay $0x3  }
0xfc: {  	[tilespmem:s0+$0x10690] =	vst v5  }
0xfd: {  	v5 =	vld.idx.msk [tilespmem:v62+s12+$0x0], $0xffff  }
0xfe: {  	v63 =	vor.u32 s3, v3;
	_ =	sdelay $0x2  }
0xff: {  	s26 =	sand.u32 $0x1000000, s1;
	s2 =	spop @!p0 (v2sf)  }
0x100: {  	s30 =	simm.s32 $0x10680;
	s25 =	sand.u32 $0x1FFF8, s4;
	s3 =	sand.u32 @!p0 $0x2000, s2;
	[tilespmem:s0+$0x106A0] =	vst v5  }
0x101: {  	s5 =	sadd.s32 s29, s25;
	p1 =	seq.s32 @!p0 s3, $0x0;
	s3 =	sshrl.u32 s1, $0x7;
	v5 =	vld.idx.msk [tilespmem:v63+s12+$0x0], $0xffff  }
0x102: {  	s1 =	sand.u32 $0x7F, s1;
	s9 =	rddreg [dreg:$0x0];
	p0 =	por p1, p0  }
0x103: {  	s7 =	sand.u32 $0x7, s3;
	p1 =	seq.s32 s26, $0x0;
	s4 =	sadd.s32 @!p0 $0xFFFFFFFF, s4  }
0x104: {  	s28 =	sshll.u32 s7, $0xD;
	s2 =	sshll.u32 @!p0 s2, $0x7;
	s6 =	simm.s32 @!p0 $0x7A1400  }
0x105: {  	s7 =	sadd.s32 @!p1 $0x1, s7;
	s4 =	sand.u32 @!p0 $0x7, s4;
	s1 =	sor.u32 s1, s28  }
0x106: {  	s2 =	sand.u32 @!p0 $0xFFF80, s2;
	s8 =	sshll.u32 @!p0 s4, $0xD;
	s4 =	sadd.s32 @!p0 $0x1, s4;
	[tilespmem:s0+$0x106B0] =	vst v5  }
0x107: {  	[hbm4b:s5+s13] =	stream.linear.scatter [tilespmem:s30], [sflag:$0x9], $0x40, $0x38;
	[tilespmem:$0x18500] =	vst v63  }
0x108: {  	s2 =	sadd.s32 @!p0 s9, s2;
	s8 =	sor.u32 @!p0 $0x500, s8;
	v5 =	vor.u32 s1, v0;
	s5 =	simm.s32 @!p0 $0x400  }
0x109: {  	(v2sf) =	vpush @!p1 v4, $0x7;
	[tilespmem:s8], [sflag:s4] =	stream.strided.gather @!p0 [hbm4b:s2+s5], $0x2000, s6, s5, $0x38;
	[tilespmem:$0x18500] =	vst v63  }
0x10a: {  	_ =	swait.ge @!p1 [sflag:s7], $0x2000  }
0x10b: {  	[sflag:s7] =	ssyncset.done @!p1 $0x0  }
0x10c: {  	[sflag:s7] =	ssyncadd.s32 @!p1 $0xFFFFE000  }
0x10d: {  	v4 =	vld.idx.msk [tilespmem:v5+s12+$0x0], $0xffff  }
0x10e: {  	v5 =	vor.u32 s1, v1;
	_ =	sdelay $0x3  }
0x10f: {  	[tilespmem:s0+$0x106C0] =	vst v4  }
0x110: {  	v4 =	vld.idx.msk [tilespmem:v5+s12+$0x0], $0xffff  }
0x111: {  	v5 =	vor.u32 s1, v2;
	_ =	sdelay $0x3  }
0x112: {  	[tilespmem:s0+$0x106D0] =	vst v4  }
0x113: {  	v4 =	vld.idx.msk [tilespmem:v5+s12+$0x0], $0xffff  }
0x114: {  	v5 =	vor.u32 s1, v3;
	_ =	sdelay $0x2  }
0x115: {  	s1 =	spop @!p1 (v2sf)  }
0x116: {  	s15 =	simm.s32 $0x800;
	s2 =	sand.u32 @!p1 $0x2000, s1;
	[tilespmem:s0+$0x106E0] =	vst v4  }
0x117: {  	s17 =	simm.s32 $0x288;
	s31 =	sand.u32 $0x1FFF8, s3;
	p0 =	seq.s32 @!p1 s2, $0x0;
	v4 =	vld.idx.msk [tilespmem:v5+s12+$0x0], $0xffff  }
0x118: {  	s5 =	sadd.s32 s29, s31;
	s8 =	simm.s32 $0x8;
	p1 =	por p0, p1  }
0x119: {  	s7 =	rddreg [dreg:$0x0];
	s2 =	sadd.s32 @!p1 $0xFFFFFFFF, s3;
	s1 =	sshll.u32 @!p1 s1, $0x7  }
0x11a: {  	s6 =	simm.s32 @!p1 $0x7A1400;
	s2 =	sand.u32 @!p1 $0x7, s2;
	s1 =	sand.u32 @!p1 $0xFFF80, s1  }
0x11b: {  	s4 =	sshll.u32 @!p1 s2, $0xD;
	s2 =	sadd.s32 @!p1 $0x1, s2;
	s3 =	sadd.s32 @!p1 s7, s1  }
0x11c: {  	s1 =	simm.s32 $0x106C0;
	s4 =	sor.u32 @!p1 $0x500, s4;
	[tilespmem:s0+$0x106F0] =	vst v4;
	s0 =	simm.s32 @!p1 $0x400  }
.LBB2_2:
0x11d: {  	[hbm4b:s5+s13] =	stream.linear.scatter [tilespmem:s1], [sflag:$0x9], $0x40, $0x38;
	[tilespmem:$0x18500] =	vst v63  }
0x11e: {  	_ = 	snop  }
0x11f: {  	[tilespmem:s4], [sflag:s2] =	stream.strided.gather @!p1 [hbm4b:s3+s0], $0x2000, s6, s0, $0x38;
	[tilespmem:$0x18500] =	vst v63  }
0x120: {  	v5 =	vld [tilespmem:s17+$0x0];
	_ =	sdelay $0x4  }
0x121: {  	(v2sf) =	vpush v5, $0x0  }
0x122: {  	(v2sf) =	vpush v5, $0x1;
	_ =	sdelay $0x5  }
0x123: {  	(v2sf) =	vpush v5, $0x2  }
0x124: {  	(v2sf) =	vpush v5, $0x3;
	_ =	sdelay $0x2  }
0x125: {  	(v2sf) =	vpush v5, $0x4;
	_ =	sdelay $0x1  }
0x126: {  	v4 =	vld [tilespmem:s8+$0x0];
	_ =	sdelay $0x1  }
0x127: {  	s1 =	smov.u32 s15;
	s28 =	spop (v2sf)  }
0x128: {  	s21 =	sshrl.u32 s28, $0x7;
	s30 =	sand.u32 $0x1000000, s28;
	s31 =	spop (v2sf)  }
0x129: {  	(v2sf) =	vpush v5, $0x5;
	s0 =	sand.u32 $0x7F, s28;
	s4 =	sand.u32 $0x7, s21;
	p1 =	seq.s32 s30, $0x0  }
0x12a: {  	s30 =	sshrl.u32 s31, $0x7;
	s10 =	sand.u32 $0x1FFF8, s21;
	s19 =	sand.u32 $0x1000000, s31;
	(v2sf) =	vpush @!p1 v4, $0x0  }
0x12b: {  	s3 =	sand.u32 $0x7F, s31;
	s2 =	sadd.s32 @!p1 $0x1, s4;
	s4 =	sshll.u32 s4, $0xD;
	(v2sf) =	vpush v5, $0x6  }
0x12c: {  	s22 =	sand.u32 $0x7, s30;
	s20 =	sor.u32 s0, s4;
	_ =	swait.ge @!p1 [sflag:s2], $0x2000  }
0x12d: {  	s10 =	sadd.s32 s29, s10;
	s4 =	sshll.u32 s22, $0xD;
	v6 =	vor.u32 s20, v0;
	[sflag:s2] =	ssyncset.done @!p1 $0x0  }
0x12e: {  	s23 =	sor.u32 s3, s4;
	s5 =	spop (v2sf);
	[sflag:s2] =	ssyncadd.s32 @!p1 $0xFFFFE000  }
0x12f: {  	s0 =	sshrl.u32 s5, $0x7;
	s6 =	sand.u32 $0x1000000, s5;
	s11 =	spop (v2sf)  }
0x130: {  	s13 =	sand.u32 $0x7F, s5;
	[dreg:$0x14] =	wrdreg s6;
	s24 =	sand.u32 $0x7, s0  }
0x131: {  	s9 =	sand.u32 $0x1FFF8, s0;
	s14 =	sshrl.u32 s11, $0x7;
	s18 =	sand.u32 $0x1000000, s11  }
0x132: {  	s25 =	sand.u32 $0x7F, s11;
	s31 =	spop (v2sf);
	[dreg:$0x12] =	wrdreg s9;
	v6 =	vld.idx.msk [tilespmem:v6+s12+$0x0], $0xffff  }
0x133: {  	(v2sf) =	vpush v5, $0x7;
	v5 =	vor.u32 s20, v1;
	s16 =	sshll.u32 s24, $0xD;
	s2 =	sand.u32 $0x7, s14;
	[dreg:$0x13] =	wrdreg s18  }
0x134: {  	s28 =	sand.u32 $0x1FFF8, s14;
	s18 =	sshra.s32 s1, $0x2;
	s11 =	sshrl.u32 s31, $0x7  }
0x135: {  	s9 =	sand.u32 $0x1000000, s31;
	s3 =	sand.u32 $0x7F, s31;
	[dreg:$0x10] =	wrdreg s28  }
0x136: {  	s13 =	sor.u32 s13, s16;
	s26 =	sshll.u32 s2, $0xD;
	[dreg:$0x11] =	wrdreg s9  }
0x137: {  	s5 =	sand.u32 $0x7, s11;
	s16 =	sand.u32 $0x1FFF8, s11;
	s1 =	sor.u32 s25, s26;
	[tilespmem:s18+$0x10500] =	vst v6  }
0x138: {  	s25 =	spop (v2sf);
	[dreg:$0xe] =	wrdreg s16;
	s26 =	sshll.u32 s5, $0xD;
	v5 =	vld.idx.msk [tilespmem:v5+s12+$0x0], $0xffff  }
0x139: {  	v44 =	vor.u32 s20, v2;
	s9 =	sshrl.u32 s25, $0x7;
	s6 =	sor.u32 s3, s26;
	s28 =	sand.u32 $0x7F, s25  }
0x13a: {  	s31 =	sand.u32 $0x1000000, s25;
	s16 =	sand.u32 $0x7, s9;
	[dreg:$0xc] =	wrdreg s9  }
0x13b: {  	[dreg:$0xf] =	wrdreg s31;
	s9 =	sand.u32 $0x1FFF8, s9;
	s26 =	sshll.u32 s16, $0xD  }
0x13c: {  	[dreg:$0xd] =	wrdreg s16;
	s3 =	sor.u32 s28, s26;
	s26 =	spop @!p1 (v2sf)  }
0x13d: {  	[dreg:$0xa] =	wrdreg s9;
	s25 =	sand.u32 @!p1 $0x2000, s26;
	s28 =	spop (v2sf);
	[tilespmem:s18+$0x10510] =	vst v5  }
0x13e: {  	p2 =	seq.s32 @!p1 s25, $0x0;
	s25 =	sshrl.u32 s28, $0x7;
	s16 =	sand.u32 $0x1000000, s28;
	v5 =	vld.idx.msk [tilespmem:v44+s12+$0x0], $0xffff  }
0x13f: {  	v45 =	vor.u32 s20, v3;
	s28 =	sand.u32 $0x7F, s28;
	[dreg:$0x9] =	wrdreg s16;
	s31 =	sand.u32 $0x7, s25  }
0x140: {  	p1 =	por p2, p1;
	s9 =	sand.u32 $0x1FFF8, s25;
	[dreg:$0xb] =	wrdreg s31  }
0x141: {  	s21 =	sadd.s32 @!p1 $0xFFFFFFFF, s21;
	s26 =	sshll.u32 @!p1 s26, $0x7;
	s31 =	sshll.u32 s31, $0xD  }
0x142: {  	s21 =	sand.u32 @!p1 $0x7, s21;
	s16 =	sand.u32 @!p1 $0xFFF80, s26;
	s26 =	sor.u32 s28, s31  }
0x143: {  	s28 =	sshll.u32 @!p1 s21, $0xD;
	s31 =	sadd.s32 @!p1 $0x1, s21;
	s21 =	spop (v2sf);
	[tilespmem:s18+$0x10520] =	vst v5  }
0x144: {  	[dreg:$0x8] =	wrdreg s9;
	s16 =	sadd.s32 @!p1 s7, s16;
	s7 =	sshrl.u32 s21, $0x7;
	v5 =	vld.idx.msk [tilespmem:v45+s12+$0x0], $0xffff  }
0x145: {  	p2 =	seq.s32 s19, $0x0;
	s20 =	sand.u32 $0x1000000, s21;
	[dreg:$0x5] =	wrdreg s7  }
0x146: {  	s19 =	simm.s32 $0x0;
	[dreg:$0x6] =	wrdreg s20;
	s20 =	sand.u32 $0x7, s7  }
0x147: {  	s28 =	sor.u32 @!p1 $0x500, s28;
	s7 =	sand.u32 $0x1FFF8, s7;
	[dreg:$0x7] =	wrdreg s20  }
0x148: {  	s21 =	sand.u32 $0x7F, s21;
	[dreg:$0x4] =	wrdreg s7;
	s9 =	sshll.u32 s20, $0xD  }
0x149: {  	s20 =	smov.u32 s8;
	s21 =	sor.u32 s21, s9;
	s9 =	sadd.s32 $0x10500, s18;
	[tilespmem:s18+$0x10530] =	vst v5  }
0x14a: {  	[hbm4b:s10+s19] =	stream.linear.scatter [tilespmem:s9], [sflag:$0x9], $0x40, $0x38;
	[tilespmem:$0x18500] =	vst v63  }
0x14b: {  	s8 =	simm.s32 @!p1 $0x400;
	s7 =	simm.s32 @!p1 $0x7A1400;
	v5 =	vor.u32 s23, v0;
	s9 =	sadd.s32 @!p2 $0x1, s22  }
0x14c: {  	(v2sf) =	vpush @!p2 v4, $0x1;
	[tilespmem:s28], [sflag:s31] =	stream.strided.gather @!p1 [hbm4b:s16+s8], $0x2000, s7, s8, $0x38;
	[tilespmem:$0x18500] =	vst v63  }
0x14d: {  	_ =	swait.ge @!p2 [sflag:s9], $0x2000  }
0x14e: {  	[sflag:s9] =	ssyncset.done @!p2 $0x0  }
0x14f: {  	[sflag:s9] =	ssyncadd.s32 @!p2 $0xFFFFE000  }
0x150: {  	v5 =	vld.idx.msk [tilespmem:v5+s12+$0x0], $0xffff  }
0x151: {  	v46 =	vor.u32 s23, v1;
	_ =	sdelay $0x3  }
0x152: {  	[tilespmem:s18+$0x10540] =	vst v5  }
0x153: {  	v5 =	vld.idx.msk [tilespmem:v46+s12+$0x0], $0xffff  }
0x154: {  	v47 =	vor.u32 s23, v2;
	_ =	sdelay $0x3  }
0x155: {  	[tilespmem:s18+$0x10550] =	vst v5  }
0x156: {  	v5 =	vld.idx.msk [tilespmem:v47+s12+$0x0], $0xffff  }
0x157: {  	v48 =	vor.u32 s23, v3;
	_ =	sdelay $0x2  }
0x158: {  	s7 =	spop @!p2 (v2sf)  }
0x159: {  	s8 =	sand.u32 @!p2 $0x2000, s7;
	[tilespmem:s18+$0x10560] =	vst v5  }
0x15a: {  	s4 =	sand.u32 $0x1FFF8, s30;
	p1 =	seq.s32 @!p2 s8, $0x0;
	v5 =	vld.idx.msk [tilespmem:v48+s12+$0x0], $0xffff  }
0x15b: {  	s4 =	sadd.s32 s29, s4;
	s28 =	sadd.s32 $0x10540, s18;
	p1 =	por p1, p2  }
0x15c: {  	s31 =	simm.s32 $0x0;
	s10 =	rddreg [dreg:$0x0];
	s8 =	sadd.s32 @!p1 $0xFFFFFFFF, s30  }
0x15d: {  	s7 =	sshll.u32 @!p1 s7, $0x7;
	s16 =	simm.s32 @!p1 $0x400;
	s19 =	simm.s32 @!p1 $0x7A1400  }
0x15e: {  	s30 =	rddreg [dreg:$0x14];
	s8 =	sand.u32 @!p1 $0x7, s8;
	s7 =	sand.u32 @!p1 $0xFFF80, s7  }
0x15f: {  	p2 =	seq.s32 s30, $0x0;
	s9 =	sshll.u32 @!p1 s8, $0xD;
	s8 =	sadd.s32 @!p1 $0x1, s8;
	[tilespmem:s18+$0x10570] =	vst v5  }
0x160: {  	[hbm4b:s4+s31] =	stream.linear.scatter [tilespmem:s28], [sflag:$0x9], $0x40, $0x38;
	[tilespmem:$0x18500] =	vst v63  }
0x161: {  	s7 =	sadd.s32 @!p1 s10, s7;
	s9 =	sor.u32 @!p1 $0x500, s9;
	v5 =	vor.u32 s13, v0;
	s4 =	sadd.s32 @!p2 $0x1, s24  }
0x162: {  	(v2sf) =	vpush @!p2 v4, $0x2;
	[tilespmem:s9], [sflag:s8] =	stream.strided.gather @!p1 [hbm4b:s7+s16], $0x2000, s19, s16, $0x38;
	[tilespmem:$0x18500] =	vst v63  }
0x163: {  	_ =	swait.ge @!p2 [sflag:s4], $0x2000  }
0x164: {  	[sflag:s4] =	ssyncset.done @!p2 $0x0  }
0x165: {  	[sflag:s4] =	ssyncadd.s32 @!p2 $0xFFFFE000  }
0x166: {  	v5 =	vld.idx.msk [tilespmem:v5+s12+$0x0], $0xffff  }
0x167: {  	v49 =	vor.u32 s13, v1;
	_ =	sdelay $0x3  }
0x168: {  	[tilespmem:s18+$0x10580] =	vst v5  }
0x169: {  	v5 =	vld.idx.msk [tilespmem:v49+s12+$0x0], $0xffff  }
0x16a: {  	v50 =	vor.u32 s13, v2;
	_ =	sdelay $0x3  }
0x16b: {  	[tilespmem:s18+$0x10590] =	vst v5  }
0x16c: {  	v5 =	vld.idx.msk [tilespmem:v50+s12+$0x0], $0xffff  }
0x16d: {  	v51 =	vor.u32 s13, v3;
	_ =	sdelay $0x3  }
0x16e: {  	s4 =	spop @!p2 (v2sf);
	[tilespmem:s18+$0x105A0] =	vst v5  }
0x16f: {  	s23 =	sadd.s32 $0x10580, s18;
	s24 =	rddreg [dreg:$0x12];
	s7 =	sand.u32 @!p2 $0x2000, s4;
	v5 =	vld.idx.msk [tilespmem:v51+s12+$0x0], $0xffff  }
0x170: {  	s30 =	simm.s32 $0x0;
	s28 =	rddreg [dreg:$0x13];
	p1 =	seq.s32 @!p2 s7, $0x0  }
0x171: {  	s9 =	sadd.s32 s29, s24;
	s8 =	rddreg [dreg:$0x0];
	p1 =	por p1, p2  }
0x172: {  	p2 =	seq.s32 s28, $0x0;
	s0 =	sadd.s32 @!p1 $0xFFFFFFFF, s0;
	s4 =	sshll.u32 @!p1 s4, $0x7  }
0x173: {  	s10 =	simm.s32 @!p1 $0x400;
	s13 =	simm.s32 @!p1 $0x7A1400;
	s0 =	sand.u32 @!p1 $0x7, s0  }
0x174: {  	s2 =	sadd.s32 @!p2 $0x1, s2;
	s4 =	sand.u32 @!p1 $0xFFF80, s4;
	s7 =	sshll.u32 @!p1 s0, $0xD;
	[tilespmem:s18+$0x105B0] =	vst v5  }
0x175: {  	[hbm4b:s9+s30] =	stream.linear.scatter [tilespmem:s23], [sflag:$0x9], $0x40, $0x38;
	[tilespmem:$0x18500] =	vst v63  }
0x176: {  	s0 =	sadd.s32 @!p1 $0x1, s0;
	s4 =	sadd.s32 @!p1 s8, s4;
	s7 =	sor.u32 @!p1 $0x500, s7;
	v5 =	vor.u32 s1, v0  }
0x177: {  	(v2sf) =	vpush @!p2 v4, $0x3;
	[tilespmem:s7], [sflag:s0] =	stream.strided.gather @!p1 [hbm4b:s4+s10], $0x2000, s13, s10, $0x38;
	[tilespmem:$0x18500] =	vst v63  }
0x178: {  	_ =	swait.ge @!p2 [sflag:s2], $0x2000  }
0x179: {  	[sflag:s2] =	ssyncset.done @!p2 $0x0  }
0x17a: {  	[sflag:s2] =	ssyncadd.s32 @!p2 $0xFFFFE000  }
0x17b: {  	v5 =	vld.idx.msk [tilespmem:v5+s12+$0x0], $0xffff  }
0x17c: {  	v52 =	vor.u32 s1, v1;
	_ =	sdelay $0x3  }
0x17d: {  	[tilespmem:s18+$0x105C0] =	vst v5  }
0x17e: {  	v5 =	vld.idx.msk [tilespmem:v52+s12+$0x0], $0xffff  }
0x17f: {  	v53 =	vor.u32 s1, v2;
	_ =	sdelay $0x3  }
0x180: {  	[tilespmem:s18+$0x105D0] =	vst v5  }
0x181: {  	v5 =	vld.idx.msk [tilespmem:v53+s12+$0x0], $0xffff  }
0x182: {  	v54 =	vor.u32 s1, v3;
	_ =	sdelay $0x3  }
0x183: {  	s0 =	spop @!p2 (v2sf);
	[tilespmem:s18+$0x105E0] =	vst v5  }
0x184: {  	s31 =	sadd.s32 $0x105C0, s18;
	s9 =	rddreg [dreg:$0x10];
	s2 =	sand.u32 @!p2 $0x2000, s0;
	v5 =	vld.idx.msk [tilespmem:v54+s12+$0x0], $0xffff  }
0x185: {  	s13 =	simm.s32 $0x0;
	s10 =	rddreg [dreg:$0x11];
	p1 =	seq.s32 @!p2 s2, $0x0  }
0x186: {  	s7 =	sadd.s32 s29, s9;
	s4 =	rddreg [dreg:$0x0];
	p1 =	por p1, p2  }
0x187: {  	p2 =	seq.s32 s10, $0x0;
	s2 =	sadd.s32 @!p1 $0xFFFFFFFF, s14;
	s0 =	sshll.u32 @!p1 s0, $0x7  }
0x188: {  	s8 =	simm.s32 @!p1 $0x400;
	s1 =	sand.u32 @!p1 $0x7, s2;
	s0 =	sand.u32 @!p1 $0xFFF80, s0  }
0x189: {  	s5 =	sadd.s32 @!p2 $0x1, s5;
	s2 =	sshll.u32 @!p1 s1, $0xD;
	s0 =	sadd.s32 @!p1 s4, s0;
	[tilespmem:s18+$0x105F0] =	vst v5  }
0x18a: {  	[hbm4b:s7+s13] =	stream.linear.scatter [tilespmem:s31], [sflag:$0x9], $0x40, $0x38;
	[tilespmem:$0x18500] =	vst v63  }
0x18b: {  	s1 =	sadd.s32 @!p1 $0x1, s1;
	s4 =	simm.s32 @!p1 $0x7A1400;
	s2 =	sor.u32 @!p1 $0x500, s2;
	v5 =	vor.u32 s6, v0  }
0x18c: {  	(v2sf) =	vpush @!p2 v4, $0x4;
	[tilespmem:s2], [sflag:s1] =	stream.strided.gather @!p1 [hbm4b:s0+s8], $0x2000, s4, s8, $0x38;
	[tilespmem:$0x18500] =	vst v63  }
0x18d: {  	_ =	swait.ge @!p2 [sflag:s5], $0x2000  }
0x18e: {  	[sflag:s5] =	ssyncset.done @!p2 $0x0  }
0x18f: {  	[sflag:s5] =	ssyncadd.s32 @!p2 $0xFFFFE000  }
0x190: {  	v5 =	vld.idx.msk [tilespmem:v5+s12+$0x0], $0xffff  }
0x191: {  	v55 =	vor.u32 s6, v1;
	_ =	sdelay $0x3  }
0x192: {  	[tilespmem:s18+$0x10600] =	vst v5  }
0x193: {  	v5 =	vld.idx.msk [tilespmem:v55+s12+$0x0], $0xffff  }
0x194: {  	v56 =	vor.u32 s6, v2;
	_ =	sdelay $0x3  }
0x195: {  	[tilespmem:s18+$0x10610] =	vst v5  }
0x196: {  	v5 =	vld.idx.msk [tilespmem:v56+s12+$0x0], $0xffff  }
0x197: {  	v57 =	vor.u32 s6, v3;
	_ =	sdelay $0x3  }
0x198: {  	s0 =	spop @!p2 (v2sf);
	[tilespmem:s18+$0x10620] =	vst v5  }
0x199: {  	s14 =	sadd.s32 $0x10600, s18;
	s16 =	rddreg [dreg:$0xe];
	s1 =	sand.u32 @!p2 $0x2000, s0;
	v5 =	vld.idx.msk [tilespmem:v57+s12+$0x0], $0xffff  }
0x19a: {  	s19 =	rddreg [dreg:$0xf];
	s5 =	sadd.s32 s29, s16;
	p1 =	seq.s32 @!p2 s1, $0x0  }
0x19b: {  	s4 =	rddreg [dreg:$0x0];
	p1 =	por p1, p2;
	p2 =	seq.s32 s19, $0x0  }
0x19c: {  	s1 =	sadd.s32 @!p1 $0xFFFFFFFF, s11;
	s0 =	sshll.u32 @!p1 s0, $0x7;
	s6 =	simm.s32 @!p1 $0x400  }
0x19d: {  	s7 =	simm.s32 @!p1 $0x7A1400;
	s1 =	sand.u32 @!p1 $0x7, s1;
	s0 =	sand.u32 @!p1 $0xFFF80, s0  }
0x19e: {  	s2 =	sshll.u32 @!p1 s1, $0xD;
	s0 =	sadd.s32 @!p1 s4, s0;
	s4 =	rddreg [dreg:$0xd];
	[tilespmem:s18+$0x10630] =	vst v5  }
0x19f: {  	[hbm4b:s5+s13] =	stream.linear.scatter [tilespmem:s14], [sflag:$0x9], $0x40, $0x38;
	[tilespmem:$0x18500] =	vst v63  }
0x1a0: {  	s1 =	sadd.s32 @!p1 $0x1, s1;
	s2 =	sor.u32 @!p1 $0x500, s2;
	s4 =	sadd.s32 @!p2 $0x1, s4;
	v5 =	vor.u32 s3, v0  }
0x1a1: {  	(v2sf) =	vpush @!p2 v4, $0x5;
	[tilespmem:s2], [sflag:s1] =	stream.strided.gather @!p1 [hbm4b:s0+s6], $0x2000, s7, s6, $0x38;
	[tilespmem:$0x18500] =	vst v63  }
0x1a2: {  	s7 =	rddreg [dreg:$0x0];
	_ =	swait.ge @!p2 [sflag:s4], $0x2000  }
0x1a3: {  	[sflag:s4] =	ssyncset.done @!p2 $0x0  }
0x1a4: {  	[sflag:s4] =	ssyncadd.s32 @!p2 $0xFFFFE000  }
0x1a5: {  	v5 =	vld.idx.msk [tilespmem:v5+s12+$0x0], $0xffff  }
0x1a6: {  	v58 =	vor.u32 s3, v1;
	_ =	sdelay $0x3  }
0x1a7: {  	[tilespmem:s18+$0x10640] =	vst v5  }
0x1a8: {  	v5 =	vld.idx.msk [tilespmem:v58+s12+$0x0], $0xffff  }
0x1a9: {  	v59 =	vor.u32 s3, v2;
	_ =	sdelay $0x3  }
0x1aa: {  	[tilespmem:s18+$0x10650] =	vst v5  }
0x1ab: {  	v5 =	vld.idx.msk [tilespmem:v59+s12+$0x0], $0xffff  }
0x1ac: {  	v60 =	vor.u32 s3, v3;
	_ =	sdelay $0x3  }
0x1ad: {  	s0 =	spop @!p2 (v2sf);
	s23 =	rddreg [dreg:$0xa];
	[tilespmem:s18+$0x10660] =	vst v5  }
0x1ae: {  	s24 =	rddreg [dreg:$0x9];
	s1 =	sand.u32 @!p2 $0x2000, s0;
	v5 =	vld.idx.msk [tilespmem:v60+s12+$0x0], $0xffff  }
0x1af: {  	s22 =	sadd.s32 $0x10640, s18;
	s3 =	rddreg [dreg:$0xb];
	p1 =	seq.s32 @!p2 s1, $0x0  }
0x1b0: {  	s4 =	sadd.s32 s29, s23;
	s1 =	rddreg [dreg:$0xc];
	p1 =	por p1, p2  }
0x1b1: {  	p2 =	seq.s32 s24, $0x0;
	s1 =	sadd.s32 @!p1 $0xFFFFFFFF, s1;
	s0 =	sshll.u32 @!p1 s0, $0x7  }
0x1b2: {  	s5 =	simm.s32 @!p1 $0x400;
	s6 =	simm.s32 @!p1 $0x7A1400;
	s1 =	sand.u32 @!p1 $0x7, s1  }
0x1b3: {  	s3 =	sadd.s32 @!p2 $0x1, s3;
	s0 =	sand.u32 @!p1 $0xFFF80, s0;
	s2 =	sshll.u32 @!p1 s1, $0xD;
	[tilespmem:s18+$0x10670] =	vst v5  }
0x1b4: {  	[hbm4b:s4+s13] =	stream.linear.scatter [tilespmem:s22], [sflag:$0x9], $0x40, $0x38;
	[tilespmem:$0x18500] =	vst v63  }
0x1b5: {  	s1 =	sadd.s32 @!p1 $0x1, s1;
	s0 =	sadd.s32 @!p1 s7, s0;
	s2 =	sor.u32 @!p1 $0x500, s2;
	v5 =	vor.u32 s26, v0  }
0x1b6: {  	(v2sf) =	vpush @!p2 v4, $0x6;
	[tilespmem:s2], [sflag:s1] =	stream.strided.gather @!p1 [hbm4b:s0+s5], $0x2000, s6, s5, $0x38;
	[tilespmem:$0x18500] =	vst v63  }
0x1b7: {  	_ =	swait.ge @!p2 [sflag:s3], $0x2000  }
0x1b8: {  	[sflag:s3] =	ssyncset.done @!p2 $0x0  }
0x1b9: {  	[sflag:s3] =	ssyncadd.s32 @!p2 $0xFFFFE000  }
0x1ba: {  	v5 =	vld.idx.msk [tilespmem:v5+s12+$0x0], $0xffff  }
0x1bb: {  	v61 =	vor.u32 s26, v1;
	_ =	sdelay $0x3  }
0x1bc: {  	[tilespmem:s18+$0x10680] =	vst v5  }
0x1bd: {  	v5 =	vld.idx.msk [tilespmem:v61+s12+$0x0], $0xffff  }
0x1be: {  	v62 =	vor.u32 s26, v2;
	_ =	sdelay $0x3  }
0x1bf: {  	[tilespmem:s18+$0x10690] =	vst v5  }
0x1c0: {  	v5 =	vld.idx.msk [tilespmem:v62+s12+$0x0], $0xffff  }
0x1c1: {  	v63 =	vor.u32 s26, v3;
	_ =	sdelay $0x3  }
0x1c2: {  	s0 =	spop @!p2 (v2sf);
	[tilespmem:s18+$0x106A0] =	vst v5  }
0x1c3: {  	s28 =	rddreg [dreg:$0x8];
	s1 =	sand.u32 @!p2 $0x2000, s0;
	v5 =	vld.idx.msk [tilespmem:v63+s12+$0x0], $0xffff  }
0x1c4: {  	s26 =	sadd.s32 $0x10680, s18;
	s30 =	rddreg [dreg:$0x6];
	p1 =	seq.s32 @!p2 s1, $0x0  }
0x1c5: {  	s4 =	sadd.s32 s29, s28;
	s3 =	rddreg [dreg:$0x7];
	p1 =	por p1, p2  }
0x1c6: {  	p2 =	seq.s32 s30, $0x0;
	s1 =	sadd.s32 @!p1 $0xFFFFFFFF, s25;
	s0 =	sshll.u32 @!p1 s0, $0x7  }
0x1c7: {  	s5 =	simm.s32 @!p1 $0x400;
	s6 =	simm.s32 @!p1 $0x7A1400;
	s1 =	sand.u32 @!p1 $0x7, s1  }
0x1c8: {  	s3 =	sadd.s32 @!p2 $0x1, s3;
	s0 =	sand.u32 @!p1 $0xFFF80, s0;
	s2 =	sshll.u32 @!p1 s1, $0xD;
	[tilespmem:s18+$0x106B0] =	vst v5  }
0x1c9: {  	[hbm4b:s4+s13] =	stream.linear.scatter [tilespmem:s26], [sflag:$0x9], $0x40, $0x38;
	[tilespmem:$0x18500] =	vst v63  }
0x1ca: {  	s1 =	sadd.s32 @!p1 $0x1, s1;
	s0 =	sadd.s32 @!p1 s7, s0;
	s2 =	sor.u32 @!p1 $0x500, s2;
	v5 =	vor.u32 s21, v0  }
0x1cb: {  	(v2sf) =	vpush @!p2 v4, $0x7;
	[tilespmem:s2], [sflag:s1] =	stream.strided.gather @!p1 [hbm4b:s0+s5], $0x2000, s6, s5, $0x38;
	[tilespmem:$0x18500] =	vst v63  }
0x1cc: {  	_ =	swait.ge @!p2 [sflag:s3], $0x2000  }
0x1cd: {  	[sflag:s3] =	ssyncset.done @!p2 $0x0  }
0x1ce: {  	[sflag:s3] =	ssyncadd.s32 @!p2 $0xFFFFE000  }
0x1cf: {  	v4 =	vld.idx.msk [tilespmem:v5+s12+$0x0], $0xffff  }
0x1d0: {  	v5 =	vor.u32 s21, v1;
	_ =	sdelay $0x3  }
0x1d1: {  	[tilespmem:s18+$0x106C0] =	vst v4  }
0x1d2: {  	v4 =	vld.idx.msk [tilespmem:v5+s12+$0x0], $0xffff  }
0x1d3: {  	v5 =	vor.u32 s21, v2;
	_ =	sdelay $0x3  }
0x1d4: {  	[tilespmem:s18+$0x106D0] =	vst v4  }
0x1d5: {  	v4 =	vld.idx.msk [tilespmem:v5+s12+$0x0], $0xffff  }
0x1d6: {  	v5 =	vor.u32 s21, v3;
	_ =	sdelay $0x2  }
0x1d7: {  	s15 =	sadd.s32 $0x800, s15;
	s0 =	spop @!p2 (v2sf)  }
0x1d8: {  	p0 =	sne.s32 s15, $0x20000;
	s17 =	sadd.s32 $0x8, s17;
	s1 =	sand.u32 @!p2 $0x2000, s0;
	[tilespmem:s18+$0x106E0] =	vst v4  }
0x1d9: {  	s8 =	sadd.s32 $0x8, s20;
	s31 =	rddreg [dreg:$0x4];
	p1 =	seq.s32 @!p2 s1, $0x0;
	v4 =	vld.idx.msk [tilespmem:v5+s12+$0x0], $0xffff  }
.Ltmp0:
0x1da: {  	s1 =	rddreg [dreg:$0x5];
	p1 =	por p1, p2;
	(pc) =	sbr.rel @p0 .LBB2_2-.Ltmp0, $4  }
0x1db: {  	s5 =	sadd.s32 s29, s31;
	s1 =	sadd.s32 @!p1 $0xFFFFFFFF, s1;
	s0 =	sshll.u32 @!p1 s0, $0x7  }
0x1dc: {  	s6 =	simm.s32 @!p1 $0x7A1400;
	s1 =	sand.u32 @!p1 $0x7, s1;
	s0 =	sand.u32 @!p1 $0xFFF80, s0  }
0x1dd: {  	s4 =	sshll.u32 @!p1 s1, $0xD;
	s2 =	sadd.s32 @!p1 $0x1, s1;
	s3 =	sadd.s32 @!p1 s7, s0  }
0x1de: {  	s1 =	sadd.s32 $0x106C0, s18;
	s0 =	simm.s32 @!p1 $0x400;
	s4 =	sor.u32 @!p1 $0x500, s4;
	[tilespmem:s18+$0x106F0] =	vst v4  }
0x1df: {  	[hbm4b:s5+s13] =	stream.linear.scatter [tilespmem:s1], [sflag:$0x9], $0x40, $0x38;
	[tilespmem:$0x18500] =	vst v63  }
0x1e0: {  	s1 =	simm.s32 $0x9  }
0x1e1: {  	[tilespmem:s4], [sflag:s2] =	stream.strided.gather @!p1 [hbm4b:s3+s0], $0x2000, s6, s0, $0x38;
	[tilespmem:$0x18500] =	vst v63  }
0x1e2: {  	_ =	swait.ge [sflag:s1], $0x40  }
0x1e3: {  	[sflag:s1] =	ssyncset.done $0x0  }
0x1e4: {  	[sflag:s1] =	ssyncadd.s32 $0xFFFFFFC0  }
0x1e5: {  	_ =	swait.ge [sflag:s1], $0x40  }
0x1e6: {  	[sflag:s1] =	ssyncset.done $0x0  }
0x1e7: {  	[sflag:s1] =	ssyncadd.s32 $0xFFFFFFC0  }
0x1e8: {  	_ =	swait.ge [sflag:s1], $0x40  }
0x1e9: {  	[sflag:s1] =	ssyncset.done $0x0  }
0x1ea: {  	[sflag:s1] =	ssyncadd.s32 $0xFFFFFFC0  }
0x1eb: {  	_ =	swait.ge [sflag:s1], $0x40  }
0x1ec: {  	[sflag:s1] =	ssyncset.done $0x0  }
0x1ed: {  	[sflag:s1] =	ssyncadd.s32 $0xFFFFFFC0  }
0x1ee: {  	_ =	swait.ge [sflag:s1], $0x40  }
0x1ef: {  	[sflag:s1] =	ssyncset.done $0x0  }
0x1f0: {  	[sflag:s1] =	ssyncadd.s32 $0xFFFFFFC0  }
0x1f1: {  	_ =	swait.ge [sflag:s1], $0x40  }
0x1f2: {  	[sflag:s1] =	ssyncset.done $0x0  }
0x1f3: {  	[sflag:s1] =	ssyncadd.s32 $0xFFFFFFC0  }
0x1f4: {  	_ =	swait.ge [sflag:s1], $0x40  }
0x1f5: {  	[sflag:s1] =	ssyncset.done $0x0  }
0x1f6: {  	[sflag:s1] =	ssyncadd.s32 $0xFFFFFFC0  }
0x1f7: {  	_ =	swait.ge [sflag:s1], $0x40  }
0x1f8: {  	s0 =	simm.s32 $0x0;
	[sflag:s1] =	ssyncset.done $0x0  }
.LBB2_4:
0x1f9: {  	s0 =	sadd.s32 $0x8, s0;
	[sflag:s1] =	ssyncadd.s32 $0xFFFFFFC0  }
0x1fa: {  	_ =	swait.ge [sflag:s1], $0x40;
	p0 =	slt.u32 s0, $0x1F8  }
0x1fb: {  	[sflag:s1] =	ssyncset.done $0x0  }
0x1fc: {  	[sflag:s1] =	ssyncadd.s32 $0xFFFFFFC0  }
0x1fd: {  	_ =	swait.ge [sflag:s1], $0x40  }
0x1fe: {  	[sflag:s1] =	ssyncset.done $0x0  }
0x1ff: {  	[sflag:s1] =	ssyncadd.s32 $0xFFFFFFC0  }
0x200: {  	_ =	swait.ge [sflag:s1], $0x40  }
0x201: {  	[sflag:s1] =	ssyncset.done $0x0  }
0x202: {  	[sflag:s1] =	ssyncadd.s32 $0xFFFFFFC0  }
0x203: {  	_ =	swait.ge [sflag:s1], $0x40  }
0x204: {  	[sflag:s1] =	ssyncset.done $0x0  }
0x205: {  	[sflag:s1] =	ssyncadd.s32 $0xFFFFFFC0  }
0x206: {  	_ =	swait.ge [sflag:s1], $0x40  }
0x207: {  	[sflag:s1] =	ssyncset.done $0x0  }
0x208: {  	[sflag:s1] =	ssyncadd.s32 $0xFFFFFFC0  }
0x209: {  	_ =	swait.ge [sflag:s1], $0x40  }
0x20a: {  	[sflag:s1] =	ssyncset.done $0x0  }
0x20b: {  	[sflag:s1] =	ssyncadd.s32 $0xFFFFFFC0  }
.Ltmp1:
0x20c: {  	_ =	swait.ge [sflag:s1], $0x40;
	(pc) =	sbr.rel @p0 .LBB2_4-.Ltmp1, $4  }
0x20d: {  	[sflag:s1] =	ssyncset.done $0x0  }
0x20e: {  	[sflag:s1] =	ssyncadd.s32 $0xFFFFFFC0  }
0x20f: {  	_ =	swait.ge [sflag:s1], $0x40  }
0x210: {  	[sflag:s1] =	ssyncset.done $0x0  }
0x211: {  	s2 =	rddreg [dreg:$0x18]  }
0x212: {  	s0 =	rddreg [dreg:$0x17];
	s2 =	sadd.s32 $0x1, s2  }
0x213: {  	p0 =	sne.s32 s2, s0  }
.Ltmp2:
0x214: {  	_ = 	snop;
	(pc) =	sbr.rel @p0 .LBB2_1-.Ltmp2, $2  }
0x215: {  	_ =	sdelay $0x2  }
0x216: {  	[sflag:s1] =	ssyncadd.s32 $0xFFFFFFC0  }
0x217: {  	_ =	sfence.sel $0x180000  }
0x218: {  	[bflag:$0x0] =	sbarrier.arrive $0xFFFF  }
0x219: {  	_ =	strace $0x9000004A  }
0x21a: {  	s0 =	stileid.u32;
	[bflag:$0x2] =	sbarrier.arrive $0xFFFF  }
0x21b: {  	p0 =	sne.s32 s0, $0x0;
	s0 =	rddreg [dreg:$0x3]  }
0x21c: {  	s0 =	sadd.s32 @!p0 $0x100000, s0  }
0x21d: {  	[sflag:s0] =	ssyncadd.tile.s32 @!p0 $0x1;
	_ =	shalt  }
.Lfunc_end2:
_tile_overlayer_lowered:
.L_overlay_start_2:
0x21e: {  	(tag) =	ssettag $0x2  }
0x21f: {  	s0 =	rddreg [dreg:$0x0];
	s2 =	stileid.u32  }
0x220: {  	s1 =	rddreg [dreg:$0x1];
	p0 =	sne.s32 s2, $0x0  }
0x221: {  	s3 =	rddreg [dreg:$0x2];
	[bflag:$0x3] =	sbarrier.arrive $0xFFFF;
	s2 =	simm.s32 @!p0 $0x1C0A  }
0x222: {  	[timem:s3], [sflag:s2] =	dma.local @!p0 [hbm:s0], s1  }
0x223: {  	s0 =	simm.s32 @!p0 $0xA  }
0x224: {  	_ =	swait.ge @!p0 [sflag:s0], s1  }
0x225: {  	s1 =	ssub.s32 @!p0 $0x0, s1;
	[sflag:s0] =	ssyncset.done @!p0 $0x0  }
0x226: {  	[sflag:s0] =	ssyncadd.s32 @!p0 s1  }
0x227: {  	[bflag:$0x3] =	sbarrier.arrive $0xFFFF  }
0x228: {  	_ =	shalt  }

</sc_bundles>
